<compile_context>
chip_gen: v7x
topology: tpu7x:2x2x1
jax: 0.10.2.dev20260603
libtpu: 0.0.44.dev20260713+nightly
codegen_flags: <defaults>
</compile_context>

<pallas_src>
import functools

import jax
import jax.numpy as jnp
from jax import lax
from jax.experimental import pallas as pl
from jax.experimental.pallas import tpu as pltpu
from jax.experimental.pallas import tpu_sc as plsc

N_NODES = 10000
N_EDGES = 10000
N_INC = 320000
D = 128
H = 64
W = 64
CW = 16
NC = 2
NS = 16
K = 128
INC_PER_TILE = N_INC // NS
NB = -(-INC_PER_TILE // K)
TAIL = INC_PER_TILE - (NB - 1) * K
TRASH = N_NODES
ACC_ROWS = N_NODES + 8
RING = 4
ROWS_PER_TILE = N_NODES // NS
ECH = 125


def _make_sc_body(g_row, s_row):

    def body(table_hbm, hei_hbm, zrows_hbm, out_hbm,
             acc_shared, cacc_shared, iring, rows, ones, ebuf, cbuf,
             isem, gsem, ssem, csem):
        c = lax.axis_index("c")
        s = lax.axis_index("s")
        goff = c * N_NODES

        def fill(i, _):
            ones[i, pl.ds(0, CW)] = jnp.ones((16,), jnp.float32)
            return 0

        lax.fori_loop(0, K, fill, 0)

        def zfill(i, _):
            cbuf[i, pl.ds(0, CW)] = jnp.zeros((16,), jnp.float32)
            return 0

        lax.fori_loop(0, ECH, zfill, 0)

        pltpu.sync_copy(zrows_hbm, ebuf)
        for ch in range(ROWS_PER_TILE // ECH):
            base = s * ROWS_PER_TILE + ch * ECH
            pltpu.sync_copy(ebuf, acc_shared.at[pl.ds(base, ECH)])
            pltpu.sync_copy(cbuf, cacc_shared.at[pl.ds(base, ECH)])
        plsc.subcore_barrier()

        tile_base = s * INC_PER_TILE

        def fire_idx(j):
            slot = lax.rem(j, RING)
            is_tail = j == NB - 1

            @pl.when(jnp.logical_not(is_tail))
            def _():
                pltpu.async_copy(hei_hbm.at[:, pl.ds(tile_base + j * K, K)],
                                 iring.at[slot], isem.at[slot])

            @pl.when(is_tail)
            def _():
                pltpu.async_copy(
                    hei_hbm.at[:, pl.ds(tile_base + j * K, TAIL)],
                    iring.at[slot, :, pl.ds(0, TAIL)], isem.at[slot])
                for q in range(TAIL // 16, K // 16):
                    iring[slot, g_row, pl.ds(q * 16, 16)] = jnp.zeros(
                        (16,), jnp.int32)
                    iring[slot, s_row, pl.ds(q * 16, 16)] = jnp.full(
                        (16,), TRASH, jnp.int32)

        def wait_idx_and_prep(j):
            slot = lax.rem(j, RING)
            is_tail = j == NB - 1

            @pl.when(jnp.logical_not(is_tail))
            def _():
                pltpu.make_async_copy(
                    hei_hbm.at[:, pl.ds(tile_base + j * K, K)],
                    iring.at[slot], isem.at[slot]).wait()

            @pl.when(is_tail)
            def _():
                pltpu.make_async_copy(
                    hei_hbm.at[:, pl.ds(tile_base + j * K, TAIL)],
                    iring.at[slot, :, pl.ds(0, TAIL)], isem.at[slot]).wait()

            for q in range(K // 16):
                iring[slot, g_row, pl.ds(q * 16, 16)] = (
                    iring[slot, g_row, pl.ds(q * 16, 16)] + goff)

        def fire_gather(j):
            slot = lax.rem(j, RING)
            pltpu.async_copy(table_hbm.at[iring.at[slot, g_row]],
                             rows.at[slot], gsem.at[slot])

        def wait_gather(j):
            slot = lax.rem(j, RING)
            pltpu.make_async_copy(table_hbm.at[iring.at[slot, g_row]],
                                  rows.at[slot], gsem.at[slot]).wait()

        def fire_scatter(j):
            slot = lax.rem(j, RING)
            pltpu.async_copy(rows.at[slot], acc_shared.at[iring.at[slot, s_row]],
                             ssem.at[slot], add=True)
            pltpu.async_copy(ones, cacc_shared.at[iring.at[slot, s_row]],
                             csem.at[slot], add=True)

        def wait_scatter(j):
            slot = lax.rem(j, RING)
            pltpu.make_async_copy(rows.at[slot],
                                  acc_shared.at[iring.at[slot, s_row]],
                                  ssem.at[slot]).wait()
            pltpu.make_async_copy(ones, cacc_shared.at[iring.at[slot, s_row]],
                                  csem.at[slot]).wait()

        for t in range(RING):
            fire_idx(t)
        for g in range(2):
            wait_idx_and_prep(g)
            fire_gather(g)

        def step(j, _):
            @pl.when(jnp.logical_and(j >= 1, j - 1 + RING < NB))
            def _():
                wait_scatter(j - 1)
                fire_idx(j - 1 + RING)

            @pl.when(j + 2 < NB)
            def _():
                wait_idx_and_prep(j + 2)
                fire_gather(j + 2)

            wait_gather(j)
            fire_scatter(j)
            return 0

        lax.fori_loop(0, NB, step, 0)

        def drain(r, _):
            wait_scatter(r)
            return 0

        lax.fori_loop(NB - RING, NB, drain, 0)
        plsc.subcore_barrier()

        for ch in range(ROWS_PER_TILE // ECH):
            base = s * ROWS_PER_TILE + ch * ECH
            pltpu.sync_copy(acc_shared.at[pl.ds(base, ECH)], ebuf)
            pltpu.sync_copy(cacc_shared.at[pl.ds(base, ECH)], cbuf)

            def erow(i, _):
                cntv = cbuf[i, pl.ds(0, 16)]
                invv = jnp.where(cntv > 0.0, 1.0 / cntv, jnp.float32(0.0))
                for q in range(W // 16):
                    ebuf[i, pl.ds(q * 16, 16)] = (
                        ebuf[i, pl.ds(q * 16, 16)] * invv)
                return 0

            lax.fori_loop(0, ECH, erow, 0)
            pltpu.sync_copy(ebuf, out_hbm.at[c, pl.ds(base, ECH)])

    return body


@functools.partial(jax.jit, static_argnames=("g_row", "s_row"))
def _sc_pass(table, hei, zrows, *, g_row, s_row):
    mesh = plsc.VectorSubcoreMesh(core_axis_name="c", subcore_axis_name="s",
                                  num_cores=NC, num_subcores=NS)
    return pl.kernel(
        _make_sc_body(g_row, s_row),
        out_type=jax.ShapeDtypeStruct((NC, N_NODES, W), jnp.float32),
        mesh=mesh,
        scratch_types=[
            pltpu.VMEM_SHARED((ACC_ROWS, W), jnp.float32),
            pltpu.VMEM_SHARED((ACC_ROWS, CW), jnp.float32),
            pltpu.VMEM((RING, 2, K), jnp.int32),
            pltpu.VMEM((RING, K, W), jnp.float32),
            pltpu.VMEM((K, CW), jnp.float32),
            pltpu.VMEM((ECH, W), jnp.float32),
            pltpu.VMEM((ECH, CW), jnp.float32),
            pltpu.SemaphoreType.DMA((RING,)),
            pltpu.SemaphoreType.DMA((RING,)),
            pltpu.SemaphoreType.DMA((RING,)),
            pltpu.SemaphoreType.DMA((RING,)),
        ],
        compiler_params=pltpu.CompilerParams(use_tc_tiling_on_sc=False),
    )(table, hei, zrows)


def _table_body(x_ref, w_ref, o_ref):
    o_ref[...] = jnp.dot(x_ref[...], w_ref[0],
                         preferred_element_type=jnp.float32)


def _mlp_body(s2_ref, x_ref, bc_ref, wm_ref, bm_ref, g_ref, b_ref, o_ref):
    h = (jnp.dot(s2_ref[0], wm_ref[:H, :],
                 preferred_element_type=jnp.float32)
         + jnp.dot(s2_ref[1], wm_ref[H:, :],
                   preferred_element_type=jnp.float32)
         + jnp.dot(bc_ref[...], wm_ref[...],
                   preferred_element_type=jnp.float32))
    h = h + bm_ref[...]
    mean = jnp.mean(h, axis=0, keepdims=True)
    var = jnp.mean((h - mean) ** 2, axis=0, keepdims=True)
    h = (h - mean) * lax.rsqrt(var + 1e-5)
    h = g_ref[...] * h + b_ref[...]
    h = jnp.where(h >= 0, h, 0.01 * h)
    r = h + x_ref[...]
    o_ref[...] = jnp.where(r >= 0, r, 0.01 * r)


def kernel(x, hyperedge_index, W_conv, b_conv, W_mlp, b_mlp, gamma, beta):
    hei = hyperedge_index.astype(jnp.int32)

    table1 = pl.pallas_call(
        _table_body,
        grid=(NC,),
        in_specs=[
            pl.BlockSpec((N_NODES, D), lambda c: (0, 0)),
            pl.BlockSpec((1, D, H), lambda c: (c, 0, 0)),
        ],
        out_specs=pl.BlockSpec((N_NODES, W), lambda c: (c, 0)),
        out_shape=jax.ShapeDtypeStruct((NC * N_NODES, W), jnp.float32),
    )(x, jnp.stack([W_conv[:, :H], W_conv[:, H:]]))

    zrows = jnp.zeros((ECH, W), jnp.float32)

    s1 = _sc_pass(table1, hei, zrows, g_row=0, s_row=1)
    s2 = _sc_pass(s1.reshape(NC * N_NODES, W), hei, zrows, g_row=1, s_row=0)

    return pl.pallas_call(
        _mlp_body,
        out_shape=jax.ShapeDtypeStruct((N_NODES, D), jnp.float32),
    )(s2, x, b_conv.reshape(1, D), W_mlp, b_mlp.reshape(1, D),
      gamma.reshape(1, D), beta.reshape(1, D))

# --- scband reference (transcript-rebuilt; emitter-appended) ---
"""Pipeline reference for scband-hyper-particle-net-block-25039659336450 (READ-ONLY COPY).

The authoritative reference and input builder live on the scoring server;
editing this copy changes nothing except your own understanding.
"""

import jax, jax.numpy as jnp
import numpy as np

N_NODES = 10000
N_HYPEREDGES = 10000
N_INCIDENCE = 320000
D_IN = 128
D_OUT = 128


def setup_inputs(seed: int = 0) -> dict:
    key = jax.random.key(seed)
    k1, k2, k3, k4, k5, k6 = jax.random.split(key, 6)
    x = jax.random.normal(k1, (N_NODES, D_IN), dtype=jnp.float32)
    node_idx = jax.random.randint(k2, (N_INCIDENCE,), 0, N_NODES, dtype=jnp.int64)
    edge_idx = jax.random.randint(k3, (N_INCIDENCE,), 0, N_HYPEREDGES, dtype=jnp.int64)
    hyperedge_index = jnp.stack([node_idx, edge_idx], axis=0)
    # HypergraphConv params: lin (no bias) + separate bias
    W_conv = jax.random.normal(k4, (D_IN, D_OUT), dtype=jnp.float32) * (1.0 / np.sqrt(D_IN))
    b_conv = jnp.zeros((D_OUT,), dtype=jnp.float32)
    # MLP Linear params
    W_mlp = jax.random.normal(k5, (D_OUT, D_OUT), dtype=jnp.float32) * (1.0 / np.sqrt(D_OUT))
    b_mlp = jax.random.normal(k6, (D_OUT,), dtype=jnp.float32) * 0.01
    # BatchNorm1d affine params
    gamma = jnp.ones((D_OUT,), dtype=jnp.float32)
    beta = jnp.zeros((D_OUT,), dtype=jnp.float32)
    return {"x": x, "hyperedge_index": hyperedge_index, "W_conv": W_conv, "b_conv": b_conv, "W_mlp": W_mlp, "b_mlp": b_mlp, "gamma": gamma, "beta": beta}


def _leaky_relu(v, slope=0.01):
    return jnp.where(v >= 0, v, slope * v)


def _hypergraph_conv(x, hyperedge_index, W_conv, b_conv):
    node_idx = hyperedge_index[0]
    edge_idx = hyperedge_index[1]
    xw = x @ W_conv
    ones = jnp.ones(node_idx.shape, dtype=xw.dtype)
    # D: node degree (sum of hyperedge_weight=1 over incident hyperedges)
    D = jax.ops.segment_sum(ones, node_idx, num_segments=N_NODES)
    Dinv = jnp.where(D > 0, 1.0 / D, 0.0)
    # B: hyperedge degree (number of nodes in hyperedge)
    B = jax.ops.segment_sum(ones, edge_idx, num_segments=N_HYPEREDGES)
    Binv = jnp.where(B > 0, 1.0 / B, 0.0)
    # propagate node -> hyperedge with norm B
    msg1 = Binv[edge_idx][:, None] * xw[node_idx]
    m = jax.ops.segment_sum(msg1, edge_idx, num_segments=N_HYPEREDGES)
    # propagate hyperedge -> node with norm D
    msg2 = Dinv[node_idx][:, None] * m[edge_idx]
    out = jax.ops.segment_sum(msg2, node_idx, num_segments=N_NODES)
    return out + b_conv


def reference(x, hyperedge_index, W_conv, b_conv, W_mlp, b_mlp, gamma, beta):
    out = _hypergraph_conv(x, hyperedge_index, W_conv, b_conv)
    # MLP: Linear -> BatchNorm1d (training mode, batch stats) -> LeakyReLU
    h = out @ W_mlp + b_mlp
    mean = jnp.mean(h, axis=0)
    var = jnp.mean((h - mean) ** 2, axis=0)  # biased variance, as torch BN uses for normalization
    h = (h - mean) / jnp.sqrt(var + 1e-5)
    h = gamma * h + beta
    h = _leaky_relu(h)
    # residual: Identity since in_channels == out_channels
    res = x
    return _leaky_relu(h + res)

if __name__ == "__main__":
    import jax
    _d = setup_inputs()
    print(jax.jit(kernel)(*tuple(_d.values())))

</pallas_src>

<mosaic_0001>
#map = affine_map<(d0, d1) -> (0, 0)>
#map1 = affine_map<(d0, d1) -> (0, 0, 0)>
module attributes {stable_mosaic.version = 14 : i64} {
  func.func @body(%arg0: i32, %arg1: i32, %arg2: memref<20000x64xf32, #tpu.memory_space<hbm>>, %arg3: memref<2x320000xi32, #tpu.memory_space<hbm>>, %arg4: memref<125x64xf32, #tpu.memory_space<hbm>>, %arg5: memref<2x10000x64xf32, #tpu.memory_space<hbm>>, %arg6: memref<10008x64xf32, #tpu.memory_space<vmem_shared>>, %arg7: memref<10008x16xf32, #tpu.memory_space<vmem_shared>>, %arg8: memref<4x2x128xi32, #tpu.memory_space<vmem>>, %arg9: memref<4x128x64xf32, #tpu.memory_space<vmem>>, %arg10: memref<128x16xf32, #tpu.memory_space<vmem>>, %arg11: memref<125x64xf32, #tpu.memory_space<vmem>>, %arg12: memref<125x16xf32, #tpu.memory_space<vmem>>, %arg13: memref<4x!tpu.dma_semaphore, #tpu.memory_space<semaphore_mem>>, %arg14: memref<4x!tpu.dma_semaphore, #tpu.memory_space<semaphore_mem>>, %arg15: memref<4x!tpu.dma_semaphore, #tpu.memory_space<semaphore_mem>>, %arg16: memref<4x!tpu.dma_semaphore, #tpu.memory_space<semaphore_mem>>) attributes {dimension_semantics = [#tpu.dimension_semantics<core_parallel>, #tpu.dimension_semantics<subcore_parallel>], iteration_bounds = array<i64: 2, 16>, scalar_prefetch = 0 : i64, scratch_operands = 11 : i64, tpu.core_type = #tpu.core_type<sc_vector_subcore>, window_params = [{transform_indices = #map}, {transform_indices = #map}, {transform_indices = #map}, {transform_indices = #map1}]} {
    %mul3A = arith.constant 10000 : i32
    %mul3A_0 = arith.muli %arg0, %mul3A : i32
    %scan3A = arith.constant 0 : i32
    %scan3A_1 = arith.constant 0 : i32
    %scan3A_2 = arith.constant 128 : i32
    %scan3A_3 = arith.addi %scan3A_1, %scan3A_2 : i32
    %scan3A_4 = arith.constant 1 : i32
    %scan3A_5 = scf.for %scan3A_424 = %scan3A_1 to %scan3A_3 step %scan3A_4 iter_args(%scan3A_425 = %scan3A) -> (i32)  : i32 {
      %broadcast_in_dim3A = arith.constant 1.000000e+00 : f32
      %broadcast_in_dim3A_426 = vector.broadcast %broadcast_in_dim3A : f32 to vector<16xf32>
      %swap3A_427 = arith.index_cast %scan3A_424 : i32 to index
      %swap3A_428 = arith.constant 0 : index
      %swap3A_429 = tpu.vector_load %arg10[%swap3A_427, %swap3A_428] {strides = array<i32>} : memref<128x16xf32, #tpu.memory_space<vmem>>, vector<1x16xf32>,
      %swap3A_430 = vector.shape_cast %swap3A_429 : vector<1x16xf32> to vector<16xf32>
      %swap3A_431 = vector.shape_cast %broadcast_in_dim3A_426 : vector<16xf32> to vector<1x16xf32>
      tpu.vector_store %arg10[%swap3A_427, %swap3A_428], %swap3A_431 {strides = array<i32>} : memref<128x16xf32, #tpu.memory_space<vmem>>, vector<1x16xf32>,
      %scan3A_432 = arith.constant 0 : i32
      scf.yield %scan3A_432 : i32
    }
    %scan3A_6 = arith.constant 128 : i32
    %scan3A_7 = arith.constant 0 : i32
    %scan3A_8 = arith.constant 0 : i32
    %scan3A_9 = arith.constant 125 : i32
    %scan3A_10 = arith.addi %scan3A_8, %scan3A_9 : i32
    %scan3A_11 = arith.constant 1 : i32
    %scan3A_12 = scf.for %scan3A_424 = %scan3A_8 to %scan3A_10 step %scan3A_11 iter_args(%scan3A_425 = %scan3A_7) -> (i32)  : i32 {
      %broadcast_in_dim3A = arith.constant 0.000000e+00 : f32
      %broadcast_in_dim3A_426 = vector.broadcast %broadcast_in_dim3A : f32 to vector<16xf32>
      %swap3A_427 = arith.index_cast %scan3A_424 : i32 to index
      %swap3A_428 = arith.constant 0 : index
      %swap3A_429 = tpu.vector_load %arg12[%swap3A_427, %swap3A_428] {strides = array<i32>} : memref<125x16xf32, #tpu.memory_space<vmem>>, vector<1x16xf32>,
      %swap3A_430 = vector.shape_cast %swap3A_429 : vector<1x16xf32> to vector<16xf32>
      %swap3A_431 = vector.shape_cast %broadcast_in_dim3A_426 : vector<16xf32> to vector<1x16xf32>
      tpu.vector_store %arg12[%swap3A_427, %swap3A_428], %swap3A_431 {strides = array<i32>} : memref<125x16xf32, #tpu.memory_space<vmem>>, vector<1x16xf32>,
      %scan3A_432 = arith.constant 0 : i32
      scf.yield %scan3A_432 : i32
    }
    %scan3A_13 = arith.constant 125 : i32
    "tpu.region"() ({
      %run_scoped3A = tpu.sem_alloc : memref<!tpu.dma_semaphore, #tpu.memory_space<semaphore_mem>>
      tpu.enqueue_dma source(%arg4 : memref<125x64xf32, #tpu.memory_space<hbm>>) target(%arg11 : memref<125x64xf32, #tpu.memory_space<vmem>>) target_semaphore(%run_scoped3A : memref<!tpu.dma_semaphore, #tpu.memory_space<semaphore_mem>>)
      tpu.wait_dma2 semaphore(%run_scoped3A : memref<!tpu.dma_semaphore, #tpu.memory_space<semaphore_mem>>) src(%arg4 : memref<125x64xf32, #tpu.memory_space<hbm>>) dst(%arg11 : memref<125x64xf32, #tpu.memory_space<vmem>>)
      tpu.yield
    }) : () -> ()
    %mul3A_14 = arith.constant 625 : i32
    %mul3A_15 = arith.muli %arg1, %mul3A_14 : i32
    %add3A = arith.constant 0 : i32
    %add3A_16 = arith.addi %mul3A_15, %add3A : i32
    "tpu.region"() ({
      %run_scoped3A = tpu.sem_alloc : memref<!tpu.dma_semaphore, #tpu.memory_space<semaphore_mem>>
      %dma_start3A_424 = arith.constant 0 : i32
      %dma_start3A_425 = tpu.memref_slice %arg6[%add3A_16, %dma_start3A_424] : memref<10008x64xf32, #tpu.memory_space<vmem_shared>> -> memref<125x64xf32, #tpu.memory_space<vmem_shared>>
      %dma_start3A_426 = arith.constant 0 : i32
      %dma_start3A_427 = tpu.memref_slice %arg6[%add3A_16, %dma_start3A_426] : memref<10008x64xf32, #tpu.memory_space<vmem_shared>> -> memref<125x64xf32, #tpu.memory_space<vmem_shared>>
      tpu.enqueue_dma source(%arg11 : memref<125x64xf32, #tpu.memory_space<vmem>>) target(%dma_start3A_427 : memref<125x64xf32, #tpu.memory_space<vmem_shared>>) target_semaphore(%run_scoped3A : memref<!tpu.dma_semaphore, #tpu.memory_space<semaphore_mem>>)
      %dma_wait3A = arith.constant 0 : i32
      %dma_wait3A_428 = tpu.memref_slice %arg6[%add3A_16, %dma_wait3A] : memref<10008x64xf32, #tpu.memory_space<vmem_shared>> -> memref<125x64xf32, #tpu.memory_space<vmem_shared>>
      %dma_wait3A_429 = arith.constant 0 : i32
      %dma_wait3A_430 = tpu.memref_slice %arg6[%add3A_16, %dma_wait3A_429] : memref<10008x64xf32, #tpu.memory_space<vmem_shared>> -> memref<125x64xf32, #tpu.memory_space<vmem_shared>>
      tpu.wait_dma2 semaphore(%run_scoped3A : memref<!tpu.dma_semaphore, #tpu.memory_space<semaphore_mem>>) src(%arg11 : memref<125x64xf32, #tpu.memory_space<vmem>>) dst(%dma_wait3A_430 : memref<125x64xf32, #tpu.memory_space<vmem_shared>>)
      tpu.yield
    }) : () -> ()
    "tpu.region"() ({
      %run_scoped3A = tpu.sem_alloc : memref<!tpu.dma_semaphore, #tpu.memory_space<semaphore_mem>>
      %dma_start3A_424 = arith.constant 0 : i32
      %dma_start3A_425 = tpu.memref_slice %arg7[%add3A_16, %dma_start3A_424] : memref<10008x16xf32, #tpu.memory_space<vmem_shared>> -> memref<125x16xf32, #tpu.memory_space<vmem_shared>>
      %dma_start3A_426 = arith.constant 0 : i32
      %dma_start3A_427 = tpu.memref_slice %arg7[%add3A_16, %dma_start3A_426] : memref<10008x16xf32, #tpu.memory_space<vmem_shared>> -> memref<125x16xf32, #tpu.memory_space<vmem_shared>>
      tpu.enqueue_dma source(%arg12 : memref<125x16xf32, #tpu.memory_space<vmem>>) target(%dma_start3A_427 : memref<125x16xf32, #tpu.memory_space<vmem_shared>>) target_semaphore(%run_scoped3A : memref<!tpu.dma_semaphore, #tpu.memory_space<semaphore_mem>>)
      %dma_wait3A = arith.constant 0 : i32
      %dma_wait3A_428 = tpu.memref_slice %arg7[%add3A_16, %dma_wait3A] : memref<10008x16xf32, #tpu.memory_space<vmem_shared>> -> memref<125x16xf32, #tpu.memory_space<vmem_shared>>
      %dma_wait3A_429 = arith.constant 0 : i32
      %dma_wait3A_430 = tpu.memref_slice %arg7[%add3A_16, %dma_wait3A_429] : memref<10008x16xf32, #tpu.memory_space<vmem_shared>> -> memref<125x16xf32, #tpu.memory_space<vmem_shared>>
      tpu.wait_dma2 semaphore(%run_scoped3A : memref<!tpu.dma_semaphore, #tpu.memory_space<semaphore_mem>>) src(%arg12 : memref<125x16xf32, #tpu.memory_space<vmem>>) dst(%dma_wait3A_430 : memref<125x16xf32, #tpu.memory_space<vmem_shared>>)
      tpu.yield
    }) : () -> ()
    %mul3A_17 = arith.constant 625 : i32
    %mul3A_18 = arith.muli %arg1, %mul3A_17 : i32
    %add3A_19 = arith.constant 125 : i32
    %add3A_20 = arith.addi %mul3A_18, %add3A_19 : i32
    "tpu.region"() ({
      %run_scoped3A = tpu.sem_alloc : memref<!tpu.dma_semaphore, #tpu.memory_space<semaphore_mem>>
      %dma_start3A_424 = arith.constant 0 : i32
      %dma_start3A_425 = tpu.memref_slice %arg6[%add3A_20, %dma_start3A_424] : memref<10008x64xf32, #tpu.memory_space<vmem_shared>> -> memref<125x64xf32, #tpu.memory_space<vmem_shared>>
      %dma_start3A_426 = arith.constant 0 : i32
      %dma_start3A_427 = tpu.memref_slice %arg6[%add3A_20, %dma_start3A_426] : memref<10008x64xf32, #tpu.memory_space<vmem_shared>> -> memref<125x64xf32, #tpu.memory_space<vmem_shared>>
      tpu.enqueue_dma source(%arg11 : memref<125x64xf32, #tpu.memory_space<vmem>>) target(%dma_start3A_427 : memref<125x64xf32, #tpu.memory_space<vmem_shared>>) target_semaphore(%run_scoped3A : memref<!tpu.dma_semaphore, #tpu.memory_space<semaphore_mem>>)
      %dma_wait3A = arith.constant 0 : i32
      %dma_wait3A_428 = tpu.memref_slice %arg6[%add3A_20, %dma_wait3A] : memref<10008x64xf32, #tpu.memory_space<vmem_shared>> -> memref<125x64xf32, #tpu.memory_space<vmem_shared>>
      %dma_wait3A_429 = arith.constant 0 : i32
      %dma_wait3A_430 = tpu.memref_slice %arg6[%add3A_20, %dma_wait3A_429] : memref<10008x64xf32, #tpu.memory_space<vmem_shared>> -> memref<125x64xf32, #tpu.memory_space<vmem_shared>>
      tpu.wait_dma2 semaphore(%run_scoped3A : memref<!tpu.dma_semaphore, #tpu.memory_space<semaphore_mem>>) src(%arg11 : memref<125x64xf32, #tpu.memory_space<vmem>>) dst(%dma_wait3A_430 : memref<125x64xf32, #tpu.memory_space<vmem_shared>>)
      tpu.yield
    }) : () -> ()
    "tpu.region"() ({
      %run_scoped3A = tpu.sem_alloc : memref<!tpu.dma_semaphore, #tpu.memory_space<semaphore_mem>>
      %dma_start3A_424 = arith.constant 0 : i32
      %dma_start3A_425 = tpu.memref_slice %arg7[%add3A_20, %dma_start3A_424] : memref<10008x16xf32, #tpu.memory_space<vmem_shared>> -> memref<125x16xf32, #tpu.memory_space<vmem_shared>>
      %dma_start3A_426 = arith.constant 0 : i32
      %dma_start3A_427 = tpu.memref_slice %arg7[%add3A_20, %dma_start3A_426] : memref<10008x16xf32, #tpu.memory_space<vmem_shared>> -> memref<125x16xf32, #tpu.memory_space<vmem_shared>>
      tpu.enqueue_dma source(%arg12 : memref<125x16xf32, #tpu.memory_space<vmem>>) target(%dma_start3A_427 : memref<125x16xf32, #tpu.memory_space<vmem_shared>>) target_semaphore(%run_scoped3A : memref<!tpu.dma_semaphore, #tpu.memory_space<semaphore_mem>>)
      %dma_wait3A = arith.constant 0 : i32
      %dma_wait3A_428 = tpu.memref_slice %arg7[%add3A_20, %dma_wait3A] : memref<10008x16xf32, #tpu.memory_space<vmem_shared>> -> memref<125x16xf32, #tpu.memory_space<vmem_shared>>
      %dma_wait3A_429 = arith.constant 0 : i32
      %dma_wait3A_430 = tpu.memref_slice %arg7[%add3A_20, %dma_wait3A_429] : memref<10008x16xf32, #tpu.memory_space<vmem_shared>> -> memref<125x16xf32, #tpu.memory_space<vmem_shared>>
      tpu.wait_dma2 semaphore(%run_scoped3A : memref<!tpu.dma_semaphore, #tpu.memory_space<semaphore_mem>>) src(%arg12 : memref<125x16xf32, #tpu.memory_space<vmem>>) dst(%dma_wait3A_430 : memref<125x16xf32, #tpu.memory_space<vmem_shared>>)
      tpu.yield
    }) : () -> ()
    %mul3A_21 = arith.constant 625 : i32
    %mul3A_22 = arith.muli %arg1, %mul3A_21 : i32
    %add3A_23 = arith.constant 250 : i32
    %add3A_24 = arith.addi %mul3A_22, %add3A_23 : i32
    "tpu.region"() ({
      %run_scoped3A = tpu.sem_alloc : memref<!tpu.dma_semaphore, #tpu.memory_space<semaphore_mem>>
      %dma_start3A_424 = arith.constant 0 : i32
      %dma_start3A_425 = tpu.memref_slice %arg6[%add3A_24, %dma_start3A_424] : memref<10008x64xf32, #tpu.memory_space<vmem_shared>> -> memref<125x64xf32, #tpu.memory_space<vmem_shared>>
      %dma_start3A_426 = arith.constant 0 : i32
      %dma_start3A_427 = tpu.memref_slice %arg6[%add3A_24, %dma_start3A_426] : memref<10008x64xf32, #tpu.memory_space<vmem_shared>> -> memref<125x64xf32, #tpu.memory_space<vmem_shared>>
      tpu.enqueue_dma source(%arg11 : memref<125x64xf32, #tpu.memory_space<vmem>>) target(%dma_start3A_427 : memref<125x64xf32, #tpu.memory_space<vmem_shared>>) target_semaphore(%run_scoped3A : memref<!tpu.dma_semaphore, #tpu.memory_space<semaphore_mem>>)
      %dma_wait3A = arith.constant 0 : i32
      %dma_wait3A_428 = tpu.memref_slice %arg6[%add3A_24, %dma_wait3A] : memref<10008x64xf32, #tpu.memory_space<vmem_shared>> -> memref<125x64xf32, #tpu.memory_space<vmem_shared>>
      %dma_wait3A_429 = arith.constant 0 : i32
      %dma_wait3A_430 = tpu.memref_slice %arg6[%add3A_24, %dma_wait3A_429] : memref<10008x64xf32, #tpu.memory_space<vmem_shared>> -> memref<125x64xf32, #tpu.memory_space<vmem_shared>>
      tpu.wait_dma2 semaphore(%run_scoped3A : memref<!tpu.dma_semaphore, #tpu.memory_space<semaphore_mem>>) src(%arg11 : memref<125x64xf32, #tpu.memory_space<vmem>>) dst(%dma_wait3A_430 : memref<125x64xf32, #tpu.memory_space<vmem_shared>>)
      tpu.yield
    }) : () -> ()
    "tpu.region"() ({
      %run_scoped3A = tpu.sem_alloc : memref<!tpu.dma_semaphore, #tpu.memory_space<semaphore_mem>>
      %dma_start3A_424 = arith.constant 0 : i32
      %dma_start3A_425 = tpu.memref_slice %arg7[%add3A_24, %dma_start3A_424] : memref<10008x16xf32, #tpu.memory_space<vmem_shared>> -> memref<125x16xf32, #tpu.memory_space<vmem_shared>>
      %dma_start3A_426 = arith.constant 0 : i32
      %dma_start3A_427 = tpu.memref_slice %arg7[%add3A_24, %dma_start3A_426] : memref<10008x16xf32, #tpu.memory_space<vmem_shared>> -> memref<125x16xf32, #tpu.memory_space<vmem_shared>>
      tpu.enqueue_dma source(%arg12 : memref<125x16xf32, #tpu.memory_space<vmem>>) target(%dma_start3A_427 : memref<125x16xf32, #tpu.memory_space<vmem_shared>>) target_semaphore(%run_scoped3A : memref<!tpu.dma_semaphore, #tpu.memory_space<semaphore_mem>>)
      %dma_wait3A = arith.constant 0 : i32
      %dma_wait3A_428 = tpu.memref_slice %arg7[%add3A_24, %dma_wait3A] : memref<10008x16xf32, #tpu.memory_space<vmem_shared>> -> memref<125x16xf32, #tpu.memory_space<vmem_shared>>
      %dma_wait3A_429 = arith.constant 0 : i32
      %dma_wait3A_430 = tpu.memref_slice %arg7[%add3A_24, %dma_wait3A_429] : memref<10008x16xf32, #tpu.memory_space<vmem_shared>> -> memref<125x16xf32, #tpu.memory_space<vmem_shared>>
      tpu.wait_dma2 semaphore(%run_scoped3A : memref<!tpu.dma_semaphore, #tpu.memory_space<semaphore_mem>>) src(%arg12 : memref<125x16xf32, #tpu.memory_space<vmem>>) dst(%dma_wait3A_430 : memref<125x16xf32, #tpu.memory_space<vmem_shared>>)
      tpu.yield
    }) : () -> ()
    %mul3A_25 = arith.constant 625 : i32
    %mul3A_26 = arith.muli %arg1, %mul3A_25 : i32
    %add3A_27 = arith.constant 375 : i32
    %add3A_28 = arith.addi %mul3A_26, %add3A_27 : i32
    "tpu.region"() ({
      %run_scoped3A = tpu.sem_alloc : memref<!tpu.dma_semaphore, #tpu.memory_space<semaphore_mem>>
      %dma_start3A_424 = arith.constant 0 : i32
      %dma_start3A_425 = tpu.memref_slice %arg6[%add3A_28, %dma_start3A_424] : memref<10008x64xf32, #tpu.memory_space<vmem_shared>> -> memref<125x64xf32, #tpu.memory_space<vmem_shared>>
      %dma_start3A_426 = arith.constant 0 : i32
      %dma_start3A_427 = tpu.memref_slice %arg6[%add3A_28, %dma_start3A_426] : memref<10008x64xf32, #tpu.memory_space<vmem_shared>> -> memref<125x64xf32, #tpu.memory_space<vmem_shared>>
      tpu.enqueue_dma source(%arg11 : memref<125x64xf32, #tpu.memory_space<vmem>>) target(%dma_start3A_427 : memref<125x64xf32, #tpu.memory_space<vmem_shared>>) target_semaphore(%run_scoped3A : memref<!tpu.dma_semaphore, #tpu.memory_space<semaphore_mem>>)
      %dma_wait3A = arith.constant 0 : i32
      %dma_wait3A_428 = tpu.memref_slice %arg6[%add3A_28, %dma_wait3A] : memref<10008x64xf32, #tpu.memory_space<vmem_shared>> -> memref<125x64xf32, #tpu.memory_space<vmem_shared>>
      %dma_wait3A_429 = arith.constant 0 : i32
      %dma_wait3A_430 = tpu.memref_slice %arg6[%add3A_28, %dma_wait3A_429] : memref<10008x64xf32, #tpu.memory_space<vmem_shared>> -> memref<125x64xf32, #tpu.memory_space<vmem_shared>>
      tpu.wait_dma2 semaphore(%run_scoped3A : memref<!tpu.dma_semaphore, #tpu.memory_space<semaphore_mem>>) src(%arg11 : memref<125x64xf32, #tpu.memory_space<vmem>>) dst(%dma_wait3A_430 : memref<125x64xf32, #tpu.memory_space<vmem_shared>>)
      tpu.yield
    }) : () -> ()
    "tpu.region"() ({
      %run_scoped3A = tpu.sem_alloc : memref<!tpu.dma_semaphore, #tpu.memory_space<semaphore_mem>>
      %dma_start3A_424 = arith.constant 0 : i32
      %dma_start3A_425 = tpu.memref_slice %arg7[%add3A_28, %dma_start3A_424] : memref<10008x16xf32, #tpu.memory_space<vmem_shared>> -> memref<125x16xf32, #tpu.memory_space<vmem_shared>>
      %dma_start3A_426 = arith.constant 0 : i32
      %dma_start3A_427 = tpu.memref_slice %arg7[%add3A_28, %dma_start3A_426] : memref<10008x16xf32, #tpu.memory_space<vmem_shared>> -> memref<125x16xf32, #tpu.memory_space<vmem_shared>>
      tpu.enqueue_dma source(%arg12 : memref<125x16xf32, #tpu.memory_space<vmem>>) target(%dma_start3A_427 : memref<125x16xf32, #tpu.memory_space<vmem_shared>>) target_semaphore(%run_scoped3A : memref<!tpu.dma_semaphore, #tpu.memory_space<semaphore_mem>>)
      %dma_wait3A = arith.constant 0 : i32
      %dma_wait3A_428 = tpu.memref_slice %arg7[%add3A_28, %dma_wait3A] : memref<10008x16xf32, #tpu.memory_space<vmem_shared>> -> memref<125x16xf32, #tpu.memory_space<vmem_shared>>
      %dma_wait3A_429 = arith.constant 0 : i32
      %dma_wait3A_430 = tpu.memref_slice %arg7[%add3A_28, %dma_wait3A_429] : memref<10008x16xf32, #tpu.memory_space<vmem_shared>> -> memref<125x16xf32, #tpu.memory_space<vmem_shared>>
      tpu.wait_dma2 semaphore(%run_scoped3A : memref<!tpu.dma_semaphore, #tpu.memory_space<semaphore_mem>>) src(%arg12 : memref<125x16xf32, #tpu.memory_space<vmem>>) dst(%dma_wait3A_430 : memref<125x16xf32, #tpu.memory_space<vmem_shared>>)
      tpu.yield
    }) : () -> ()
    %mul3A_29 = arith.constant 625 : i32
    %mul3A_30 = arith.muli %arg1, %mul3A_29 : i32
    %add3A_31 = arith.constant 500 : i32
    %add3A_32 = arith.addi %mul3A_30, %add3A_31 : i32
    "tpu.region"() ({
      %run_scoped3A = tpu.sem_alloc : memref<!tpu.dma_semaphore, #tpu.memory_space<semaphore_mem>>
      %dma_start3A_424 = arith.constant 0 : i32
      %dma_start3A_425 = tpu.memref_slice %arg6[%add3A_32, %dma_start3A_424] : memref<10008x64xf32, #tpu.memory_space<vmem_shared>> -> memref<125x64xf32, #tpu.memory_space<vmem_shared>>
      %dma_start3A_426 = arith.constant 0 : i32
      %dma_start3A_427 = tpu.memref_slice %arg6[%add3A_32, %dma_start3A_426] : memref<10008x64xf32, #tpu.memory_space<vmem_shared>> -> memref<125x64xf32, #tpu.memory_space<vmem_shared>>
      tpu.enqueue_dma source(%arg11 : memref<125x64xf32, #tpu.memory_space<vmem>>) target(%dma_start3A_427 : memref<125x64xf32, #tpu.memory_space<vmem_shared>>) target_semaphore(%run_scoped3A : memref<!tpu.dma_semaphore, #tpu.memory_space<semaphore_mem>>)
      %dma_wait3A = arith.constant 0 : i32
      %dma_wait3A_428 = tpu.memref_slice %arg6[%add3A_32, %dma_wait3A] : memref<10008x64xf32, #tpu.memory_space<vmem_shared>> -> memref<125x64xf32, #tpu.memory_space<vmem_shared>>
      %dma_wait3A_429 = arith.constant 0 : i32
      %dma_wait3A_430 = tpu.memref_slice %arg6[%add3A_32, %dma_wait3A_429] : memref<10008x64xf32, #tpu.memory_space<vmem_shared>> -> memref<125x64xf32, #tpu.memory_space<vmem_shared>>
      tpu.wait_dma2 semaphore(%run_scoped3A : memref<!tpu.dma_semaphore, #tpu.memory_space<semaphore_mem>>) src(%arg11 : memref<125x64xf32, #tpu.memory_space<vmem>>) dst(%dma_wait3A_430 : memref<125x64xf32, #tpu.memory_space<vmem_shared>>)
      tpu.yield
    }) : () -> ()
    "tpu.region"() ({
      %run_scoped3A = tpu.sem_alloc : memref<!tpu.dma_semaphore, #tpu.memory_space<semaphore_mem>>
      %dma_start3A_424 = arith.constant 0 : i32
      %dma_start3A_425 = tpu.memref_slice %arg7[%add3A_32, %dma_start3A_424] : memref<10008x16xf32, #tpu.memory_space<vmem_shared>> -> memref<125x16xf32, #tpu.memory_space<vmem_shared>>
      %dma_start3A_426 = arith.constant 0 : i32
      %dma_start3A_427 = tpu.memref_slice %arg7[%add3A_32, %dma_start3A_426] : memref<10008x16xf32, #tpu.memory_space<vmem_shared>> -> memref<125x16xf32, #tpu.memory_space<vmem_shared>>
      tpu.enqueue_dma source(%arg12 : memref<125x16xf32, #tpu.memory_space<vmem>>) target(%dma_start3A_427 : memref<125x16xf32, #tpu.memory_space<vmem_shared>>) target_semaphore(%run_scoped3A : memref<!tpu.dma_semaphore, #tpu.memory_space<semaphore_mem>>)
      %dma_wait3A = arith.constant 0 : i32
      %dma_wait3A_428 = tpu.memref_slice %arg7[%add3A_32, %dma_wait3A] : memref<10008x16xf32, #tpu.memory_space<vmem_shared>> -> memref<125x16xf32, #tpu.memory_space<vmem_shared>>
      %dma_wait3A_429 = arith.constant 0 : i32
      %dma_wait3A_430 = tpu.memref_slice %arg7[%add3A_32, %dma_wait3A_429] : memref<10008x16xf32, #tpu.memory_space<vmem_shared>> -> memref<125x16xf32, #tpu.memory_space<vmem_shared>>
      tpu.wait_dma2 semaphore(%run_scoped3A : memref<!tpu.dma_semaphore, #tpu.memory_space<semaphore_mem>>) src(%arg12 : memref<125x16xf32, #tpu.memory_space<vmem>>) dst(%dma_wait3A_430 : memref<125x16xf32, #tpu.memory_space<vmem_shared>>)
      tpu.yield
    }) : () -> ()
    %barrier3A = arith.constant 0 : index
    tpu.barrier barrier_id(%barrier3A)
    %mul3A_33 = arith.constant 20000 : i32
    %mul3A_34 = arith.muli %arg1, %mul3A_33 : i32
    %rem3A = arith.constant 0 : i32
    %rem3A_35 = arith.constant 4 : i32
    %rem3A_36 = arith.remsi %rem3A, %rem3A_35 : i32
    %not3A = arith.constant false
    %not3A_37 = arith.constant true
    %not3A_38 = arith.xori %not3A, %not3A_37 : i1
    %convert_element_type3A = arith.extui %not3A_38 : i1 to i32
    %cond3A = arith.constant 0 : i32
    %cond3A_39 = arith.cmpi ne, %convert_element_type3A, %cond3A : i32
    scf.if %cond3A_39 {
      %add3A_424 = arith.constant 0 : i32
      %add3A_425 = arith.addi %mul3A_34, %add3A_424 : i32
      %dma_start3A_426 = arith.constant 0 : i32
      %dma_start3A_427 = arith.constant 0 : i32
      %dma_start3A_428 = tpu.memref_slice %arg8[%rem3A_36, %dma_start3A_426, %dma_start3A_427] : memref<4x2x128xi32, #tpu.memory_space<vmem>> -> memref<1x2x128xi32, #tpu.memory_space<vmem>>
      %dma_start3A_429 = tpu.memref_squeeze %dma_start3A_428 : memref<1x2x128xi32, #tpu.memory_space<vmem>> -> memref<2x128xi32, #tpu.memory_space<vmem>>
      %dma_start3A_430 = arith.constant 0 : i32
      %dma_start3A_431 = tpu.memref_slice %arg3[%dma_start3A_430, %add3A_425] : memref<2x320000xi32, #tpu.memory_space<hbm>> -> memref<2x128xi32, #tpu.memory_space<hbm>>
      %dma_start3A_432 = tpu.memref_slice %arg13[%rem3A_36] : memref<4x!tpu.dma_semaphore, #tpu.memory_space<semaphore_mem>> -> memref<1x!tpu.dma_semaphore, #tpu.memory_space<semaphore_mem>>
      %dma_start3A_433 = tpu.memref_squeeze %dma_start3A_432 : memref<1x!tpu.dma_semaphore, #tpu.memory_space<semaphore_mem>> -> memref<!tpu.dma_semaphore, #tpu.memory_space<semaphore_mem>>
      %dma_start3A_434 = arith.constant 0 : i32
      %dma_start3A_435 = arith.constant 0 : i32
      %dma_start3A_436 = tpu.memref_slice %arg8[%rem3A_36, %dma_start3A_434, %dma_start3A_435] : memref<4x2x128xi32, #tpu.memory_space<vmem>> -> memref<1x2x128xi32, #tpu.memory_space<vmem>>
      %dma_start3A_437 = tpu.memref_squeeze %dma_start3A_436 : memref<1x2x128xi32, #tpu.memory_space<vmem>> -> memref<2x128xi32, #tpu.memory_space<vmem>>
      %dma_start3A_438 = arith.constant 0 : i32
      %dma_start3A_439 = tpu.memref_slice %arg3[%dma_start3A_438, %add3A_425] : memref<2x320000xi32, #tpu.memory_space<hbm>> -> memref<2x128xi32, #tpu.memory_space<hbm>>
      tpu.enqueue_dma source(%dma_start3A_439 : memref<2x128xi32, #tpu.memory_space<hbm>>) target(%dma_start3A_437 : memref<2x128xi32, #tpu.memory_space<vmem>>) target_semaphore(%dma_start3A_433 : memref<!tpu.dma_semaphore, #tpu.memory_space<semaphore_mem>>)
    } else {
    }
    %rem3A_40 = arith.constant 1 : i32
    %rem3A_41 = arith.constant 4 : i32
    %rem3A_42 = arith.remsi %rem3A_40, %rem3A_41 : i32
    %not3A_43 = arith.constant false
    %not3A_44 = arith.constant true
    %not3A_45 = arith.xori %not3A_43, %not3A_44 : i1
    %convert_element_type3A_46 = arith.extui %not3A_45 : i1 to i32
    %cond3A_47 = arith.constant 0 : i32
    %cond3A_48 = arith.cmpi ne, %convert_element_type3A_46, %cond3A_47 : i32
    scf.if %cond3A_48 {
      %add3A_424 = arith.constant 128 : i32
      %add3A_425 = arith.addi %mul3A_34, %add3A_424 : i32
      %dma_start3A_426 = arith.constant 0 : i32
      %dma_start3A_427 = arith.constant 0 : i32
      %dma_start3A_428 = tpu.memref_slice %arg8[%rem3A_42, %dma_start3A_426, %dma_start3A_427] : memref<4x2x128xi32, #tpu.memory_space<vmem>> -> memref<1x2x128xi32, #tpu.memory_space<vmem>>
      %dma_start3A_429 = tpu.memref_squeeze %dma_start3A_428 : memref<1x2x128xi32, #tpu.memory_space<vmem>> -> memref<2x128xi32, #tpu.memory_space<vmem>>
      %dma_start3A_430 = arith.constant 0 : i32
      %dma_start3A_431 = tpu.memref_slice %arg3[%dma_start3A_430, %add3A_425] : memref<2x320000xi32, #tpu.memory_space<hbm>> -> memref<2x128xi32, #tpu.memory_space<hbm>>
      %dma_start3A_432 = tpu.memref_slice %arg13[%rem3A_42] : memref<4x!tpu.dma_semaphore, #tpu.memory_space<semaphore_mem>> -> memref<1x!tpu.dma_semaphore, #tpu.memory_space<semaphore_mem>>
      %dma_start3A_433 = tpu.memref_squeeze %dma_start3A_432 : memref<1x!tpu.dma_semaphore, #tpu.memory_space<semaphore_mem>> -> memref<!tpu.dma_semaphore, #tpu.memory_space<semaphore_mem>>
      %dma_start3A_434 = arith.constant 0 : i32
      %dma_start3A_435 = arith.constant 0 : i32
      %dma_start3A_436 = tpu.memref_slice %arg8[%rem3A_42, %dma_start3A_434, %dma_start3A_435] : memref<4x2x128xi32, #tpu.memory_space<vmem>> -> memref<1x2x128xi32, #tpu.memory_space<vmem>>
      %dma_start3A_437 = tpu.memref_squeeze %dma_start3A_436 : memref<1x2x128xi32, #tpu.memory_space<vmem>> -> memref<2x128xi32, #tpu.memory_space<vmem>>
      %dma_start3A_438 = arith.constant 0 : i32
      %dma_start3A_439 = tpu.memref_slice %arg3[%dma_start3A_438, %add3A_425] : memref<2x320000xi32, #tpu.memory_space<hbm>> -> memref<2x128xi32, #tpu.memory_space<hbm>>
      tpu.enqueue_dma source(%dma_start3A_439 : memref<2x128xi32, #tpu.memory_space<hbm>>) target(%dma_start3A_437 : memref<2x128xi32, #tpu.memory_space<vmem>>) target_semaphore(%dma_start3A_433 : memref<!tpu.dma_semaphore, #tpu.memory_space<semaphore_mem>>)
    } else {
    }
    %rem3A_49 = arith.constant 2 : i32
    %rem3A_50 = arith.constant 4 : i32
    %rem3A_51 = arith.remsi %rem3A_49, %rem3A_50 : i32
    %not3A_52 = arith.constant false
    %not3A_53 = arith.constant true
    %not3A_54 = arith.xori %not3A_52, %not3A_53 : i1
    %convert_element_type3A_55 = arith.extui %not3A_54 : i1 to i32
    %cond3A_56 = arith.constant 0 : i32
    %cond3A_57 = arith.cmpi ne, %convert_element_type3A_55, %cond3A_56 : i32
    scf.if %cond3A_57 {
      %add3A_424 = arith.constant 256 : i32
      %add3A_425 = arith.addi %mul3A_34, %add3A_424 : i32
      %dma_start3A_426 = arith.constant 0 : i32
      %dma_start3A_427 = arith.constant 0 : i32
      %dma_start3A_428 = tpu.memref_slice %arg8[%rem3A_51, %dma_start3A_426, %dma_start3A_427] : memref<4x2x128xi32, #tpu.memory_space<vmem>> -> memref<1x2x128xi32, #tpu.memory_space<vmem>>
      %dma_start3A_429 = tpu.memref_squeeze %dma_start3A_428 : memref<1x2x128xi32, #tpu.memory_space<vmem>> -> memref<2x128xi32, #tpu.memory_space<vmem>>
      %dma_start3A_430 = arith.constant 0 : i32
      %dma_start3A_431 = tpu.memref_slice %arg3[%dma_start3A_430, %add3A_425] : memref<2x320000xi32, #tpu.memory_space<hbm>> -> memref<2x128xi32, #tpu.memory_space<hbm>>
      %dma_start3A_432 = tpu.memref_slice %arg13[%rem3A_51] : memref<4x!tpu.dma_semaphore, #tpu.memory_space<semaphore_mem>> -> memref<1x!tpu.dma_semaphore, #tpu.memory_space<semaphore_mem>>
      %dma_start3A_433 = tpu.memref_squeeze %dma_start3A_432 : memref<1x!tpu.dma_semaphore, #tpu.memory_space<semaphore_mem>> -> memref<!tpu.dma_semaphore, #tpu.memory_space<semaphore_mem>>
      %dma_start3A_434 = arith.constant 0 : i32
      %dma_start3A_435 = arith.constant 0 : i32
      %dma_start3A_436 = tpu.memref_slice %arg8[%rem3A_51, %dma_start3A_434, %dma_start3A_435] : memref<4x2x128xi32, #tpu.memory_space<vmem>> -> memref<1x2x128xi32, #tpu.memory_space<vmem>>
      %dma_start3A_437 = tpu.memref_squeeze %dma_start3A_436 : memref<1x2x128xi32, #tpu.memory_space<vmem>> -> memref<2x128xi32, #tpu.memory_space<vmem>>
      %dma_start3A_438 = arith.constant 0 : i32
      %dma_start3A_439 = tpu.memref_slice %arg3[%dma_start3A_438, %add3A_425] : memref<2x320000xi32, #tpu.memory_space<hbm>> -> memref<2x128xi32, #tpu.memory_space<hbm>>
      tpu.enqueue_dma source(%dma_start3A_439 : memref<2x128xi32, #tpu.memory_space<hbm>>) target(%dma_start3A_437 : memref<2x128xi32, #tpu.memory_space<vmem>>) target_semaphore(%dma_start3A_433 : memref<!tpu.dma_semaphore, #tpu.memory_space<semaphore_mem>>)
    } else {
    }
    %rem3A_58 = arith.constant 3 : i32
    %rem3A_59 = arith.constant 4 : i32
    %rem3A_60 = arith.remsi %rem3A_58, %rem3A_59 : i32
    %not3A_61 = arith.constant false
    %not3A_62 = arith.constant true
    %not3A_63 = arith.xori %not3A_61, %not3A_62 : i1
    %convert_element_type3A_64 = arith.extui %not3A_63 : i1 to i32
    %cond3A_65 = arith.constant 0 : i32
    %cond3A_66 = arith.cmpi ne, %convert_element_type3A_64, %cond3A_65 : i32
    scf.if %cond3A_66 {
      %add3A_424 = arith.constant 384 : i32
      %add3A_425 = arith.addi %mul3A_34, %add3A_424 : i32
      %dma_start3A_426 = arith.constant 0 : i32
      %dma_start3A_427 = arith.constant 0 : i32
      %dma_start3A_428 = tpu.memref_slice %arg8[%rem3A_60, %dma_start3A_426, %dma_start3A_427] : memref<4x2x128xi32, #tpu.memory_space<vmem>> -> memref<1x2x128xi32, #tpu.memory_space<vmem>>
      %dma_start3A_429 = tpu.memref_squeeze %dma_start3A_428 : memref<1x2x128xi32, #tpu.memory_space<vmem>> -> memref<2x128xi32, #tpu.memory_space<vmem>>
      %dma_start3A_430 = arith.constant 0 : i32
      %dma_start3A_431 = tpu.memref_slice %arg3[%dma_start3A_430, %add3A_425] : memref<2x320000xi32, #tpu.memory_space<hbm>> -> memref<2x128xi32, #tpu.memory_space<hbm>>
      %dma_start3A_432 = tpu.memref_slice %arg13[%rem3A_60] : memref<4x!tpu.dma_semaphore, #tpu.memory_space<semaphore_mem>> -> memref<1x!tpu.dma_semaphore, #tpu.memory_space<semaphore_mem>>
      %dma_start3A_433 = tpu.memref_squeeze %dma_start3A_432 : memref<1x!tpu.dma_semaphore, #tpu.memory_space<semaphore_mem>> -> memref<!tpu.dma_semaphore, #tpu.memory_space<semaphore_mem>>
      %dma_start3A_434 = arith.constant 0 : i32
      %dma_start3A_435 = arith.constant 0 : i32
      %dma_start3A_436 = tpu.memref_slice %arg8[%rem3A_60, %dma_start3A_434, %dma_start3A_435] : memref<4x2x128xi32, #tpu.memory_space<vmem>> -> memref<1x2x128xi32, #tpu.memory_space<vmem>>
      %dma_start3A_437 = tpu.memref_squeeze %dma_start3A_436 : memref<1x2x128xi32, #tpu.memory_space<vmem>> -> memref<2x128xi32, #tpu.memory_space<vmem>>
      %dma_start3A_438 = arith.constant 0 : i32
      %dma_start3A_439 = tpu.memref_slice %arg3[%dma_start3A_438, %add3A_425] : memref<2x320000xi32, #tpu.memory_space<hbm>> -> memref<2x128xi32, #tpu.memory_space<hbm>>
      tpu.enqueue_dma source(%dma_start3A_439 : memref<2x128xi32, #tpu.memory_space<hbm>>) target(%dma_start3A_437 : memref<2x128xi32, #tpu.memory_space<vmem>>) target_semaphore(%dma_start3A_433 : memref<!tpu.dma_semaphore, #tpu.memory_space<semaphore_mem>>)
    } else {
    }
    %rem3A_67 = arith.constant 0 : i32
    %rem3A_68 = arith.constant 4 : i32
    %rem3A_69 = arith.remsi %rem3A_67, %rem3A_68 : i32
    %not3A_70 = arith.constant false
    %not3A_71 = arith.constant true
    %not3A_72 = arith.xori %not3A_70, %not3A_71 : i1
    %convert_element_type3A_73 = arith.extui %not3A_72 : i1 to i32
    %cond3A_74 = arith.constant 0 : i32
    %cond3A_75 = arith.cmpi ne, %convert_element_type3A_73, %cond3A_74 : i32
    scf.if %cond3A_75 {
      %add3A_424 = arith.constant 0 : i32
      %add3A_425 = arith.addi %mul3A_34, %add3A_424 : i32
      %dma_wait3A = arith.constant 0 : i32
      %dma_wait3A_426 = arith.constant 0 : i32
      %dma_wait3A_427 = tpu.memref_slice %arg8[%rem3A_69, %dma_wait3A, %dma_wait3A_426] : memref<4x2x128xi32, #tpu.memory_space<vmem>> -> memref<1x2x128xi32, #tpu.memory_space<vmem>>
      %dma_wait3A_428 = tpu.memref_squeeze %dma_wait3A_427 : memref<1x2x128xi32, #tpu.memory_space<vmem>> -> memref<2x128xi32, #tpu.memory_space<vmem>>
      %dma_wait3A_429 = arith.constant 0 : i32
      %dma_wait3A_430 = tpu.memref_slice %arg3[%dma_wait3A_429, %add3A_425] : memref<2x320000xi32, #tpu.memory_space<hbm>> -> memref<2x128xi32, #tpu.memory_space<hbm>>
      %dma_wait3A_431 = tpu.memref_slice %arg13[%rem3A_69] : memref<4x!tpu.dma_semaphore, #tpu.memory_space<semaphore_mem>> -> memref<1x!tpu.dma_semaphore, #tpu.memory_space<semaphore_mem>>
      %dma_wait3A_432 = tpu.memref_squeeze %dma_wait3A_431 : memref<1x!tpu.dma_semaphore, #tpu.memory_space<semaphore_mem>> -> memref<!tpu.dma_semaphore, #tpu.memory_space<semaphore_mem>>
      %dma_wait3A_433 = arith.constant 0 : i32
      %dma_wait3A_434 = arith.constant 0 : i32
      %dma_wait3A_435 = tpu.memref_slice %arg8[%rem3A_69, %dma_wait3A_433, %dma_wait3A_434] : memref<4x2x128xi32, #tpu.memory_space<vmem>> -> memref<1x2x128xi32, #tpu.memory_space<vmem>>
      %dma_wait3A_436 = tpu.memref_squeeze %dma_wait3A_435 : memref<1x2x128xi32, #tpu.memory_space<vmem>> -> memref<2x128xi32, #tpu.memory_space<vmem>>
      %dma_wait3A_437 = arith.constant 0 : i32
      %dma_wait3A_438 = tpu.memref_slice %arg3[%dma_wait3A_437, %add3A_425] : memref<2x320000xi32, #tpu.memory_space<hbm>> -> memref<2x128xi32, #tpu.memory_space<hbm>>
      tpu.wait_dma2 semaphore(%dma_wait3A_432 : memref<!tpu.dma_semaphore, #tpu.memory_space<semaphore_mem>>) src(%dma_wait3A_438 : memref<2x128xi32, #tpu.memory_space<hbm>>) dst(%dma_wait3A_436 : memref<2x128xi32, #tpu.memory_space<vmem>>)
    } else {
    }
    %get3A = arith.constant 0 : i32
    %get3A_76 = arith.index_cast %rem3A_69 : i32 to index
    %get3A_77 = arith.index_cast %get3A : i32 to index
    %get3A_78 = arith.constant 0 : index
    %get3A_79 = tpu.vector_load %arg8[%get3A_76, %get3A_77, %get3A_78] {strides = array<i32>} : memref<4x2x128xi32, #tpu.memory_space<vmem>>, vector<1x1x16xi32>,
    %get3A_80 = vector.shape_cast %get3A_79 : vector<1x1x16xi32> to vector<16xi32>
    %add3A_81 = vector.broadcast %mul3A_0 : i32 to vector<16xi32>
    %add3A_82 = arith.addi %get3A_80, %add3A_81 : vector<16xi32>
    %swap3A = arith.constant 0 : i32
    %swap3A_83 = arith.index_cast %rem3A_69 : i32 to index
    %swap3A_84 = arith.index_cast %swap3A : i32 to index
    %swap3A_85 = arith.constant 0 : index
    %swap3A_86 = tpu.vector_load %arg8[%swap3A_83, %swap3A_84, %swap3A_85] {strides = array<i32>} : memref<4x2x128xi32, #tpu.memory_space<vmem>>, vector<1x1x16xi32>,
    %swap3A_87 = vector.shape_cast %swap3A_86 : vector<1x1x16xi32> to vector<16xi32>
    %swap3A_88 = vector.shape_cast %add3A_82 : vector<16xi32> to vector<1x1x16xi32>
    tpu.vector_store %arg8[%swap3A_83, %swap3A_84, %swap3A_85], %swap3A_88 {strides = array<i32>} : memref<4x2x128xi32, #tpu.memory_space<vmem>>, vector<1x1x16xi32>,
    %get3A_89 = arith.constant 0 : i32
    %get3A_90 = arith.index_cast %rem3A_69 : i32 to index
    %get3A_91 = arith.index_cast %get3A_89 : i32 to index
    %get3A_92 = arith.constant 16 : index
    %get3A_93 = tpu.vector_load %arg8[%get3A_90, %get3A_91, %get3A_92] {strides = array<i32>} : memref<4x2x128xi32, #tpu.memory_space<vmem>>, vector<1x1x16xi32>,
    %get3A_94 = vector.shape_cast %get3A_93 : vector<1x1x16xi32> to vector<16xi32>
    %add3A_95 = vector.broadcast %mul3A_0 : i32 to vector<16xi32>
    %add3A_96 = arith.addi %get3A_94, %add3A_95 : vector<16xi32>
    %swap3A_97 = arith.constant 0 : i32
    %swap3A_98 = arith.index_cast %rem3A_69 : i32 to index
    %swap3A_99 = arith.index_cast %swap3A_97 : i32 to index
    %swap3A_100 = arith.constant 16 : index
    %swap3A_101 = tpu.vector_load %arg8[%swap3A_98, %swap3A_99, %swap3A_100] {strides = array<i32>} : memref<4x2x128xi32, #tpu.memory_space<vmem>>, vector<1x1x16xi32>,
    %swap3A_102 = vector.shape_cast %swap3A_101 : vector<1x1x16xi32> to vector<16xi32>
    %swap3A_103 = vector.shape_cast %add3A_96 : vector<16xi32> to vector<1x1x16xi32>
    tpu.vector_store %arg8[%swap3A_98, %swap3A_99, %swap3A_100], %swap3A_103 {strides = array<i32>} : memref<4x2x128xi32, #tpu.memory_space<vmem>>, vector<1x1x16xi32>,
    %get3A_104 = arith.constant 0 : i32
    %get3A_105 = arith.index_cast %rem3A_69 : i32 to index
    %get3A_106 = arith.index_cast %get3A_104 : i32 to index
    %get3A_107 = arith.constant 32 : index
    %get3A_108 = tpu.vector_load %arg8[%get3A_105, %get3A_106, %get3A_107] {strides = array<i32>} : memref<4x2x128xi32, #tpu.memory_space<vmem>>, vector<1x1x16xi32>,
    %get3A_109 = vector.shape_cast %get3A_108 : vector<1x1x16xi32> to vector<16xi32>
    %add3A_110 = vector.broadcast %mul3A_0 : i32 to vector<16xi32>
    %add3A_111 = arith.addi %get3A_109, %add3A_110 : vector<16xi32>
    %swap3A_112 = arith.constant 0 : i32
    %swap3A_113 = arith.index_cast %rem3A_69 : i32 to index
    %swap3A_114 = arith.index_cast %swap3A_112 : i32 to index
    %swap3A_115 = arith.constant 32 : index
    %swap3A_116 = tpu.vector_load %arg8[%swap3A_113, %swap3A_114, %swap3A_115] {strides = array<i32>} : memref<4x2x128xi32, #tpu.memory_space<vmem>>, vector<1x1x16xi32>,
    %swap3A_117 = vector.shape_cast %swap3A_116 : vector<1x1x16xi32> to vector<16xi32>
    %swap3A_118 = vector.shape_cast %add3A_111 : vector<16xi32> to vector<1x1x16xi32>
    tpu.vector_store %arg8[%swap3A_113, %swap3A_114, %swap3A_115], %swap3A_118 {strides = array<i32>} : memref<4x2x128xi32, #tpu.memory_space<vmem>>, vector<1x1x16xi32>,
    %get3A_119 = arith.constant 0 : i32
    %get3A_120 = arith.index_cast %rem3A_69 : i32 to index
    %get3A_121 = arith.index_cast %get3A_119 : i32 to index
    %get3A_122 = arith.constant 48 : index
    %get3A_123 = tpu.vector_load %arg8[%get3A_120, %get3A_121, %get3A_122] {strides = array<i32>} : memref<4x2x128xi32, #tpu.memory_space<vmem>>, vector<1x1x16xi32>,
    %get3A_124 = vector.shape_cast %get3A_123 : vector<1x1x16xi32> to vector<16xi32>
    %add3A_125 = vector.broadcast %mul3A_0 : i32 to vector<16xi32>
    %add3A_126 = arith.addi %get3A_124, %add3A_125 : vector<16xi32>
    %swap3A_127 = arith.constant 0 : i32
    %swap3A_128 = arith.index_cast %rem3A_69 : i32 to index
    %swap3A_129 = arith.index_cast %swap3A_127 : i32 to index
    %swap3A_130 = arith.constant 48 : index
    %swap3A_131 = tpu.vector_load %arg8[%swap3A_128, %swap3A_129, %swap3A_130] {strides = array<i32>} : memref<4x2x128xi32, #tpu.memory_space<vmem>>, vector<1x1x16xi32>,
    %swap3A_132 = vector.shape_cast %swap3A_131 : vector<1x1x16xi32> to vector<16xi32>
    %swap3A_133 = vector.shape_cast %add3A_126 : vector<16xi32> to vector<1x1x16xi32>
    tpu.vector_store %arg8[%swap3A_128, %swap3A_129, %swap3A_130], %swap3A_133 {strides = array<i32>} : memref<4x2x128xi32, #tpu.memory_space<vmem>>, vector<1x1x16xi32>,
    %get3A_134 = arith.constant 0 : i32
    %get3A_135 = arith.index_cast %rem3A_69 : i32 to index
    %get3A_136 = arith.index_cast %get3A_134 : i32 to index
    %get3A_137 = arith.constant 64 : index
    %get3A_138 = tpu.vector_load %arg8[%get3A_135, %get3A_136, %get3A_137] {strides = array<i32>} : memref<4x2x128xi32, #tpu.memory_space<vmem>>, vector<1x1x16xi32>,
    %get3A_139 = vector.shape_cast %get3A_138 : vector<1x1x16xi32> to vector<16xi32>
    %add3A_140 = vector.broadcast %mul3A_0 : i32 to vector<16xi32>
    %add3A_141 = arith.addi %get3A_139, %add3A_140 : vector<16xi32>
    %swap3A_142 = arith.constant 0 : i32
    %swap3A_143 = arith.index_cast %rem3A_69 : i32 to index
    %swap3A_144 = arith.index_cast %swap3A_142 : i32 to index
    %swap3A_145 = arith.constant 64 : index
    %swap3A_146 = tpu.vector_load %arg8[%swap3A_143, %swap3A_144, %swap3A_145] {strides = array<i32>} : memref<4x2x128xi32, #tpu.memory_space<vmem>>, vector<1x1x16xi32>,
    %swap3A_147 = vector.shape_cast %swap3A_146 : vector<1x1x16xi32> to vector<16xi32>
    %swap3A_148 = vector.shape_cast %add3A_141 : vector<16xi32> to vector<1x1x16xi32>
    tpu.vector_store %arg8[%swap3A_143, %swap3A_144, %swap3A_145], %swap3A_148 {strides = array<i32>} : memref<4x2x128xi32, #tpu.memory_space<vmem>>, vector<1x1x16xi32>,
    %get3A_149 = arith.constant 0 : i32
    %get3A_150 = arith.index_cast %rem3A_69 : i32 to index
    %get3A_151 = arith.index_cast %get3A_149 : i32 to index
    %get3A_152 = arith.constant 80 : index
    %get3A_153 = tpu.vector_load %arg8[%get3A_150, %get3A_151, %get3A_152] {strides = array<i32>} : memref<4x2x128xi32, #tpu.memory_space<vmem>>, vector<1x1x16xi32>,
    %get3A_154 = vector.shape_cast %get3A_153 : vector<1x1x16xi32> to vector<16xi32>
    %add3A_155 = vector.broadcast %mul3A_0 : i32 to vector<16xi32>
    %add3A_156 = arith.addi %get3A_154, %add3A_155 : vector<16xi32>
    %swap3A_157 = arith.constant 0 : i32
    %swap3A_158 = arith.index_cast %rem3A_69 : i32 to index
    %swap3A_159 = arith.index_cast %swap3A_157 : i32 to index
    %swap3A_160 = arith.constant 80 : index
    %swap3A_161 = tpu.vector_load %arg8[%swap3A_158, %swap3A_159, %swap3A_160] {strides = array<i32>} : memref<4x2x128xi32, #tpu.memory_space<vmem>>, vector<1x1x16xi32>,
    %swap3A_162 = vector.shape_cast %swap3A_161 : vector<1x1x16xi32> to vector<16xi32>
    %swap3A_163 = vector.shape_cast %add3A_156 : vector<16xi32> to vector<1x1x16xi32>
    tpu.vector_store %arg8[%swap3A_158, %swap3A_159, %swap3A_160], %swap3A_163 {strides = array<i32>} : memref<4x2x128xi32, #tpu.memory_space<vmem>>, vector<1x1x16xi32>,
    %get3A_164 = arith.constant 0 : i32
    %get3A_165 = arith.index_cast %rem3A_69 : i32 to index
    %get3A_166 = arith.index_cast %get3A_164 : i32 to index
    %get3A_167 = arith.constant 96 : index
    %get3A_168 = tpu.vector_load %arg8[%get3A_165, %get3A_166, %get3A_167] {strides = array<i32>} : memref<4x2x128xi32, #tpu.memory_space<vmem>>, vector<1x1x16xi32>,
    %get3A_169 = vector.shape_cast %get3A_168 : vector<1x1x16xi32> to vector<16xi32>
    %add3A_170 = vector.broadcast %mul3A_0 : i32 to vector<16xi32>
    %add3A_171 = arith.addi %get3A_169, %add3A_170 : vector<16xi32>
    %swap3A_172 = arith.constant 0 : i32
    %swap3A_173 = arith.index_cast %rem3A_69 : i32 to index
    %swap3A_174 = arith.index_cast %swap3A_172 : i32 to index
    %swap3A_175 = arith.constant 96 : index
    %swap3A_176 = tpu.vector_load %arg8[%swap3A_173, %swap3A_174, %swap3A_175] {strides = array<i32>} : memref<4x2x128xi32, #tpu.memory_space<vmem>>, vector<1x1x16xi32>,
    %swap3A_177 = vector.shape_cast %swap3A_176 : vector<1x1x16xi32> to vector<16xi32>
    %swap3A_178 = vector.shape_cast %add3A_171 : vector<16xi32> to vector<1x1x16xi32>
    tpu.vector_store %arg8[%swap3A_173, %swap3A_174, %swap3A_175], %swap3A_178 {strides = array<i32>} : memref<4x2x128xi32, #tpu.memory_space<vmem>>, vector<1x1x16xi32>,
    %get3A_179 = arith.constant 0 : i32
    %get3A_180 = arith.index_cast %rem3A_69 : i32 to index
    %get3A_181 = arith.index_cast %get3A_179 : i32 to index
    %get3A_182 = arith.constant 112 : index
    %get3A_183 = tpu.vector_load %arg8[%get3A_180, %get3A_181, %get3A_182] {strides = array<i32>} : memref<4x2x128xi32, #tpu.memory_space<vmem>>, vector<1x1x16xi32>,
    %get3A_184 = vector.shape_cast %get3A_183 : vector<1x1x16xi32> to vector<16xi32>
    %add3A_185 = vector.broadcast %mul3A_0 : i32 to vector<16xi32>
    %add3A_186 = arith.addi %get3A_184, %add3A_185 : vector<16xi32>
    %swap3A_187 = arith.constant 0 : i32
    %swap3A_188 = arith.index_cast %rem3A_69 : i32 to index
    %swap3A_189 = arith.index_cast %swap3A_187 : i32 to index
    %swap3A_190 = arith.constant 112 : index
    %swap3A_191 = tpu.vector_load %arg8[%swap3A_188, %swap3A_189, %swap3A_190] {strides = array<i32>} : memref<4x2x128xi32, #tpu.memory_space<vmem>>, vector<1x1x16xi32>,
    %swap3A_192 = vector.shape_cast %swap3A_191 : vector<1x1x16xi32> to vector<16xi32>
    %swap3A_193 = vector.shape_cast %add3A_186 : vector<16xi32> to vector<1x1x16xi32>
    tpu.vector_store %arg8[%swap3A_188, %swap3A_189, %swap3A_190], %swap3A_193 {strides = array<i32>} : memref<4x2x128xi32, #tpu.memory_space<vmem>>, vector<1x1x16xi32>,
    %rem3A_194 = arith.constant 0 : i32
    %rem3A_195 = arith.constant 4 : i32
    %rem3A_196 = arith.remsi %rem3A_194, %rem3A_195 : i32
    %dma_start3A = arith.constant 0 : i32
    %dma_start3A_197 = arith.constant 0 : i32
    %dma_start3A_198 = arith.constant 0 : i32
    %dma_start3A_199 = tpu.memref_slice %arg9[%rem3A_196, %dma_start3A_197, %dma_start3A_198] : memref<4x128x64xf32, #tpu.memory_space<vmem>> -> memref<1x128x64xf32, #tpu.memory_space<vmem>>
    %dma_start3A_200 = tpu.memref_squeeze %dma_start3A_199 : memref<1x128x64xf32, #tpu.memory_space<vmem>> -> memref<128x64xf32, #tpu.memory_space<vmem>>
    %dma_start3A_201 = arith.constant 0 : i32
    %dma_start3A_202 = tpu.memref_slice %arg8[%rem3A_196, %dma_start3A, %dma_start3A_201] : memref<4x2x128xi32, #tpu.memory_space<vmem>> -> memref<1x1x128xi32, #tpu.memory_space<vmem>>
    %dma_start3A_203 = tpu.memref_squeeze %dma_start3A_202 : memref<1x1x128xi32, #tpu.memory_space<vmem>> -> memref<128xi32, #tpu.memory_space<vmem>>
    %dma_start3A_204 = arith.constant 0 : i32
    %dma_start3A_205 = arith.constant 0 : i32
    %dma_start3A_206 = tpu.memref_slice %arg2[%dma_start3A_204, %dma_start3A_205] : memref<20000x64xf32, #tpu.memory_space<hbm>> -> memref<20000x64xf32, #tpu.memory_space<hbm>>
    %dma_start3A_207 = tpu.memref_slice %arg14[%rem3A_196] : memref<4x!tpu.dma_semaphore, #tpu.memory_space<semaphore_mem>> -> memref<1x!tpu.dma_semaphore, #tpu.memory_space<semaphore_mem>>
    %dma_start3A_208 = tpu.memref_squeeze %dma_start3A_207 : memref<1x!tpu.dma_semaphore, #tpu.memory_space<semaphore_mem>> -> memref<!tpu.dma_semaphore, #tpu.memory_space<semaphore_mem>>
    tpu.enqueue_indirect_dma source(%dma_start3A_206 : memref<20000x64xf32, #tpu.memory_space<hbm>>) target(%dma_start3A_200 : memref<128x64xf32, #tpu.memory_space<vmem>>) offsets(%dma_start3A_203 : memref<128xi32, #tpu.memory_space<vmem>>) semaphore(%dma_start3A_208 : memref<!tpu.dma_semaphore, #tpu.memory_space<semaphore_mem>>)
    %rem3A_209 = arith.constant 1 : i32
    %rem3A_210 = arith.constant 4 : i32
    %rem3A_211 = arith.remsi %rem3A_209, %rem3A_210 : i32
    %not3A_212 = arith.constant false
    %not3A_213 = arith.constant true
    %not3A_214 = arith.xori %not3A_212, %not3A_213 : i1
    %convert_element_type3A_215 = arith.extui %not3A_214 : i1 to i32
    %cond3A_216 = arith.constant 0 : i32
    %cond3A_217 = arith.cmpi ne, %convert_element_type3A_215, %cond3A_216 : i32
    scf.if %cond3A_217 {
      %add3A_424 = arith.constant 128 : i32
      %add3A_425 = arith.addi %mul3A_34, %add3A_424 : i32
      %dma_wait3A = arith.constant 0 : i32
      %dma_wait3A_426 = arith.constant 0 : i32
      %dma_wait3A_427 = tpu.memref_slice %arg8[%rem3A_211, %dma_wait3A, %dma_wait3A_426] : memref<4x2x128xi32, #tpu.memory_space<vmem>> -> memref<1x2x128xi32, #tpu.memory_space<vmem>>
      %dma_wait3A_428 = tpu.memref_squeeze %dma_wait3A_427 : memref<1x2x128xi32, #tpu.memory_space<vmem>> -> memref<2x128xi32, #tpu.memory_space<vmem>>
      %dma_wait3A_429 = arith.constant 0 : i32
      %dma_wait3A_430 = tpu.memref_slice %arg3[%dma_wait3A_429, %add3A_425] : memref<2x320000xi32, #tpu.memory_space<hbm>> -> memref<2x128xi32, #tpu.memory_space<hbm>>
      %dma_wait3A_431 = tpu.memref_slice %arg13[%rem3A_211] : memref<4x!tpu.dma_semaphore, #tpu.memory_space<semaphore_mem>> -> memref<1x!tpu.dma_semaphore, #tpu.memory_space<semaphore_mem>>
      %dma_wait3A_432 = tpu.memref_squeeze %dma_wait3A_431 : memref<1x!tpu.dma_semaphore, #tpu.memory_space<semaphore_mem>> -> memref<!tpu.dma_semaphore, #tpu.memory_space<semaphore_mem>>
      %dma_wait3A_433 = arith.constant 0 : i32
      %dma_wait3A_434 = arith.constant 0 : i32
      %dma_wait3A_435 = tpu.memref_slice %arg8[%rem3A_211, %dma_wait3A_433, %dma_wait3A_434] : memref<4x2x128xi32, #tpu.memory_space<vmem>> -> memref<1x2x128xi32, #tpu.memory_space<vmem>>
      %dma_wait3A_436 = tpu.memref_squeeze %dma_wait3A_435 : memref<1x2x128xi32, #tpu.memory_space<vmem>> -> memref<2x128xi32, #tpu.memory_space<vmem>>
      %dma_wait3A_437 = arith.constant 0 : i32
      %dma_wait3A_438 = tpu.memref_slice %arg3[%dma_wait3A_437, %add3A_425] : memref<2x320000xi32, #tpu.memory_space<hbm>> -> memref<2x128xi32, #tpu.memory_space<hbm>>
      tpu.wait_dma2 semaphore(%dma_wait3A_432 : memref<!tpu.dma_semaphore, #tpu.memory_space<semaphore_mem>>) src(%dma_wait3A_438 : memref<2x128xi32, #tpu.memory_space<hbm>>) dst(%dma_wait3A_436 : memref<2x128xi32, #tpu.memory_space<vmem>>)
    } else {
    }
    %get3A_218 = arith.constant 0 : i32
    %get3A_219 = arith.index_cast %rem3A_211 : i32 to index
    %get3A_220 = arith.index_cast %get3A_218 : i32 to index
    %get3A_221 = arith.constant 0 : index
    %get3A_222 = tpu.vector_load %arg8[%get3A_219, %get3A_220, %get3A_221] {strides = array<i32>} : memref<4x2x128xi32, #tpu.memory_space<vmem>>, vector<1x1x16xi32>,
    %get3A_223 = vector.shape_cast %get3A_222 : vector<1x1x16xi32> to vector<16xi32>
    %add3A_224 = vector.broadcast %mul3A_0 : i32 to vector<16xi32>
    %add3A_225 = arith.addi %get3A_223, %add3A_224 : vector<16xi32>
    %swap3A_226 = arith.constant 0 : i32
    %swap3A_227 = arith.index_cast %rem3A_211 : i32 to index
    %swap3A_228 = arith.index_cast %swap3A_226 : i32 to index
    %swap3A_229 = arith.constant 0 : index
    %swap3A_230 = tpu.vector_load %arg8[%swap3A_227, %swap3A_228, %swap3A_229] {strides = array<i32>} : memref<4x2x128xi32, #tpu.memory_space<vmem>>, vector<1x1x16xi32>,
    %swap3A_231 = vector.shape_cast %swap3A_230 : vector<1x1x16xi32> to vector<16xi32>
    %swap3A_232 = vector.shape_cast %add3A_225 : vector<16xi32> to vector<1x1x16xi32>
    tpu.vector_store %arg8[%swap3A_227, %swap3A_228, %swap3A_229], %swap3A_232 {strides = array<i32>} : memref<4x2x128xi32, #tpu.memory_space<vmem>>, vector<1x1x16xi32>,
    %get3A_233 = arith.constant 0 : i32
    %get3A_234 = arith.index_cast %rem3A_211 : i32 to index
    %get3A_235 = arith.index_cast %get3A_233 : i32 to index
    %get3A_236 = arith.constant 16 : index
    %get3A_237 = tpu.vector_load %arg8[%get3A_234, %get3A_235, %get3A_236] {strides = array<i32>} : memref<4x2x128xi32, #tpu.memory_space<vmem>>, vector<1x1x16xi32>,
    %get3A_238 = vector.shape_cast %get3A_237 : vector<1x1x16xi32> to vector<16xi32>
    %add3A_239 = vector.broadcast %mul3A_0 : i32 to vector<16xi32>
    %add3A_240 = arith.addi %get3A_238, %add3A_239 : vector<16xi32>
    %swap3A_241 = arith.constant 0 : i32
    %swap3A_242 = arith.index_cast %rem3A_211 : i32 to index
    %swap3A_243 = arith.index_cast %swap3A_241 : i32 to index
    %swap3A_244 = arith.constant 16 : index
    %swap3A_245 = tpu.vector_load %arg8[%swap3A_242, %swap3A_243, %swap3A_244] {strides = array<i32>} : memref<4x2x128xi32, #tpu.memory_space<vmem>>, vector<1x1x16xi32>,
    %swap3A_246 = vector.shape_cast %swap3A_245 : vector<1x1x16xi32> to vector<16xi32>
    %swap3A_247 = vector.shape_cast %add3A_240 : vector<16xi32> to vector<1x1x16xi32>
    tpu.vector_store %arg8[%swap3A_242, %swap3A_243, %swap3A_244], %swap3A_247 {strides = array<i32>} : memref<4x2x128xi32, #tpu.memory_space<vmem>>, vector<1x1x16xi32>,
    %get3A_248 = arith.constant 0 : i32
    %get3A_249 = arith.index_cast %rem3A_211 : i32 to index
    %get3A_250 = arith.index_cast %get3A_248 : i32 to index
    %get3A_251 = arith.constant 32 : index
    %get3A_252 = tpu.vector_load %arg8[%get3A_249, %get3A_250, %get3A_251] {strides = array<i32>} : memref<4x2x128xi32, #tpu.memory_space<vmem>>, vector<1x1x16xi32>,
    %get3A_253 = vector.shape_cast %get3A_252 : vector<1x1x16xi32> to vector<16xi32>
    %add3A_254 = vector.broadcast %mul3A_0 : i32 to vector<16xi32>
    %add3A_255 = arith.addi %get3A_253, %add3A_254 : vector<16xi32>
    %swap3A_256 = arith.constant 0 : i32
    %swap3A_257 = arith.index_cast %rem3A_211 : i32 to index
    %swap3A_258 = arith.index_cast %swap3A_256 : i32 to index
    %swap3A_259 = arith.constant 32 : index
    %swap3A_260 = tpu.vector_load %arg8[%swap3A_257, %swap3A_258, %swap3A_259] {strides = array<i32>} : memref<4x2x128xi32, #tpu.memory_space<vmem>>, vector<1x1x16xi32>,
    %swap3A_261 = vector.shape_cast %swap3A_260 : vector<1x1x16xi32> to vector<16xi32>
    %swap3A_262 = vector.shape_cast %add3A_255 : vector<16xi32> to vector<1x1x16xi32>
    tpu.vector_store %arg8[%swap3A_257, %swap3A_258, %swap3A_259], %swap3A_262 {strides = array<i32>} : memref<4x2x128xi32, #tpu.memory_space<vmem>>, vector<1x1x16xi32>,
    %get3A_263 = arith.constant 0 : i32
    %get3A_264 = arith.index_cast %rem3A_211 : i32 to index
    %get3A_265 = arith.index_cast %get3A_263 : i32 to index
    %get3A_266 = arith.constant 48 : index
    %get3A_267 = tpu.vector_load %arg8[%get3A_264, %get3A_265, %get3A_266] {strides = array<i32>} : memref<4x2x128xi32, #tpu.memory_space<vmem>>, vector<1x1x16xi32>,
    %get3A_268 = vector.shape_cast %get3A_267 : vector<1x1x16xi32> to vector<16xi32>
    %add3A_269 = vector.broadcast %mul3A_0 : i32 to vector<16xi32>
    %add3A_270 = arith.addi %get3A_268, %add3A_269 : vector<16xi32>
    %swap3A_271 = arith.constant 0 : i32
    %swap3A_272 = arith.index_cast %rem3A_211 : i32 to index
    %swap3A_273 = arith.index_cast %swap3A_271 : i32 to index
    %swap3A_274 = arith.constant 48 : index
    %swap3A_275 = tpu.vector_load %arg8[%swap3A_272, %swap3A_273, %swap3A_274] {strides = array<i32>} : memref<4x2x128xi32, #tpu.memory_space<vmem>>, vector<1x1x16xi32>,
    %swap3A_276 = vector.shape_cast %swap3A_275 : vector<1x1x16xi32> to vector<16xi32>
    %swap3A_277 = vector.shape_cast %add3A_270 : vector<16xi32> to vector<1x1x16xi32>
    tpu.vector_store %arg8[%swap3A_272, %swap3A_273, %swap3A_274], %swap3A_277 {strides = array<i32>} : memref<4x2x128xi32, #tpu.memory_space<vmem>>, vector<1x1x16xi32>,
    %get3A_278 = arith.constant 0 : i32
    %get3A_279 = arith.index_cast %rem3A_211 : i32 to index
    %get3A_280 = arith.index_cast %get3A_278 : i32 to index
    %get3A_281 = arith.constant 64 : index
    %get3A_282 = tpu.vector_load %arg8[%get3A_279, %get3A_280, %get3A_281] {strides = array<i32>} : memref<4x2x128xi32, #tpu.memory_space<vmem>>, vector<1x1x16xi32>,
    %get3A_283 = vector.shape_cast %get3A_282 : vector<1x1x16xi32> to vector<16xi32>
    %add3A_284 = vector.broadcast %mul3A_0 : i32 to vector<16xi32>
    %add3A_285 = arith.addi %get3A_283, %add3A_284 : vector<16xi32>
    %swap3A_286 = arith.constant 0 : i32
    %swap3A_287 = arith.index_cast %rem3A_211 : i32 to index
    %swap3A_288 = arith.index_cast %swap3A_286 : i32 to index
    %swap3A_289 = arith.constant 64 : index
    %swap3A_290 = tpu.vector_load %arg8[%swap3A_287, %swap3A_288, %swap3A_289] {strides = array<i32>} : memref<4x2x128xi32, #tpu.memory_space<vmem>>, vector<1x1x16xi32>,
    %swap3A_291 = vector.shape_cast %swap3A_290 : vector<1x1x16xi32> to vector<16xi32>
    %swap3A_292 = vector.shape_cast %add3A_285 : vector<16xi32> to vector<1x1x16xi32>
    tpu.vector_store %arg8[%swap3A_287, %swap3A_288, %swap3A_289], %swap3A_292 {strides = array<i32>} : memref<4x2x128xi32, #tpu.memory_space<vmem>>, vector<1x1x16xi32>,
    %get3A_293 = arith.constant 0 : i32
    %get3A_294 = arith.index_cast %rem3A_211 : i32 to index
    %get3A_295 = arith.index_cast %get3A_293 : i32 to index
    %get3A_296 = arith.constant 80 : index
    %get3A_297 = tpu.vector_load %arg8[%get3A_294, %get3A_295, %get3A_296] {strides = array<i32>} : memref<4x2x128xi32, #tpu.memory_space<vmem>>, vector<1x1x16xi32>,
    %get3A_298 = vector.shape_cast %get3A_297 : vector<1x1x16xi32> to vector<16xi32>
    %add3A_299 = vector.broadcast %mul3A_0 : i32 to vector<16xi32>
    %add3A_300 = arith.addi %get3A_298, %add3A_299 : vector<16xi32>
    %swap3A_301 = arith.constant 0 : i32
    %swap3A_302 = arith.index_cast %rem3A_211 : i32 to index
    %swap3A_303 = arith.index_cast %swap3A_301 : i32 to index
    %swap3A_304 = arith.constant 80 : index
    %swap3A_305 = tpu.vector_load %arg8[%swap3A_302, %swap3A_303, %swap3A_304] {strides = array<i32>} : memref<4x2x128xi32, #tpu.memory_space<vmem>>, vector<1x1x16xi32>,
    %swap3A_306 = vector.shape_cast %swap3A_305 : vector<1x1x16xi32> to vector<16xi32>
    %swap3A_307 = vector.shape_cast %add3A_300 : vector<16xi32> to vector<1x1x16xi32>
    tpu.vector_store %arg8[%swap3A_302, %swap3A_303, %swap3A_304], %swap3A_307 {strides = array<i32>} : memref<4x2x128xi32, #tpu.memory_space<vmem>>, vector<1x1x16xi32>,
    %get3A_308 = arith.constant 0 : i32
    %get3A_309 = arith.index_cast %rem3A_211 : i32 to index
    %get3A_310 = arith.index_cast %get3A_308 : i32 to index
    %get3A_311 = arith.constant 96 : index
    %get3A_312 = tpu.vector_load %arg8[%get3A_309, %get3A_310, %get3A_311] {strides = array<i32>} : memref<4x2x128xi32, #tpu.memory_space<vmem>>, vector<1x1x16xi32>,
    %get3A_313 = vector.shape_cast %get3A_312 : vector<1x1x16xi32> to vector<16xi32>
    %add3A_314 = vector.broadcast %mul3A_0 : i32 to vector<16xi32>
    %add3A_315 = arith.addi %get3A_313, %add3A_314 : vector<16xi32>
    %swap3A_316 = arith.constant 0 : i32
    %swap3A_317 = arith.index_cast %rem3A_211 : i32 to index
    %swap3A_318 = arith.index_cast %swap3A_316 : i32 to index
    %swap3A_319 = arith.constant 96 : index
    %swap3A_320 = tpu.vector_load %arg8[%swap3A_317, %swap3A_318, %swap3A_319] {strides = array<i32>} : memref<4x2x128xi32, #tpu.memory_space<vmem>>, vector<1x1x16xi32>,
    %swap3A_321 = vector.shape_cast %swap3A_320 : vector<1x1x16xi32> to vector<16xi32>
    %swap3A_322 = vector.shape_cast %add3A_315 : vector<16xi32> to vector<1x1x16xi32>
    tpu.vector_store %arg8[%swap3A_317, %swap3A_318, %swap3A_319], %swap3A_322 {strides = array<i32>} : memref<4x2x128xi32, #tpu.memory_space<vmem>>, vector<1x1x16xi32>,
    %get3A_323 = arith.constant 0 : i32
    %get3A_324 = arith.index_cast %rem3A_211 : i32 to index
    %get3A_325 = arith.index_cast %get3A_323 : i32 to index
    %get3A_326 = arith.constant 112 : index
    %get3A_327 = tpu.vector_load %arg8[%get3A_324, %get3A_325, %get3A_326] {strides = array<i32>} : memref<4x2x128xi32, #tpu.memory_space<vmem>>, vector<1x1x16xi32>,
    %get3A_328 = vector.shape_cast %get3A_327 : vector<1x1x16xi32> to vector<16xi32>
    %add3A_329 = vector.broadcast %mul3A_0 : i32 to vector<16xi32>
    %add3A_330 = arith.addi %get3A_328, %add3A_329 : vector<16xi32>
    %swap3A_331 = arith.constant 0 : i32
    %swap3A_332 = arith.index_cast %rem3A_211 : i32 to index
    %swap3A_333 = arith.index_cast %swap3A_331 : i32 to index
    %swap3A_334 = arith.constant 112 : index
    %swap3A_335 = tpu.vector_load %arg8[%swap3A_332, %swap3A_333, %swap3A_334] {strides = array<i32>} : memref<4x2x128xi32, #tpu.memory_space<vmem>>, vector<1x1x16xi32>,
    %swap3A_336 = vector.shape_cast %swap3A_335 : vector<1x1x16xi32> to vector<16xi32>
    %swap3A_337 = vector.shape_cast %add3A_330 : vector<16xi32> to vector<1x1x16xi32>
    tpu.vector_store %arg8[%swap3A_332, %swap3A_333, %swap3A_334], %swap3A_337 {strides = array<i32>} : memref<4x2x128xi32, #tpu.memory_space<vmem>>, vector<1x1x16xi32>,
    %rem3A_338 = arith.constant 1 : i32
    %rem3A_339 = arith.constant 4 : i32
    %rem3A_340 = arith.remsi %rem3A_338, %rem3A_339 : i32
    %dma_start3A_341 = arith.constant 0 : i32
    %dma_start3A_342 = arith.constant 0 : i32
    %dma_start3A_343 = arith.constant 0 : i32
    %dma_start3A_344 = tpu.memref_slice %arg9[%rem3A_340, %dma_start3A_342, %dma_start3A_343] : memref<4x128x64xf32, #tpu.memory_space<vmem>> -> memref<1x128x64xf32, #tpu.memory_space<vmem>>
    %dma_start3A_345 = tpu.memref_squeeze %dma_start3A_344 : memref<1x128x64xf32, #tpu.memory_space<vmem>> -> memref<128x64xf32, #tpu.memory_space<vmem>>
    %dma_start3A_346 = arith.constant 0 : i32
    %dma_start3A_347 = tpu.memref_slice %arg8[%rem3A_340, %dma_start3A_341, %dma_start3A_346] : memref<4x2x128xi32, #tpu.memory_space<vmem>> -> memref<1x1x128xi32, #tpu.memory_space<vmem>>
    %dma_start3A_348 = tpu.memref_squeeze %dma_start3A_347 : memref<1x1x128xi32, #tpu.memory_space<vmem>> -> memref<128xi32, #tpu.memory_space<vmem>>
    %dma_start3A_349 = arith.constant 0 : i32
    %dma_start3A_350 = arith.constant 0 : i32
    %dma_start3A_351 = tpu.memref_slice %arg2[%dma_start3A_349, %dma_start3A_350] : memref<20000x64xf32, #tpu.memory_space<hbm>> -> memref<20000x64xf32, #tpu.memory_space<hbm>>
    %dma_start3A_352 = tpu.memref_slice %arg14[%rem3A_340] : memref<4x!tpu.dma_semaphore, #tpu.memory_space<semaphore_mem>> -> memref<1x!tpu.dma_semaphore, #tpu.memory_space<semaphore_mem>>
    %dma_start3A_353 = tpu.memref_squeeze %dma_start3A_352 : memref<1x!tpu.dma_semaphore, #tpu.memory_space<semaphore_mem>> -> memref<!tpu.dma_semaphore, #tpu.memory_space<semaphore_mem>>
    tpu.enqueue_indirect_dma source(%dma_start3A_351 : memref<20000x64xf32, #tpu.memory_space<hbm>>) target(%dma_start3A_345 : memref<128x64xf32, #tpu.memory_space<vmem>>) offsets(%dma_start3A_348 : memref<128xi32, #tpu.memory_space<vmem>>) semaphore(%dma_start3A_353 : memref<!tpu.dma_semaphore, #tpu.memory_space<semaphore_mem>>)
    %scan3A_354 = arith.constant 0 : i32
    %scan3A_355 = arith.constant 0 : i32
    %scan3A_356 = arith.constant 157 : i32
    %scan3A_357 = arith.addi %scan3A_355, %scan3A_356 : i32
    %scan3A_358 = arith.constant 1 : i32
    %scan3A_359 = scf.for %scan3A_424 = %scan3A_355 to %scan3A_357 step %scan3A_358 iter_args(%scan3A_425 = %scan3A_354) -> (i32)  : i32 {
      %ge3A = arith.constant 1 : i32
      %ge3A_426 = arith.cmpi sge, %scan3A_424, %ge3A : i32
      %sub3A = arith.constant 1 : i32
      %sub3A_427 = arith.subi %scan3A_424, %sub3A : i32
      %add3A_428 = arith.constant 4 : i32
      %add3A_429 = arith.addi %sub3A_427, %add3A_428 : i32
      %lt3A = arith.constant 157 : i32
      %lt3A_430 = arith.cmpi slt, %add3A_429, %lt3A : i32
      %and3A = arith.andi %ge3A_426, %lt3A_430 : i1
      %convert_element_type3A_431 = arith.extui %and3A : i1 to i32
      %cond3A_432 = arith.constant 0 : i32
      %cond3A_433 = arith.cmpi ne, %convert_element_type3A_431, %cond3A_432 : i32
      scf.if %cond3A_433 {
        %sub3A_480 = arith.constant 1 : i32
        %sub3A_481 = arith.subi %scan3A_424, %sub3A_480 : i32
        %rem3A_482 = arith.constant 4 : i32
        %rem3A_483 = arith.remsi %sub3A_481, %rem3A_482 : i32
        %dma_wait3A_484 = arith.constant 1 : i32
        %dma_wait3A_485 = arith.constant 0 : i32
        %dma_wait3A_486 = arith.constant 0 : i32
        %dma_wait3A_487 = tpu.memref_slice %arg9[%rem3A_483, %dma_wait3A_485, %dma_wait3A_486] : memref<4x128x64xf32, #tpu.memory_space<vmem>> -> memref<1x128x64xf32, #tpu.memory_space<vmem>>
        %dma_wait3A_488 = tpu.memref_squeeze %dma_wait3A_487 : memref<1x128x64xf32, #tpu.memory_space<vmem>> -> memref<128x64xf32, #tpu.memory_space<vmem>>
        %dma_wait3A_489 = arith.constant 0 : i32
        %dma_wait3A_490 = tpu.memref_slice %arg8[%rem3A_483, %dma_wait3A_484, %dma_wait3A_489] : memref<4x2x128xi32, #tpu.memory_space<vmem>> -> memref<1x1x128xi32, #tpu.memory_space<vmem>>
        %dma_wait3A_491 = tpu.memref_squeeze %dma_wait3A_490 : memref<1x1x128xi32, #tpu.memory_space<vmem>> -> memref<128xi32, #tpu.memory_space<vmem>>
        %dma_wait3A_492 = arith.constant 0 : i32
        %dma_wait3A_493 = arith.constant 0 : i32
        %dma_wait3A_494 = tpu.memref_slice %arg6[%dma_wait3A_492, %dma_wait3A_493] : memref<10008x64xf32, #tpu.memory_space<vmem_shared>> -> memref<10008x64xf32, #tpu.memory_space<vmem_shared>>
        %dma_wait3A_495 = tpu.memref_slice %arg15[%rem3A_483] : memref<4x!tpu.dma_semaphore, #tpu.memory_space<semaphore_mem>> -> memref<1x!tpu.dma_semaphore, #tpu.memory_space<semaphore_mem>>
        %dma_wait3A_496 = tpu.memref_squeeze %dma_wait3A_495 : memref<1x!tpu.dma_semaphore, #tpu.memory_space<semaphore_mem>> -> memref<!tpu.dma_semaphore, #tpu.memory_space<semaphore_mem>>
        tpu.wait_indirect_dma semaphore(%dma_wait3A_496 : memref<!tpu.dma_semaphore, #tpu.memory_space<semaphore_mem>>) src(%dma_wait3A_488 : memref<128x64xf32, #tpu.memory_space<vmem>>) dst(%dma_wait3A_494 : memref<10008x64xf32, #tpu.memory_space<vmem_shared>>)
        %dma_wait3A_497 = arith.constant 1 : i32
        %dma_wait3A_498 = arith.constant 0 : i32
        %dma_wait3A_499 = tpu.memref_slice %arg8[%rem3A_483, %dma_wait3A_497, %dma_wait3A_498] : memref<4x2x128xi32, #tpu.memory_space<vmem>> -> memref<1x1x128xi32, #tpu.memory_space<vmem>>
        %dma_wait3A_500 = tpu.memref_squeeze %dma_wait3A_499 : memref<1x1x128xi32, #tpu.memory_space<vmem>> -> memref<128xi32, #tpu.memory_space<vmem>>
        %dma_wait3A_501 = arith.constant 0 : i32
        %dma_wait3A_502 = arith.constant 0 : i32
        %dma_wait3A_503 = tpu.memref_slice %arg7[%dma_wait3A_501, %dma_wait3A_502] : memref<10008x16xf32, #tpu.memory_space<vmem_shared>> -> memref<10008x16xf32, #tpu.memory_space<vmem_shared>>
        %dma_wait3A_504 = tpu.memref_slice %arg16[%rem3A_483] : memref<4x!tpu.dma_semaphore, #tpu.memory_space<semaphore_mem>> -> memref<1x!tpu.dma_semaphore, #tpu.memory_space<semaphore_mem>>
        %dma_wait3A_505 = tpu.memref_squeeze %dma_wait3A_504 : memref<1x!tpu.dma_semaphore, #tpu.memory_space<semaphore_mem>> -> memref<!tpu.dma_semaphore, #tpu.memory_space<semaphore_mem>>
        tpu.wait_indirect_dma semaphore(%dma_wait3A_505 : memref<!tpu.dma_semaphore, #tpu.memory_space<semaphore_mem>>) src(%arg10 : memref<128x16xf32, #tpu.memory_space<vmem>>) dst(%dma_wait3A_503 : memref<10008x16xf32, #tpu.memory_space<vmem_shared>>)
        %sub3A_506 = arith.constant 1 : i32
        %sub3A_507 = arith.subi %scan3A_424, %sub3A_506 : i32
        %add3A_508 = arith.constant 4 : i32
        %add3A_509 = arith.addi %sub3A_507, %add3A_508 : i32
        %rem3A_510 = arith.constant 4 : i32
        %rem3A_511 = arith.remsi %add3A_509, %rem3A_510 : i32
        %eq3A = arith.constant 156 : i32
        %eq3A_512 = arith.cmpi eq, %add3A_509, %eq3A : i32
        %not3A_513 = arith.constant true
        %not3A_514 = arith.xori %eq3A_512, %not3A_513 : i1
        %convert_element_type3A_515 = arith.extui %not3A_514 : i1 to i32
        %cond3A_516 = arith.constant 0 : i32
        %cond3A_517 = arith.cmpi ne, %convert_element_type3A_515, %cond3A_516 : i32
        scf.if %cond3A_517 {
          %mul3A_521 = arith.constant 128 : i32
          %mul3A_522 = arith.muli %add3A_509, %mul3A_521 : i32
          %add3A_523 = arith.addi %mul3A_34, %mul3A_522 : i32
          %dma_start3A_524 = arith.constant 0 : i32
          %dma_start3A_525 = arith.constant 0 : i32
          %dma_start3A_526 = tpu.memref_slice %arg8[%rem3A_511, %dma_start3A_524, %dma_start3A_525] : memref<4x2x128xi32, #tpu.memory_space<vmem>> -> memref<1x2x128xi32, #tpu.memory_space<vmem>>
          %dma_start3A_527 = tpu.memref_squeeze %dma_start3A_526 : memref<1x2x128xi32, #tpu.memory_space<vmem>> -> memref<2x128xi32, #tpu.memory_space<vmem>>
          %dma_start3A_528 = arith.constant 0 : i32
          %dma_start3A_529 = tpu.memref_slice %arg3[%dma_start3A_528, %add3A_523] : memref<2x320000xi32, #tpu.memory_space<hbm>> -> memref<2x128xi32, #tpu.memory_space<hbm>>
          %dma_start3A_530 = tpu.memref_slice %arg13[%rem3A_511] : memref<4x!tpu.dma_semaphore, #tpu.memory_space<semaphore_mem>> -> memref<1x!tpu.dma_semaphore, #tpu.memory_space<semaphore_mem>>
          %dma_start3A_531 = tpu.memref_squeeze %dma_start3A_530 : memref<1x!tpu.dma_semaphore, #tpu.memory_space<semaphore_mem>> -> memref<!tpu.dma_semaphore, #tpu.memory_space<semaphore_mem>>
          %dma_start3A_532 = arith.constant 0 : i32
          %dma_start3A_533 = arith.constant 0 : i32
          %dma_start3A_534 = tpu.memref_slice %arg8[%rem3A_511, %dma_start3A_532, %dma_start3A_533] : memref<4x2x128xi32, #tpu.memory_space<vmem>> -> memref<1x2x128xi32, #tpu.memory_space<vmem>>
          %dma_start3A_535 = tpu.memref_squeeze %dma_start3A_534 : memref<1x2x128xi32, #tpu.memory_space<vmem>> -> memref<2x128xi32, #tpu.memory_space<vmem>>
          %dma_start3A_536 = arith.constant 0 : i32
          %dma_start3A_537 = tpu.memref_slice %arg3[%dma_start3A_536, %add3A_523] : memref<2x320000xi32, #tpu.memory_space<hbm>> -> memref<2x128xi32, #tpu.memory_space<hbm>>
          tpu.enqueue_dma source(%dma_start3A_537 : memref<2x128xi32, #tpu.memory_space<hbm>>) target(%dma_start3A_535 : memref<2x128xi32, #tpu.memory_space<vmem>>) target_semaphore(%dma_start3A_531 : memref<!tpu.dma_semaphore, #tpu.memory_space<semaphore_mem>>)
        } else {
        }
        %convert_element_type3A_518 = arith.extui %eq3A_512 : i1 to i32
        %cond3A_519 = arith.constant 0 : i32
        %cond3A_520 = arith.cmpi ne, %convert_element_type3A_518, %cond3A_519 : i32
        scf.if %cond3A_520 {
          %mul3A_521 = arith.constant 128 : i32
          %mul3A_522 = arith.muli %add3A_509, %mul3A_521 : i32
          %add3A_523 = arith.addi %mul3A_34, %mul3A_522 : i32
          %dma_start3A_524 = arith.constant 0 : i32
          %dma_start3A_525 = arith.constant 0 : i32
          %dma_start3A_526 = tpu.memref_slice %arg8[%rem3A_511, %dma_start3A_524, %dma_start3A_525] : memref<4x2x128xi32, #tpu.memory_space<vmem>> -> memref<1x2x32xi32, #tpu.memory_space<vmem>>
          %dma_start3A_527 = tpu.memref_squeeze %dma_start3A_526 : memref<1x2x32xi32, #tpu.memory_space<vmem>> -> memref<2x32xi32, #tpu.memory_space<vmem>>
          %dma_start3A_528 = arith.constant 0 : i32
          %dma_start3A_529 = tpu.memref_slice %arg3[%dma_start3A_528, %add3A_523] : memref<2x320000xi32, #tpu.memory_space<hbm>> -> memref<2x32xi32, #tpu.memory_space<hbm>>
          %dma_start3A_530 = tpu.memref_slice %arg13[%rem3A_511] : memref<4x!tpu.dma_semaphore, #tpu.memory_space<semaphore_mem>> -> memref<1x!tpu.dma_semaphore, #tpu.memory_space<semaphore_mem>>
          %dma_start3A_531 = tpu.memref_squeeze %dma_start3A_530 : memref<1x!tpu.dma_semaphore, #tpu.memory_space<semaphore_mem>> -> memref<!tpu.dma_semaphore, #tpu.memory_space<semaphore_mem>>
          %dma_start3A_532 = arith.constant 0 : i32
          %dma_start3A_533 = arith.constant 0 : i32
          %dma_start3A_534 = tpu.memref_slice %arg8[%rem3A_511, %dma_start3A_532, %dma_start3A_533] : memref<4x2x128xi32, #tpu.memory_space<vmem>> -> memref<1x2x32xi32, #tpu.memory_space<vmem>>
          %dma_start3A_535 = tpu.memref_squeeze %dma_start3A_534 : memref<1x2x32xi32, #tpu.memory_space<vmem>> -> memref<2x32xi32, #tpu.memory_space<vmem>>
          %dma_start3A_536 = arith.constant 0 : i32
          %dma_start3A_537 = tpu.memref_slice %arg3[%dma_start3A_536, %add3A_523] : memref<2x320000xi32, #tpu.memory_space<hbm>> -> memref<2x32xi32, #tpu.memory_space<hbm>>
          tpu.enqueue_dma source(%dma_start3A_537 : memref<2x32xi32, #tpu.memory_space<hbm>>) target(%dma_start3A_535 : memref<2x32xi32, #tpu.memory_space<vmem>>) target_semaphore(%dma_start3A_531 : memref<!tpu.dma_semaphore, #tpu.memory_space<semaphore_mem>>)
          %broadcast_in_dim3A = arith.constant 0 : i32
          %broadcast_in_dim3A_538 = vector.broadcast %broadcast_in_dim3A : i32 to vector<16xi32>
          %swap3A_539 = arith.constant 0 : i32
          %swap3A_540 = arith.index_cast %rem3A_511 : i32 to index
          %swap3A_541 = arith.index_cast %swap3A_539 : i32 to index
          %swap3A_542 = arith.constant 32 : index
          %swap3A_543 = tpu.vector_load %arg8[%swap3A_540, %swap3A_541, %swap3A_542] {strides = array<i32>} : memref<4x2x128xi32, #tpu.memory_space<vmem>>, vector<1x1x16xi32>,
          %swap3A_544 = vector.shape_cast %swap3A_543 : vector<1x1x16xi32> to vector<16xi32>
          %swap3A_545 = vector.shape_cast %broadcast_in_dim3A_538 : vector<16xi32> to vector<1x1x16xi32>
          tpu.vector_store %arg8[%swap3A_540, %swap3A_541, %swap3A_542], %swap3A_545 {strides = array<i32>} : memref<4x2x128xi32, #tpu.memory_space<vmem>>, vector<1x1x16xi32>,
          %broadcast_in_dim3A_546 = arith.constant 10000 : i32
          %broadcast_in_dim3A_547 = vector.broadcast %broadcast_in_dim3A_546 : i32 to vector<16xi32>
          %swap3A_548 = arith.constant 1 : i32
          %swap3A_549 = arith.index_cast %rem3A_511 : i32 to index
          %swap3A_550 = arith.index_cast %swap3A_548 : i32 to index
          %swap3A_551 = arith.constant 32 : index
          %swap3A_552 = tpu.vector_load %arg8[%swap3A_549, %swap3A_550, %swap3A_551] {strides = array<i32>} : memref<4x2x128xi32, #tpu.memory_space<vmem>>, vector<1x1x16xi32>,
          %swap3A_553 = vector.shape_cast %swap3A_552 : vector<1x1x16xi32> to vector<16xi32>
          %swap3A_554 = vector.shape_cast %broadcast_in_dim3A_547 : vector<16xi32> to vector<1x1x16xi32>
          tpu.vector_store %arg8[%swap3A_549, %swap3A_550, %swap3A_551], %swap3A_554 {strides = array<i32>} : memref<4x2x128xi32, #tpu.memory_space<vmem>>, vector<1x1x16xi32>,
          %broadcast_in_dim3A_555 = arith.constant 0 : i32
          %broadcast_in_dim3A_556 = vector.broadcast %broadcast_in_dim3A_555 : i32 to vector<16xi32>
          %swap3A_557 = arith.constant 0 : i32
          %swap3A_558 = arith.index_cast %rem3A_511 : i32 to index
          %swap3A_559 = arith.index_cast %swap3A_557 : i32 to index
          %swap3A_560 = arith.constant 48 : index
          %swap3A_561 = tpu.vector_load %arg8[%swap3A_558, %swap3A_559, %swap3A_560] {strides = array<i32>} : memref<4x2x128xi32, #tpu.memory_space<vmem>>, vector<1x1x16xi32>,
          %swap3A_562 = vector.shape_cast %swap3A_561 : vector<1x1x16xi32> to vector<16xi32>
          %swap3A_563 = vector.shape_cast %broadcast_in_dim3A_556 : vector<16xi32> to vector<1x1x16xi32>
          tpu.vector_store %arg8[%swap3A_558, %swap3A_559, %swap3A_560], %swap3A_563 {strides = array<i32>} : memref<4x2x128xi32, #tpu.memory_space<vmem>>, vector<1x1x16xi32>,
          %broadcast_in_dim3A_564 = arith.constant 10000 : i32
          %broadcast_in_dim3A_565 = vector.broadcast %broadcast_in_dim3A_564 : i32 to vector<16xi32>
          %swap3A_566 = arith.constant 1 : i32
          %swap3A_567 = arith.index_cast %rem3A_511 : i32 to index
          %swap3A_568 = arith.index_cast %swap3A_566 : i32 to index
          %swap3A_569 = arith.constant 48 : index
          %swap3A_570 = tpu.vector_load %arg8[%swap3A_567, %swap3A_568, %swap3A_569] {strides = array<i32>} : memref<4x2x128xi32, #tpu.memory_space<vmem>>, vector<1x1x16xi32>,
          %swap3A_571 = vector.shape_cast %swap3A_570 : vector<1x1x16xi32> to vector<16xi32>
          %swap3A_572 = vector.shape_cast %broadcast_in_dim3A_565 : vector<16xi32> to vector<1x1x16xi32>
          tpu.vector_store %arg8[%swap3A_567, %swap3A_568, %swap3A_569], %swap3A_572 {strides = array<i32>} : memref<4x2x128xi32, #tpu.memory_space<vmem>>, vector<1x1x16xi32>,
          %broadcast_in_dim3A_573 = arith.constant 0 : i32
          %broadcast_in_dim3A_574 = vector.broadcast %broadcast_in_dim3A_573 : i32 to vector<16xi32>
          %swap3A_575 = arith.constant 0 : i32
          %swap3A_576 = arith.index_cast %rem3A_511 : i32 to index
          %swap3A_577 = arith.index_cast %swap3A_575 : i32 to index
          %swap3A_578 = arith.constant 64 : index
          %swap3A_579 = tpu.vector_load %arg8[%swap3A_576, %swap3A_577, %swap3A_578] {strides = array<i32>} : memref<4x2x128xi32, #tpu.memory_space<vmem>>, vector<1x1x16xi32>,
          %swap3A_580 = vector.shape_cast %swap3A_579 : vector<1x1x16xi32> to vector<16xi32>
          %swap3A_581 = vector.shape_cast %broadcast_in_dim3A_574 : vector<16xi32> to vector<1x1x16xi32>
          tpu.vector_store %arg8[%swap3A_576, %swap3A_577, %swap3A_578], %swap3A_581 {strides = array<i32>} : memref<4x2x128xi32, #tpu.memory_space<vmem>>, vector<1x1x16xi32>,
          %broadcast_in_dim3A_582 = arith.constant 10000 : i32
          %broadcast_in_dim3A_583 = vector.broadcast %broadcast_in_dim3A_582 : i32 to vector<16xi32>
          %swap3A_584 = arith.constant 1 : i32
          %swap3A_585 = arith.index_cast %rem3A_511 : i32 to index
          %swap3A_586 = arith.index_cast %swap3A_584 : i32 to index
          %swap3A_587 = arith.constant 64 : index
          %swap3A_588 = tpu.vector_load %arg8[%swap3A_585, %swap3A_586, %swap3A_587] {strides = array<i32>} : memref<4x2x128xi32, #tpu.memory_space<vmem>>, vector<1x1x16xi32>,
          %swap3A_589 = vector.shape_cast %swap3A_588 : vector<1x1x16xi32> to vector<16xi32>
          %swap3A_590 = vector.shape_cast %broadcast_in_dim3A_583 : vector<16xi32> to vector<1x1x16xi32>
          tpu.vector_store %arg8[%swap3A_585, %swap3A_586, %swap3A_587], %swap3A_590 {strides = array<i32>} : memref<4x2x128xi32, #tpu.memory_space<vmem>>, vector<1x1x16xi32>,
          %broadcast_in_dim3A_591 = arith.constant 0 : i32
          %broadcast_in_dim3A_592 = vector.broadcast %broadcast_in_dim3A_591 : i32 to vector<16xi32>
          %swap3A_593 = arith.constant 0 : i32
          %swap3A_594 = arith.index_cast %rem3A_511 : i32 to index
          %swap3A_595 = arith.index_cast %swap3A_593 : i32 to index
          %swap3A_596 = arith.constant 80 : index
          %swap3A_597 = tpu.vector_load %arg8[%swap3A_594, %swap3A_595, %swap3A_596] {strides = array<i32>} : memref<4x2x128xi32, #tpu.memory_space<vmem>>, vector<1x1x16xi32>,
          %swap3A_598 = vector.shape_cast %swap3A_597 : vector<1x1x16xi32> to vector<16xi32>
          %swap3A_599 = vector.shape_cast %broadcast_in_dim3A_592 : vector<16xi32> to vector<1x1x16xi32>
          tpu.vector_store %arg8[%swap3A_594, %swap3A_595, %swap3A_596], %swap3A_599 {strides = array<i32>} : memref<4x2x128xi32, #tpu.memory_space<vmem>>, vector<1x1x16xi32>,
          %broadcast_in_dim3A_600 = arith.constant 10000 : i32
          %broadcast_in_dim3A_601 = vector.broadcast %broadcast_in_dim3A_600 : i32 to vector<16xi32>
          %swap3A_602 = arith.constant 1 : i32
          %swap3A_603 = arith.index_cast %rem3A_511 : i32 to index
          %swap3A_604 = arith.index_cast %swap3A_602 : i32 to index
          %swap3A_605 = arith.constant 80 : index
          %swap3A_606 = tpu.vector_load %arg8[%swap3A_603, %swap3A_604, %swap3A_605] {strides = array<i32>} : memref<4x2x128xi32, #tpu.memory_space<vmem>>, vector<1x1x16xi32>,
          %swap3A_607 = vector.shape_cast %swap3A_606 : vector<1x1x16xi32> to vector<16xi32>
          %swap3A_608 = vector.shape_cast %broadcast_in_dim3A_601 : vector<16xi32> to vector<1x1x16xi32>
          tpu.vector_store %arg8[%swap3A_603, %swap3A_604, %swap3A_605], %swap3A_608 {strides = array<i32>} : memref<4x2x128xi32, #tpu.memory_space<vmem>>, vector<1x1x16xi32>,
          %broadcast_in_dim3A_609 = arith.constant 0 : i32
          %broadcast_in_dim3A_610 = vector.broadcast %broadcast_in_dim3A_609 : i32 to vector<16xi32>
          %swap3A_611 = arith.constant 0 : i32
          %swap3A_612 = arith.index_cast %rem3A_511 : i32 to index
          %swap3A_613 = arith.index_cast %swap3A_611 : i32 to index
          %swap3A_614 = arith.constant 96 : index
          %swap3A_615 = tpu.vector_load %arg8[%swap3A_612, %swap3A_613, %swap3A_614] {strides = array<i32>} : memref<4x2x128xi32, #tpu.memory_space<vmem>>, vector<1x1x16xi32>,
          %swap3A_616 = vector.shape_cast %swap3A_615 : vector<1x1x16xi32> to vector<16xi32>
          %swap3A_617 = vector.shape_cast %broadcast_in_dim3A_610 : vector<16xi32> to vector<1x1x16xi32>
          tpu.vector_store %arg8[%swap3A_612, %swap3A_613, %swap3A_614], %swap3A_617 {strides = array<i32>} : memref<4x2x128xi32, #tpu.memory_space<vmem>>, vector<1x1x16xi32>,
          %broadcast_in_dim3A_618 = arith.constant 10000 : i32
          %broadcast_in_dim3A_619 = vector.broadcast %broadcast_in_dim3A_618 : i32 to vector<16xi32>
          %swap3A_620 = arith.constant 1 : i32
          %swap3A_621 = arith.index_cast %rem3A_511 : i32 to index
          %swap3A_622 = arith.index_cast %swap3A_620 : i32 to index
          %swap3A_623 = arith.constant 96 : index
          %swap3A_624 = tpu.vector_load %arg8[%swap3A_621, %swap3A_622, %swap3A_623] {strides = array<i32>} : memref<4x2x128xi32, #tpu.memory_space<vmem>>, vector<1x1x16xi32>,
          %swap3A_625 = vector.shape_cast %swap3A_624 : vector<1x1x16xi32> to vector<16xi32>
          %swap3A_626 = vector.shape_cast %broadcast_in_dim3A_619 : vector<16xi32> to vector<1x1x16xi32>
          tpu.vector_store %arg8[%swap3A_621, %swap3A_622, %swap3A_623], %swap3A_626 {strides = array<i32>} : memref<4x2x128xi32, #tpu.memory_space<vmem>>, vector<1x1x16xi32>,
          %broadcast_in_dim3A_627 = arith.constant 0 : i32
          %broadcast_in_dim3A_628 = vector.broadcast %broadcast_in_dim3A_627 : i32 to vector<16xi32>
          %swap3A_629 = arith.constant 0 : i32
          %swap3A_630 = arith.index_cast %rem3A_511 : i32 to index
          %swap3A_631 = arith.index_cast %swap3A_629 : i32 to index
          %swap3A_632 = arith.constant 112 : index
          %swap3A_633 = tpu.vector_load %arg8[%swap3A_630, %swap3A_631, %swap3A_632] {strides = array<i32>} : memref<4x2x128xi32, #tpu.memory_space<vmem>>, vector<1x1x16xi32>,
          %swap3A_634 = vector.shape_cast %swap3A_633 : vector<1x1x16xi32> to vector<16xi32>
          %swap3A_635 = vector.shape_cast %broadcast_in_dim3A_628 : vector<16xi32> to vector<1x1x16xi32>
          tpu.vector_store %arg8[%swap3A_630, %swap3A_631, %swap3A_632], %swap3A_635 {strides = array<i32>} : memref<4x2x128xi32, #tpu.memory_space<vmem>>, vector<1x1x16xi32>,
          %broadcast_in_dim3A_636 = arith.constant 10000 : i32
          %broadcast_in_dim3A_637 = vector.broadcast %broadcast_in_dim3A_636 : i32 to vector<16xi32>
          %swap3A_638 = arith.constant 1 : i32
          %swap3A_639 = arith.index_cast %rem3A_511 : i32 to index
          %swap3A_640 = arith.index_cast %swap3A_638 : i32 to index
          %swap3A_641 = arith.constant 112 : index
          %swap3A_642 = tpu.vector_load %arg8[%swap3A_639, %swap3A_640, %swap3A_641] {strides = array<i32>} : memref<4x2x128xi32, #tpu.memory_space<vmem>>, vector<1x1x16xi32>,
          %swap3A_643 = vector.shape_cast %swap3A_642 : vector<1x1x16xi32> to vector<16xi32>
          %swap3A_644 = vector.shape_cast %broadcast_in_dim3A_637 : vector<16xi32> to vector<1x1x16xi32>
          tpu.vector_store %arg8[%swap3A_639, %swap3A_640, %swap3A_641], %swap3A_644 {strides = array<i32>} : memref<4x2x128xi32, #tpu.memory_space<vmem>>, vector<1x1x16xi32>,
        } else {
        }
      } else {
      }
      %add3A_434 = arith.constant 2 : i32
      %add3A_435 = arith.addi %scan3A_424, %add3A_434 : i32
      %lt3A_436 = arith.constant 157 : i32
      %lt3A_437 = arith.cmpi slt, %add3A_435, %lt3A_436 : i32
      %convert_element_type3A_438 = arith.extui %lt3A_437 : i1 to i32
      %cond3A_439 = arith.constant 0 : i32
      %cond3A_440 = arith.cmpi ne, %convert_element_type3A_438, %cond3A_439 : i32
      scf.if %cond3A_440 {
        %add3A_480 = arith.constant 2 : i32
        %add3A_481 = arith.addi %scan3A_424, %add3A_480 : i32
        %rem3A_482 = arith.constant 4 : i32
        %rem3A_483 = arith.remsi %add3A_481, %rem3A_482 : i32
        %eq3A = arith.constant 156 : i32
        %eq3A_484 = arith.cmpi eq, %add3A_481, %eq3A : i32
        %not3A_485 = arith.constant true
        %not3A_486 = arith.xori %eq3A_484, %not3A_485 : i1
        %convert_element_type3A_487 = arith.extui %not3A_486 : i1 to i32
        %cond3A_488 = arith.constant 0 : i32
        %cond3A_489 = arith.cmpi ne, %convert_element_type3A_487, %cond3A_488 : i32
        scf.if %cond3A_489 {
          %mul3A_630 = arith.constant 128 : i32
          %mul3A_631 = arith.muli %add3A_481, %mul3A_630 : i32
          %add3A_632 = arith.addi %mul3A_34, %mul3A_631 : i32
          %dma_wait3A_633 = arith.constant 0 : i32
          %dma_wait3A_634 = arith.constant 0 : i32
          %dma_wait3A_635 = tpu.memref_slice %arg8[%rem3A_483, %dma_wait3A_633, %dma_wait3A_634] : memref<4x2x128xi32, #tpu.memory_space<vmem>> -> memref<1x2x128xi32, #tpu.memory_space<vmem>>
          %dma_wait3A_636 = tpu.memref_squeeze %dma_wait3A_635 : memref<1x2x128xi32, #tpu.memory_space<vmem>> -> memref<2x128xi32, #tpu.memory_space<vmem>>
          %dma_wait3A_637 = arith.constant 0 : i32
          %dma_wait3A_638 = tpu.memref_slice %arg3[%dma_wait3A_637, %add3A_632] : memref<2x320000xi32, #tpu.memory_space<hbm>> -> memref<2x128xi32, #tpu.memory_space<hbm>>
          %dma_wait3A_639 = tpu.memref_slice %arg13[%rem3A_483] : memref<4x!tpu.dma_semaphore, #tpu.memory_space<semaphore_mem>> -> memref<1x!tpu.dma_semaphore, #tpu.memory_space<semaphore_mem>>
          %dma_wait3A_640 = tpu.memref_squeeze %dma_wait3A_639 : memref<1x!tpu.dma_semaphore, #tpu.memory_space<semaphore_mem>> -> memref<!tpu.dma_semaphore, #tpu.memory_space<semaphore_mem>>
          %dma_wait3A_641 = arith.constant 0 : i32
          %dma_wait3A_642 = arith.constant 0 : i32
          %dma_wait3A_643 = tpu.memref_slice %arg8[%rem3A_483, %dma_wait3A_641, %dma_wait3A_642] : memref<4x2x128xi32, #tpu.memory_space<vmem>> -> memref<1x2x128xi32, #tpu.memory_space<vmem>>
          %dma_wait3A_644 = tpu.memref_squeeze %dma_wait3A_643 : memref<1x2x128xi32, #tpu.memory_space<vmem>> -> memref<2x128xi32, #tpu.memory_space<vmem>>
          %dma_wait3A_645 = arith.constant 0 : i32
          %dma_wait3A_646 = tpu.memref_slice %arg3[%dma_wait3A_645, %add3A_632] : memref<2x320000xi32, #tpu.memory_space<hbm>> -> memref<2x128xi32, #tpu.memory_space<hbm>>
          tpu.wait_dma2 semaphore(%dma_wait3A_640 : memref<!tpu.dma_semaphore, #tpu.memory_space<semaphore_mem>>) src(%dma_wait3A_646 : memref<2x128xi32, #tpu.memory_space<hbm>>) dst(%dma_wait3A_644 : memref<2x128xi32, #tpu.memory_space<vmem>>)
        } else {
        }
        %convert_element_type3A_490 = arith.extui %eq3A_484 : i1 to i32
        %cond3A_491 = arith.constant 0 : i32
        %cond3A_492 = arith.cmpi ne, %convert_element_type3A_490, %cond3A_491 : i32
        scf.if %cond3A_492 {
          %mul3A_630 = arith.constant 128 : i32
          %mul3A_631 = arith.muli %add3A_481, %mul3A_630 : i32
          %add3A_632 = arith.addi %mul3A_34, %mul3A_631 : i32
          %dma_wait3A_633 = arith.constant 0 : i32
          %dma_wait3A_634 = arith.constant 0 : i32
          %dma_wait3A_635 = tpu.memref_slice %arg8[%rem3A_483, %dma_wait3A_633, %dma_wait3A_634] : memref<4x2x128xi32, #tpu.memory_space<vmem>> -> memref<1x2x32xi32, #tpu.memory_space<vmem>>
          %dma_wait3A_636 = tpu.memref_squeeze %dma_wait3A_635 : memref<1x2x32xi32, #tpu.memory_space<vmem>> -> memref<2x32xi32, #tpu.memory_space<vmem>>
          %dma_wait3A_637 = arith.constant 0 : i32
          %dma_wait3A_638 = tpu.memref_slice %arg3[%dma_wait3A_637, %add3A_632] : memref<2x320000xi32, #tpu.memory_space<hbm>> -> memref<2x32xi32, #tpu.memory_space<hbm>>
          %dma_wait3A_639 = tpu.memref_slice %arg13[%rem3A_483] : memref<4x!tpu.dma_semaphore, #tpu.memory_space<semaphore_mem>> -> memref<1x!tpu.dma_semaphore, #tpu.memory_space<semaphore_mem>>
          %dma_wait3A_640 = tpu.memref_squeeze %dma_wait3A_639 : memref<1x!tpu.dma_semaphore, #tpu.memory_space<semaphore_mem>> -> memref<!tpu.dma_semaphore, #tpu.memory_space<semaphore_mem>>
          %dma_wait3A_641 = arith.constant 0 : i32
          %dma_wait3A_642 = arith.constant 0 : i32
          %dma_wait3A_643 = tpu.memref_slice %arg8[%rem3A_483, %dma_wait3A_641, %dma_wait3A_642] : memref<4x2x128xi32, #tpu.memory_space<vmem>> -> memref<1x2x32xi32, #tpu.memory_space<vmem>>
          %dma_wait3A_644 = tpu.memref_squeeze %dma_wait3A_643 : memref<1x2x32xi32, #tpu.memory_space<vmem>> -> memref<2x32xi32, #tpu.memory_space<vmem>>
          %dma_wait3A_645 = arith.constant 0 : i32
          %dma_wait3A_646 = tpu.memref_slice %arg3[%dma_wait3A_645, %add3A_632] : memref<2x320000xi32, #tpu.memory_space<hbm>> -> memref<2x32xi32, #tpu.memory_space<hbm>>
          tpu.wait_dma2 semaphore(%dma_wait3A_640 : memref<!tpu.dma_semaphore, #tpu.memory_space<semaphore_mem>>) src(%dma_wait3A_646 : memref<2x32xi32, #tpu.memory_space<hbm>>) dst(%dma_wait3A_644 : memref<2x32xi32, #tpu.memory_space<vmem>>)
        } else {
        }
        %get3A_493 = arith.constant 0 : i32
        %get3A_494 = arith.index_cast %rem3A_483 : i32 to index
        %get3A_495 = arith.index_cast %get3A_493 : i32 to index
        %get3A_496 = arith.constant 0 : index
        %get3A_497 = tpu.vector_load %arg8[%get3A_494, %get3A_495, %get3A_496] {strides = array<i32>} : memref<4x2x128xi32, #tpu.memory_space<vmem>>, vector<1x1x16xi32>,
        %get3A_498 = vector.shape_cast %get3A_497 : vector<1x1x16xi32> to vector<16xi32>
        %add3A_499 = vector.broadcast %mul3A_0 : i32 to vector<16xi32>
        %add3A_500 = arith.addi %get3A_498, %add3A_499 : vector<16xi32>
        %swap3A_501 = arith.constant 0 : i32
        %swap3A_502 = arith.index_cast %rem3A_483 : i32 to index
        %swap3A_503 = arith.index_cast %swap3A_501 : i32 to index
        %swap3A_504 = arith.constant 0 : index
        %swap3A_505 = tpu.vector_load %arg8[%swap3A_502, %swap3A_503, %swap3A_504] {strides = array<i32>} : memref<4x2x128xi32, #tpu.memory_space<vmem>>, vector<1x1x16xi32>,
        %swap3A_506 = vector.shape_cast %swap3A_505 : vector<1x1x16xi32> to vector<16xi32>
        %swap3A_507 = vector.shape_cast %add3A_500 : vector<16xi32> to vector<1x1x16xi32>
        tpu.vector_store %arg8[%swap3A_502, %swap3A_503, %swap3A_504], %swap3A_507 {strides = array<i32>} : memref<4x2x128xi32, #tpu.memory_space<vmem>>, vector<1x1x16xi32>,
        %get3A_508 = arith.constant 0 : i32
        %get3A_509 = arith.index_cast %rem3A_483 : i32 to index
        %get3A_510 = arith.index_cast %get3A_508 : i32 to index
        %get3A_511 = arith.constant 16 : index
        %get3A_512 = tpu.vector_load %arg8[%get3A_509, %get3A_510, %get3A_511] {strides = array<i32>} : memref<4x2x128xi32, #tpu.memory_space<vmem>>, vector<1x1x16xi32>,
        %get3A_513 = vector.shape_cast %get3A_512 : vector<1x1x16xi32> to vector<16xi32>
        %add3A_514 = vector.broadcast %mul3A_0 : i32 to vector<16xi32>
        %add3A_515 = arith.addi %get3A_513, %add3A_514 : vector<16xi32>
        %swap3A_516 = arith.constant 0 : i32
        %swap3A_517 = arith.index_cast %rem3A_483 : i32 to index
        %swap3A_518 = arith.index_cast %swap3A_516 : i32 to index
        %swap3A_519 = arith.constant 16 : index
        %swap3A_520 = tpu.vector_load %arg8[%swap3A_517, %swap3A_518, %swap3A_519] {strides = array<i32>} : memref<4x2x128xi32, #tpu.memory_space<vmem>>, vector<1x1x16xi32>,
        %swap3A_521 = vector.shape_cast %swap3A_520 : vector<1x1x16xi32> to vector<16xi32>
        %swap3A_522 = vector.shape_cast %add3A_515 : vector<16xi32> to vector<1x1x16xi32>
        tpu.vector_store %arg8[%swap3A_517, %swap3A_518, %swap3A_519], %swap3A_522 {strides = array<i32>} : memref<4x2x128xi32, #tpu.memory_space<vmem>>, vector<1x1x16xi32>,
        %get3A_523 = arith.constant 0 : i32
        %get3A_524 = arith.index_cast %rem3A_483 : i32 to index
        %get3A_525 = arith.index_cast %get3A_523 : i32 to index
        %get3A_526 = arith.constant 32 : index
        %get3A_527 = tpu.vector_load %arg8[%get3A_524, %get3A_525, %get3A_526] {strides = array<i32>} : memref<4x2x128xi32, #tpu.memory_space<vmem>>, vector<1x1x16xi32>,
        %get3A_528 = vector.shape_cast %get3A_527 : vector<1x1x16xi32> to vector<16xi32>
        %add3A_529 = vector.broadcast %mul3A_0 : i32 to vector<16xi32>
        %add3A_530 = arith.addi %get3A_528, %add3A_529 : vector<16xi32>
        %swap3A_531 = arith.constant 0 : i32
        %swap3A_532 = arith.index_cast %rem3A_483 : i32 to index
        %swap3A_533 = arith.index_cast %swap3A_531 : i32 to index
        %swap3A_534 = arith.constant 32 : index
        %swap3A_535 = tpu.vector_load %arg8[%swap3A_532, %swap3A_533, %swap3A_534] {strides = array<i32>} : memref<4x2x128xi32, #tpu.memory_space<vmem>>, vector<1x1x16xi32>,
        %swap3A_536 = vector.shape_cast %swap3A_535 : vector<1x1x16xi32> to vector<16xi32>
        %swap3A_537 = vector.shape_cast %add3A_530 : vector<16xi32> to vector<1x1x16xi32>
        tpu.vector_store %arg8[%swap3A_532, %swap3A_533, %swap3A_534], %swap3A_537 {strides = array<i32>} : memref<4x2x128xi32, #tpu.memory_space<vmem>>, vector<1x1x16xi32>,
        %get3A_538 = arith.constant 0 : i32
        %get3A_539 = arith.index_cast %rem3A_483 : i32 to index
        %get3A_540 = arith.index_cast %get3A_538 : i32 to index
        %get3A_541 = arith.constant 48 : index
        %get3A_542 = tpu.vector_load %arg8[%get3A_539, %get3A_540, %get3A_541] {strides = array<i32>} : memref<4x2x128xi32, #tpu.memory_space<vmem>>, vector<1x1x16xi32>,
        %get3A_543 = vector.shape_cast %get3A_542 : vector<1x1x16xi32> to vector<16xi32>
        %add3A_544 = vector.broadcast %mul3A_0 : i32 to vector<16xi32>
        %add3A_545 = arith.addi %get3A_543, %add3A_544 : vector<16xi32>
        %swap3A_546 = arith.constant 0 : i32
        %swap3A_547 = arith.index_cast %rem3A_483 : i32 to index
        %swap3A_548 = arith.index_cast %swap3A_546 : i32 to index
        %swap3A_549 = arith.constant 48 : index
        %swap3A_550 = tpu.vector_load %arg8[%swap3A_547, %swap3A_548, %swap3A_549] {strides = array<i32>} : memref<4x2x128xi32, #tpu.memory_space<vmem>>, vector<1x1x16xi32>,
        %swap3A_551 = vector.shape_cast %swap3A_550 : vector<1x1x16xi32> to vector<16xi32>
        %swap3A_552 = vector.shape_cast %add3A_545 : vector<16xi32> to vector<1x1x16xi32>
        tpu.vector_store %arg8[%swap3A_547, %swap3A_548, %swap3A_549], %swap3A_552 {strides = array<i32>} : memref<4x2x128xi32, #tpu.memory_space<vmem>>, vector<1x1x16xi32>,
        %get3A_553 = arith.constant 0 : i32
        %get3A_554 = arith.index_cast %rem3A_483 : i32 to index
        %get3A_555 = arith.index_cast %get3A_553 : i32 to index
        %get3A_556 = arith.constant 64 : index
        %get3A_557 = tpu.vector_load %arg8[%get3A_554, %get3A_555, %get3A_556] {strides = array<i32>} : memref<4x2x128xi32, #tpu.memory_space<vmem>>, vector<1x1x16xi32>,
        %get3A_558 = vector.shape_cast %get3A_557 : vector<1x1x16xi32> to vector<16xi32>
        %add3A_559 = vector.broadcast %mul3A_0 : i32 to vector<16xi32>
        %add3A_560 = arith.addi %get3A_558, %add3A_559 : vector<16xi32>
        %swap3A_561 = arith.constant 0 : i32
        %swap3A_562 = arith.index_cast %rem3A_483 : i32 to index
        %swap3A_563 = arith.index_cast %swap3A_561 : i32 to index
        %swap3A_564 = arith.constant 64 : index
        %swap3A_565 = tpu.vector_load %arg8[%swap3A_562, %swap3A_563, %swap3A_564] {strides = array<i32>} : memref<4x2x128xi32, #tpu.memory_space<vmem>>, vector<1x1x16xi32>,
        %swap3A_566 = vector.shape_cast %swap3A_565 : vector<1x1x16xi32> to vector<16xi32>
        %swap3A_567 = vector.shape_cast %add3A_560 : vector<16xi32> to vector<1x1x16xi32>
        tpu.vector_store %arg8[%swap3A_562, %swap3A_563, %swap3A_564], %swap3A_567 {strides = array<i32>} : memref<4x2x128xi32, #tpu.memory_space<vmem>>, vector<1x1x16xi32>,
        %get3A_568 = arith.constant 0 : i32
        %get3A_569 = arith.index_cast %rem3A_483 : i32 to index
        %get3A_570 = arith.index_cast %get3A_568 : i32 to index
        %get3A_571 = arith.constant 80 : index
        %get3A_572 = tpu.vector_load %arg8[%get3A_569, %get3A_570, %get3A_571] {strides = array<i32>} : memref<4x2x128xi32, #tpu.memory_space<vmem>>, vector<1x1x16xi32>,
        %get3A_573 = vector.shape_cast %get3A_572 : vector<1x1x16xi32> to vector<16xi32>
        %add3A_574 = vector.broadcast %mul3A_0 : i32 to vector<16xi32>
        %add3A_575 = arith.addi %get3A_573, %add3A_574 : vector<16xi32>
        %swap3A_576 = arith.constant 0 : i32
        %swap3A_577 = arith.index_cast %rem3A_483 : i32 to index
        %swap3A_578 = arith.index_cast %swap3A_576 : i32 to index
        %swap3A_579 = arith.constant 80 : index
        %swap3A_580 = tpu.vector_load %arg8[%swap3A_577, %swap3A_578, %swap3A_579] {strides = array<i32>} : memref<4x2x128xi32, #tpu.memory_space<vmem>>, vector<1x1x16xi32>,
        %swap3A_581 = vector.shape_cast %swap3A_580 : vector<1x1x16xi32> to vector<16xi32>
        %swap3A_582 = vector.shape_cast %add3A_575 : vector<16xi32> to vector<1x1x16xi32>
        tpu.vector_store %arg8[%swap3A_577, %swap3A_578, %swap3A_579], %swap3A_582 {strides = array<i32>} : memref<4x2x128xi32, #tpu.memory_space<vmem>>, vector<1x1x16xi32>,
        %get3A_583 = arith.constant 0 : i32
        %get3A_584 = arith.index_cast %rem3A_483 : i32 to index
        %get3A_585 = arith.index_cast %get3A_583 : i32 to index
        %get3A_586 = arith.constant 96 : index
        %get3A_587 = tpu.vector_load %arg8[%get3A_584, %get3A_585, %get3A_586] {strides = array<i32>} : memref<4x2x128xi32, #tpu.memory_space<vmem>>, vector<1x1x16xi32>,
        %get3A_588 = vector.shape_cast %get3A_587 : vector<1x1x16xi32> to vector<16xi32>
        %add3A_589 = vector.broadcast %mul3A_0 : i32 to vector<16xi32>
        %add3A_590 = arith.addi %get3A_588, %add3A_589 : vector<16xi32>
        %swap3A_591 = arith.constant 0 : i32
        %swap3A_592 = arith.index_cast %rem3A_483 : i32 to index
        %swap3A_593 = arith.index_cast %swap3A_591 : i32 to index
        %swap3A_594 = arith.constant 96 : index
        %swap3A_595 = tpu.vector_load %arg8[%swap3A_592, %swap3A_593, %swap3A_594] {strides = array<i32>} : memref<4x2x128xi32, #tpu.memory_space<vmem>>, vector<1x1x16xi32>,
        %swap3A_596 = vector.shape_cast %swap3A_595 : vector<1x1x16xi32> to vector<16xi32>
        %swap3A_597 = vector.shape_cast %add3A_590 : vector<16xi32> to vector<1x1x16xi32>
        tpu.vector_store %arg8[%swap3A_592, %swap3A_593, %swap3A_594], %swap3A_597 {strides = array<i32>} : memref<4x2x128xi32, #tpu.memory_space<vmem>>, vector<1x1x16xi32>,
        %get3A_598 = arith.constant 0 : i32
        %get3A_599 = arith.index_cast %rem3A_483 : i32 to index
        %get3A_600 = arith.index_cast %get3A_598 : i32 to index
        %get3A_601 = arith.constant 112 : index
        %get3A_602 = tpu.vector_load %arg8[%get3A_599, %get3A_600, %get3A_601] {strides = array<i32>} : memref<4x2x128xi32, #tpu.memory_space<vmem>>, vector<1x1x16xi32>,
        %get3A_603 = vector.shape_cast %get3A_602 : vector<1x1x16xi32> to vector<16xi32>
        %add3A_604 = vector.broadcast %mul3A_0 : i32 to vector<16xi32>
        %add3A_605 = arith.addi %get3A_603, %add3A_604 : vector<16xi32>
        %swap3A_606 = arith.constant 0 : i32
        %swap3A_607 = arith.index_cast %rem3A_483 : i32 to index
        %swap3A_608 = arith.index_cast %swap3A_606 : i32 to index
        %swap3A_609 = arith.constant 112 : index
        %swap3A_610 = tpu.vector_load %arg8[%swap3A_607, %swap3A_608, %swap3A_609] {strides = array<i32>} : memref<4x2x128xi32, #tpu.memory_space<vmem>>, vector<1x1x16xi32>,
        %swap3A_611 = vector.shape_cast %swap3A_610 : vector<1x1x16xi32> to vector<16xi32>
        %swap3A_612 = vector.shape_cast %add3A_605 : vector<16xi32> to vector<1x1x16xi32>
        tpu.vector_store %arg8[%swap3A_607, %swap3A_608, %swap3A_609], %swap3A_612 {strides = array<i32>} : memref<4x2x128xi32, #tpu.memory_space<vmem>>, vector<1x1x16xi32>,
        %add3A_613 = arith.constant 2 : i32
        %add3A_614 = arith.addi %scan3A_424, %add3A_613 : i32
        %rem3A_615 = arith.constant 4 : i32
        %rem3A_616 = arith.remsi %add3A_614, %rem3A_615 : i32
        %dma_start3A_617 = arith.constant 0 : i32
        %dma_start3A_618 = arith.constant 0 : i32
        %dma_start3A_619 = arith.constant 0 : i32
        %dma_start3A_620 = tpu.memref_slice %arg9[%rem3A_616, %dma_start3A_618, %dma_start3A_619] : memref<4x128x64xf32, #tpu.memory_space<vmem>> -> memref<1x128x64xf32, #tpu.memory_space<vmem>>
        %dma_start3A_621 = tpu.memref_squeeze %dma_start3A_620 : memref<1x128x64xf32, #tpu.memory_space<vmem>> -> memref<128x64xf32, #tpu.memory_space<vmem>>
        %dma_start3A_622 = arith.constant 0 : i32
        %dma_start3A_623 = tpu.memref_slice %arg8[%rem3A_616, %dma_start3A_617, %dma_start3A_622] : memref<4x2x128xi32, #tpu.memory_space<vmem>> -> memref<1x1x128xi32, #tpu.memory_space<vmem>>
        %dma_start3A_624 = tpu.memref_squeeze %dma_start3A_623 : memref<1x1x128xi32, #tpu.memory_space<vmem>> -> memref<128xi32, #tpu.memory_space<vmem>>
        %dma_start3A_625 = arith.constant 0 : i32
        %dma_start3A_626 = arith.constant 0 : i32
        %dma_start3A_627 = tpu.memref_slice %arg2[%dma_start3A_625, %dma_start3A_626] : memref<20000x64xf32, #tpu.memory_space<hbm>> -> memref<20000x64xf32, #tpu.memory_space<hbm>>
        %dma_start3A_628 = tpu.memref_slice %arg14[%rem3A_616] : memref<4x!tpu.dma_semaphore, #tpu.memory_space<semaphore_mem>> -> memref<1x!tpu.dma_semaphore, #tpu.memory_space<semaphore_mem>>
        %dma_start3A_629 = tpu.memref_squeeze %dma_start3A_628 : memref<1x!tpu.dma_semaphore, #tpu.memory_space<semaphore_mem>> -> memref<!tpu.dma_semaphore, #tpu.memory_space<semaphore_mem>>
        tpu.enqueue_indirect_dma source(%dma_start3A_627 : memref<20000x64xf32, #tpu.memory_space<hbm>>) target(%dma_start3A_621 : memref<128x64xf32, #tpu.memory_space<vmem>>) offsets(%dma_start3A_624 : memref<128xi32, #tpu.memory_space<vmem>>) semaphore(%dma_start3A_629 : memref<!tpu.dma_semaphore, #tpu.memory_space<semaphore_mem>>)
      } else {
      }
      %rem3A_441 = arith.constant 4 : i32
      %rem3A_442 = arith.remsi %scan3A_424, %rem3A_441 : i32
      %dma_wait3A = arith.constant 0 : i32
      %dma_wait3A_443 = arith.constant 0 : i32
      %dma_wait3A_444 = arith.constant 0 : i32
      %dma_wait3A_445 = tpu.memref_slice %arg9[%rem3A_442, %dma_wait3A_443, %dma_wait3A_444] : memref<4x128x64xf32, #tpu.memory_space<vmem>> -> memref<1x128x64xf32, #tpu.memory_space<vmem>>
      %dma_wait3A_446 = tpu.memref_squeeze %dma_wait3A_445 : memref<1x128x64xf32, #tpu.memory_space<vmem>> -> memref<128x64xf32, #tpu.memory_space<vmem>>
      %dma_wait3A_447 = arith.constant 0 : i32
      %dma_wait3A_448 = tpu.memref_slice %arg8[%rem3A_442, %dma_wait3A, %dma_wait3A_447] : memref<4x2x128xi32, #tpu.memory_space<vmem>> -> memref<1x1x128xi32, #tpu.memory_space<vmem>>
      %dma_wait3A_449 = tpu.memref_squeeze %dma_wait3A_448 : memref<1x1x128xi32, #tpu.memory_space<vmem>> -> memref<128xi32, #tpu.memory_space<vmem>>
      %dma_wait3A_450 = arith.constant 0 : i32
      %dma_wait3A_451 = arith.constant 0 : i32
      %dma_wait3A_452 = tpu.memref_slice %arg2[%dma_wait3A_450, %dma_wait3A_451] : memref<20000x64xf32, #tpu.memory_space<hbm>> -> memref<20000x64xf32, #tpu.memory_space<hbm>>
      %dma_wait3A_453 = tpu.memref_slice %arg14[%rem3A_442] : memref<4x!tpu.dma_semaphore, #tpu.memory_space<semaphore_mem>> -> memref<1x!tpu.dma_semaphore, #tpu.memory_space<semaphore_mem>>
      %dma_wait3A_454 = tpu.memref_squeeze %dma_wait3A_453 : memref<1x!tpu.dma_semaphore, #tpu.memory_space<semaphore_mem>> -> memref<!tpu.dma_semaphore, #tpu.memory_space<semaphore_mem>>
      tpu.wait_indirect_dma semaphore(%dma_wait3A_454 : memref<!tpu.dma_semaphore, #tpu.memory_space<semaphore_mem>>) src(%dma_wait3A_452 : memref<20000x64xf32, #tpu.memory_space<hbm>>) dst(%dma_wait3A_446 : memref<128x64xf32, #tpu.memory_space<vmem>>)
      %rem3A_455 = arith.constant 4 : i32
      %rem3A_456 = arith.remsi %scan3A_424, %rem3A_455 : i32
      %dma_start3A_457 = arith.constant 1 : i32
      %dma_start3A_458 = arith.constant 0 : i32
      %dma_start3A_459 = arith.constant 0 : i32
      %dma_start3A_460 = tpu.memref_slice %arg9[%rem3A_456, %dma_start3A_458, %dma_start3A_459] : memref<4x128x64xf32, #tpu.memory_space<vmem>> -> memref<1x128x64xf32, #tpu.memory_space<vmem>>
      %dma_start3A_461 = tpu.memref_squeeze %dma_start3A_460 : memref<1x128x64xf32, #tpu.memory_space<vmem>> -> memref<128x64xf32, #tpu.memory_space<vmem>>
      %dma_start3A_462 = arith.constant 0 : i32
      %dma_start3A_463 = tpu.memref_slice %arg8[%rem3A_456, %dma_start3A_457, %dma_start3A_462] : memref<4x2x128xi32, #tpu.memory_space<vmem>> -> memref<1x1x128xi32, #tpu.memory_space<vmem>>
      %dma_start3A_464 = tpu.memref_squeeze %dma_start3A_463 : memref<1x1x128xi32, #tpu.memory_space<vmem>> -> memref<128xi32, #tpu.memory_space<vmem>>
      %dma_start3A_465 = arith.constant 0 : i32
      %dma_start3A_466 = arith.constant 0 : i32
      %dma_start3A_467 = tpu.memref_slice %arg6[%dma_start3A_465, %dma_start3A_466] : memref<10008x64xf32, #tpu.memory_space<vmem_shared>> -> memref<10008x64xf32, #tpu.memory_space<vmem_shared>>
      %dma_start3A_468 = tpu.memref_slice %arg15[%rem3A_456] : memref<4x!tpu.dma_semaphore, #tpu.memory_space<semaphore_mem>> -> memref<1x!tpu.dma_semaphore, #tpu.memory_space<semaphore_mem>>
      %dma_start3A_469 = tpu.memref_squeeze %dma_start3A_468 : memref<1x!tpu.dma_semaphore, #tpu.memory_space<semaphore_mem>> -> memref<!tpu.dma_semaphore, #tpu.memory_space<semaphore_mem>>
      tpu.enqueue_indirect_dma source(%dma_start3A_461 : memref<128x64xf32, #tpu.memory_space<vmem>>) target(%dma_start3A_467 : memref<10008x64xf32, #tpu.memory_space<vmem_shared>>) offsets(%dma_start3A_464 : memref<128xi32, #tpu.memory_space<vmem>>) semaphore(%dma_start3A_469 : memref<!tpu.dma_semaphore, #tpu.memory_space<semaphore_mem>>) {add = true}
      %dma_start3A_470 = arith.constant 1 : i32
      %dma_start3A_471 = arith.constant 0 : i32
      %dma_start3A_472 = tpu.memref_slice %arg8[%rem3A_456, %dma_start3A_470, %dma_start3A_471] : memref<4x2x128xi32, #tpu.memory_space<vmem>> -> memref<1x1x128xi32, #tpu.memory_space<vmem>>
      %dma_start3A_473 = tpu.memref_squeeze %dma_start3A_472 : memref<1x1x128xi32, #tpu.memory_space<vmem>> -> memref<128xi32, #tpu.memory_space<vmem>>
      %dma_start3A_474 = arith.constant 0 : i32
      %dma_start3A_475 = arith.constant 0 : i32
      %dma_start3A_476 = tpu.memref_slice %arg7[%dma_start3A_474, %dma_start3A_475] : memref<10008x16xf32, #tpu.memory_space<vmem_shared>> -> memref<10008x16xf32, #tpu.memory_space<vmem_shared>>
      %dma_start3A_477 = tpu.memref_slice %arg16[%rem3A_456] : memref<4x!tpu.dma_semaphore, #tpu.memory_space<semaphore_mem>> -> memref<1x!tpu.dma_semaphore, #tpu.memory_space<semaphore_mem>>
      %dma_start3A_478 = tpu.memref_squeeze %dma_start3A_477 : memref<1x!tpu.dma_semaphore, #tpu.memory_space<semaphore_mem>> -> memref<!tpu.dma_semaphore, #tpu.memory_space<semaphore_mem>>
      tpu.enqueue_indirect_dma source(%arg10 : memref<128x16xf32, #tpu.memory_space<vmem>>) target(%dma_start3A_476 : memref<10008x16xf32, #tpu.memory_space<vmem_shared>>) offsets(%dma_start3A_473 : memref<128xi32, #tpu.memory_space<vmem>>) semaphore(%dma_start3A_478 : memref<!tpu.dma_semaphore, #tpu.memory_space<semaphore_mem>>) {add = true}
      %scan3A_479 = arith.constant 0 : i32
      scf.yield %scan3A_479 : i32
    }
    %scan3A_360 = arith.constant 157 : i32
    %scan3A_361 = arith.constant 0 : i32
    %scan3A_362 = arith.constant 153 : i32
    %scan3A_363 = arith.constant 4 : i32
    %scan3A_364 = arith.addi %scan3A_362, %scan3A_363 : i32
    %scan3A_365 = arith.constant 1 : i32
    %scan3A_366 = scf.for %scan3A_424 = %scan3A_362 to %scan3A_364 step %scan3A_365 iter_args(%scan3A_425 = %scan3A_361) -> (i32)  : i32 {
      %rem3A_426 = arith.constant 4 : i32
      %rem3A_427 = arith.remsi %scan3A_424, %rem3A_426 : i32
      %dma_wait3A = arith.constant 1 : i32
      %dma_wait3A_428 = arith.constant 0 : i32
      %dma_wait3A_429 = arith.constant 0 : i32
      %dma_wait3A_430 = tpu.memref_slice %arg9[%rem3A_427, %dma_wait3A_428, %dma_wait3A_429] : memref<4x128x64xf32, #tpu.memory_space<vmem>> -> memref<1x128x64xf32, #tpu.memory_space<vmem>>
      %dma_wait3A_431 = tpu.memref_squeeze %dma_wait3A_430 : memref<1x128x64xf32, #tpu.memory_space<vmem>> -> memref<128x64xf32, #tpu.memory_space<vmem>>
      %dma_wait3A_432 = arith.constant 0 : i32
      %dma_wait3A_433 = tpu.memref_slice %arg8[%rem3A_427, %dma_wait3A, %dma_wait3A_432] : memref<4x2x128xi32, #tpu.memory_space<vmem>> -> memref<1x1x128xi32, #tpu.memory_space<vmem>>
      %dma_wait3A_434 = tpu.memref_squeeze %dma_wait3A_433 : memref<1x1x128xi32, #tpu.memory_space<vmem>> -> memref<128xi32, #tpu.memory_space<vmem>>
      %dma_wait3A_435 = arith.constant 0 : i32
      %dma_wait3A_436 = arith.constant 0 : i32
      %dma_wait3A_437 = tpu.memref_slice %arg6[%dma_wait3A_435, %dma_wait3A_436] : memref<10008x64xf32, #tpu.memory_space<vmem_shared>> -> memref<10008x64xf32, #tpu.memory_space<vmem_shared>>
      %dma_wait3A_438 = tpu.memref_slice %arg15[%rem3A_427] : memref<4x!tpu.dma_semaphore, #tpu.memory_space<semaphore_mem>> -> memref<1x!tpu.dma_semaphore, #tpu.memory_space<semaphore_mem>>
      %dma_wait3A_439 = tpu.memref_squeeze %dma_wait3A_438 : memref<1x!tpu.dma_semaphore, #tpu.memory_space<semaphore_mem>> -> memref<!tpu.dma_semaphore, #tpu.memory_space<semaphore_mem>>
      tpu.wait_indirect_dma semaphore(%dma_wait3A_439 : memref<!tpu.dma_semaphore, #tpu.memory_space<semaphore_mem>>) src(%dma_wait3A_431 : memref<128x64xf32, #tpu.memory_space<vmem>>) dst(%dma_wait3A_437 : memref<10008x64xf32, #tpu.memory_space<vmem_shared>>)
      %dma_wait3A_440 = arith.constant 1 : i32
      %dma_wait3A_441 = arith.constant 0 : i32
      %dma_wait3A_442 = tpu.memref_slice %arg8[%rem3A_427, %dma_wait3A_440, %dma_wait3A_441] : memref<4x2x128xi32, #tpu.memory_space<vmem>> -> memref<1x1x128xi32, #tpu.memory_space<vmem>>
      %dma_wait3A_443 = tpu.memref_squeeze %dma_wait3A_442 : memref<1x1x128xi32, #tpu.memory_space<vmem>> -> memref<128xi32, #tpu.memory_space<vmem>>
      %dma_wait3A_444 = arith.constant 0 : i32
      %dma_wait3A_445 = arith.constant 0 : i32
      %dma_wait3A_446 = tpu.memref_slice %arg7[%dma_wait3A_444, %dma_wait3A_445] : memref<10008x16xf32, #tpu.memory_space<vmem_shared>> -> memref<10008x16xf32, #tpu.memory_space<vmem_shared>>
      %dma_wait3A_447 = tpu.memref_slice %arg16[%rem3A_427] : memref<4x!tpu.dma_semaphore, #tpu.memory_space<semaphore_mem>> -> memref<1x!tpu.dma_semaphore, #tpu.memory_space<semaphore_mem>>
      %dma_wait3A_448 = tpu.memref_squeeze %dma_wait3A_447 : memref<1x!tpu.dma_semaphore, #tpu.memory_space<semaphore_mem>> -> memref<!tpu.dma_semaphore, #tpu.memory_space<semaphore_mem>>
      tpu.wait_indirect_dma semaphore(%dma_wait3A_448 : memref<!tpu.dma_semaphore, #tpu.memory_space<semaphore_mem>>) src(%arg10 : memref<128x16xf32, #tpu.memory_space<vmem>>) dst(%dma_wait3A_446 : memref<10008x16xf32, #tpu.memory_space<vmem_shared>>)
      %scan3A_449 = arith.constant 0 : i32
      scf.yield %scan3A_449 : i32
    }
    %scan3A_367 = arith.constant 4 : i32
    %barrier3A_368 = arith.constant 0 : index
    tpu.barrier barrier_id(%barrier3A_368)
    %mul3A_369 = arith.constant 625 : i32
    %mul3A_370 = arith.muli %arg1, %mul3A_369 : i32
    %add3A_371 = arith.constant 0 : i32
    %add3A_372 = arith.addi %mul3A_370, %add3A_371 : i32
    "tpu.region"() ({
      %run_scoped3A = tpu.sem_alloc : memref<!tpu.dma_semaphore, #tpu.memory_space<semaphore_mem>>
      %dma_start3A_424 = arith.constant 0 : i32
      %dma_start3A_425 = tpu.memref_slice %arg6[%add3A_372, %dma_start3A_424] : memref<10008x64xf32, #tpu.memory_space<vmem_shared>> -> memref<125x64xf32, #tpu.memory_space<vmem_shared>>
      %dma_start3A_426 = arith.constant 0 : i32
      %dma_start3A_427 = tpu.memref_slice %arg6[%add3A_372, %dma_start3A_426] : memref<10008x64xf32, #tpu.memory_space<vmem_shared>> -> memref<125x64xf32, #tpu.memory_space<vmem_shared>>
      tpu.enqueue_dma source(%dma_start3A_427 : memref<125x64xf32, #tpu.memory_space<vmem_shared>>) target(%arg11 : memref<125x64xf32, #tpu.memory_space<vmem>>) target_semaphore(%run_scoped3A : memref<!tpu.dma_semaphore, #tpu.memory_space<semaphore_mem>>)
      %dma_wait3A = arith.constant 0 : i32
      %dma_wait3A_428 = tpu.memref_slice %arg6[%add3A_372, %dma_wait3A] : memref<10008x64xf32, #tpu.memory_space<vmem_shared>> -> memref<125x64xf32, #tpu.memory_space<vmem_shared>>
      %dma_wait3A_429 = arith.constant 0 : i32
      %dma_wait3A_430 = tpu.memref_slice %arg6[%add3A_372, %dma_wait3A_429] : memref<10008x64xf32, #tpu.memory_space<vmem_shared>> -> memref<125x64xf32, #tpu.memory_space<vmem_shared>>
      tpu.wait_dma2 semaphore(%run_scoped3A : memref<!tpu.dma_semaphore, #tpu.memory_space<semaphore_mem>>) src(%dma_wait3A_430 : memref<125x64xf32, #tpu.memory_space<vmem_shared>>) dst(%arg11 : memref<125x64xf32, #tpu.memory_space<vmem>>)
      tpu.yield
    }) : () -> ()
    "tpu.region"() ({
      %run_scoped3A = tpu.sem_alloc : memref<!tpu.dma_semaphore, #tpu.memory_space<semaphore_mem>>
      %dma_start3A_424 = arith.constant 0 : i32
      %dma_start3A_425 = tpu.memref_slice %arg7[%add3A_372, %dma_start3A_424] : memref<10008x16xf32, #tpu.memory_space<vmem_shared>> -> memref<125x16xf32, #tpu.memory_space<vmem_shared>>
      %dma_start3A_426 = arith.constant 0 : i32
      %dma_start3A_427 = tpu.memref_slice %arg7[%add3A_372, %dma_start3A_426] : memref<10008x16xf32, #tpu.memory_space<vmem_shared>> -> memref<125x16xf32, #tpu.memory_space<vmem_shared>>
      tpu.enqueue_dma source(%dma_start3A_427 : memref<125x16xf32, #tpu.memory_space<vmem_shared>>) target(%arg12 : memref<125x16xf32, #tpu.memory_space<vmem>>) target_semaphore(%run_scoped3A : memref<!tpu.dma_semaphore, #tpu.memory_space<semaphore_mem>>)
      %dma_wait3A = arith.constant 0 : i32
      %dma_wait3A_428 = tpu.memref_slice %arg7[%add3A_372, %dma_wait3A] : memref<10008x16xf32, #tpu.memory_space<vmem_shared>> -> memref<125x16xf32, #tpu.memory_space<vmem_shared>>
      %dma_wait3A_429 = arith.constant 0 : i32
      %dma_wait3A_430 = tpu.memref_slice %arg7[%add3A_372, %dma_wait3A_429] : memref<10008x16xf32, #tpu.memory_space<vmem_shared>> -> memref<125x16xf32, #tpu.memory_space<vmem_shared>>
      tpu.wait_dma2 semaphore(%run_scoped3A : memref<!tpu.dma_semaphore, #tpu.memory_space<semaphore_mem>>) src(%dma_wait3A_430 : memref<125x16xf32, #tpu.memory_space<vmem_shared>>) dst(%arg12 : memref<125x16xf32, #tpu.memory_space<vmem>>)
      tpu.yield
    }) : () -> ()
    %scan3A_373 = arith.constant 0 : i32
    %scan3A_374 = arith.constant 0 : i32
    %scan3A_375 = arith.constant 125 : i32
    %scan3A_376 = arith.addi %scan3A_374, %scan3A_375 : i32
    %scan3A_377 = arith.constant 1 : i32
    %scan3A_378 = scf.for %scan3A_424 = %scan3A_374 to %scan3A_376 step %scan3A_377 iter_args(%scan3A_425 = %scan3A_373) -> (i32)  : i32 {
      %get3A_426 = arith.index_cast %scan3A_424 : i32 to index
      %get3A_427 = arith.constant 0 : index
      %get3A_428 = tpu.vector_load %arg12[%get3A_426, %get3A_427] {strides = array<i32>} : memref<125x16xf32, #tpu.memory_space<vmem>>, vector<1x16xf32>,
      %get3A_429 = vector.shape_cast %get3A_428 : vector<1x16xf32> to vector<16xf32>
      %gt3A = arith.constant 0.000000e+00 : f32
      %gt3A_430 = vector.broadcast %gt3A : f32 to vector<16xf32>
      %gt3A_431 = arith.cmpf ogt, %get3A_429, %gt3A_430 : vector<16xf32>
      %div3A = arith.constant 1.000000e+00 : f32
      %div3A_432 = vector.broadcast %div3A : f32 to vector<16xf32>
      %div3A_433 = arith.divf %div3A_432, %get3A_429 : vector<16xf32>
      %jit3A = arith.constant 0.000000e+00 : f32
      %broadcast_in_dim3A = vector.broadcast %jit3A : f32 to vector<16xf32>
      %select_n3A = arith.select %gt3A_431, %div3A_433, %broadcast_in_dim3A : vector<16xi1>, vector<16xf32>
      %get3A_434 = arith.index_cast %scan3A_424 : i32 to index
      %get3A_435 = arith.constant 0 : index
      %get3A_436 = tpu.vector_load %arg11[%get3A_434, %get3A_435] {strides = array<i32>} : memref<125x64xf32, #tpu.memory_space<vmem>>, vector<1x16xf32>,
      %get3A_437 = vector.shape_cast %get3A_436 : vector<1x16xf32> to vector<16xf32>
      %mul3A_438 = arith.mulf %get3A_437, %select_n3A : vector<16xf32>
      %swap3A_439 = arith.index_cast %scan3A_424 : i32 to index
      %swap3A_440 = arith.constant 0 : index
      %swap3A_441 = tpu.vector_load %arg11[%swap3A_439, %swap3A_440] {strides = array<i32>} : memref<125x64xf32, #tpu.memory_space<vmem>>, vector<1x16xf32>,
      %swap3A_442 = vector.shape_cast %swap3A_441 : vector<1x16xf32> to vector<16xf32>
      %swap3A_443 = vector.shape_cast %mul3A_438 : vector<16xf32> to vector<1x16xf32>
      tpu.vector_store %arg11[%swap3A_439, %swap3A_440], %swap3A_443 {strides = array<i32>} : memref<125x64xf32, #tpu.memory_space<vmem>>, vector<1x16xf32>,
      %get3A_444 = arith.index_cast %scan3A_424 : i32 to index
      %get3A_445 = arith.constant 16 : index
      %get3A_446 = tpu.vector_load %arg11[%get3A_444, %get3A_445] {strides = array<i32>} : memref<125x64xf32, #tpu.memory_space<vmem>>, vector<1x16xf32>,
      %get3A_447 = vector.shape_cast %get3A_446 : vector<1x16xf32> to vector<16xf32>
      %mul3A_448 = arith.mulf %get3A_447, %select_n3A : vector<16xf32>
      %swap3A_449 = arith.index_cast %scan3A_424 : i32 to index
      %swap3A_450 = arith.constant 16 : index
      %swap3A_451 = tpu.vector_load %arg11[%swap3A_449, %swap3A_450] {strides = array<i32>} : memref<125x64xf32, #tpu.memory_space<vmem>>, vector<1x16xf32>,
      %swap3A_452 = vector.shape_cast %swap3A_451 : vector<1x16xf32> to vector<16xf32>
      %swap3A_453 = vector.shape_cast %mul3A_448 : vector<16xf32> to vector<1x16xf32>
      tpu.vector_store %arg11[%swap3A_449, %swap3A_450], %swap3A_453 {strides = array<i32>} : memref<125x64xf32, #tpu.memory_space<vmem>>, vector<1x16xf32>,
      %get3A_454 = arith.index_cast %scan3A_424 : i32 to index
      %get3A_455 = arith.constant 32 : index
      %get3A_456 = tpu.vector_load %arg11[%get3A_454, %get3A_455] {strides = array<i32>} : memref<125x64xf32, #tpu.memory_space<vmem>>, vector<1x16xf32>,
      %get3A_457 = vector.shape_cast %get3A_456 : vector<1x16xf32> to vector<16xf32>
      %mul3A_458 = arith.mulf %get3A_457, %select_n3A : vector<16xf32>
      %swap3A_459 = arith.index_cast %scan3A_424 : i32 to index
      %swap3A_460 = arith.constant 32 : index
      %swap3A_461 = tpu.vector_load %arg11[%swap3A_459, %swap3A_460] {strides = array<i32>} : memref<125x64xf32, #tpu.memory_space<vmem>>, vector<1x16xf32>,
      %swap3A_462 = vector.shape_cast %swap3A_461 : vector<1x16xf32> to vector<16xf32>
      %swap3A_463 = vector.shape_cast %mul3A_458 : vector<16xf32> to vector<1x16xf32>
      tpu.vector_store %arg11[%swap3A_459, %swap3A_460], %swap3A_463 {strides = array<i32>} : memref<125x64xf32, #tpu.memory_space<vmem>>, vector<1x16xf32>,
      %get3A_464 = arith.index_cast %scan3A_424 : i32 to index
      %get3A_465 = arith.constant 48 : index
      %get3A_466 = tpu.vector_load %arg11[%get3A_464, %get3A_465] {strides = array<i32>} : memref<125x64xf32, #tpu.memory_space<vmem>>, vector<1x16xf32>,
      %get3A_467 = vector.shape_cast %get3A_466 : vector<1x16xf32> to vector<16xf32>
      %mul3A_468 = arith.mulf %get3A_467, %select_n3A : vector<16xf32>
      %swap3A_469 = arith.index_cast %scan3A_424 : i32 to index
      %swap3A_470 = arith.constant 48 : index
      %swap3A_471 = tpu.vector_load %arg11[%swap3A_469, %swap3A_470] {strides = array<i32>} : memref<125x64xf32, #tpu.memory_space<vmem>>, vector<1x16xf32>,
      %swap3A_472 = vector.shape_cast %swap3A_471 : vector<1x16xf32> to vector<16xf32>
      %swap3A_473 = vector.shape_cast %mul3A_468 : vector<16xf32> to vector<1x16xf32>
      tpu.vector_store %arg11[%swap3A_469, %swap3A_470], %swap3A_473 {strides = array<i32>} : memref<125x64xf32, #tpu.memory_space<vmem>>, vector<1x16xf32>,
      %scan3A_474 = arith.constant 0 : i32
      scf.yield %scan3A_474 : i32
    }
    %scan3A_379 = arith.constant 125 : i32
    "tpu.region"() ({
      %run_scoped3A = tpu.sem_alloc : memref<!tpu.dma_semaphore, #tpu.memory_space<semaphore_mem>>
      %dma_start3A_424 = arith.constant 0 : i32
      %dma_start3A_425 = tpu.memref_slice %arg5[%arg0, %add3A_372, %dma_start3A_424] : memref<2x10000x64xf32, #tpu.memory_space<hbm>> -> memref<1x125x64xf32, #tpu.memory_space<hbm>>
      %dma_start3A_426 = tpu.memref_squeeze %dma_start3A_425 : memref<1x125x64xf32, #tpu.memory_space<hbm>> -> memref<125x64xf32, #tpu.memory_space<hbm>>
      %dma_start3A_427 = arith.constant 0 : i32
      %dma_start3A_428 = tpu.memref_slice %arg5[%arg0, %add3A_372, %dma_start3A_427] : memref<2x10000x64xf32, #tpu.memory_space<hbm>> -> memref<1x125x64xf32, #tpu.memory_space<hbm>>
      %dma_start3A_429 = tpu.memref_squeeze %dma_start3A_428 : memref<1x125x64xf32, #tpu.memory_space<hbm>> -> memref<125x64xf32, #tpu.memory_space<hbm>>
      tpu.enqueue_dma source(%arg11 : memref<125x64xf32, #tpu.memory_space<vmem>>) target(%dma_start3A_429 : memref<125x64xf32, #tpu.memory_space<hbm>>) target_semaphore(%run_scoped3A : memref<!tpu.dma_semaphore, #tpu.memory_space<semaphore_mem>>)
      %dma_wait3A = arith.constant 0 : i32
      %dma_wait3A_430 = tpu.memref_slice %arg5[%arg0, %add3A_372, %dma_wait3A] : memref<2x10000x64xf32, #tpu.memory_space<hbm>> -> memref<1x125x64xf32, #tpu.memory_space<hbm>>
      %dma_wait3A_431 = tpu.memref_squeeze %dma_wait3A_430 : memref<1x125x64xf32, #tpu.memory_space<hbm>> -> memref<125x64xf32, #tpu.memory_space<hbm>>
      %dma_wait3A_432 = arith.constant 0 : i32
      %dma_wait3A_433 = tpu.memref_slice %arg5[%arg0, %add3A_372, %dma_wait3A_432] : memref<2x10000x64xf32, #tpu.memory_space<hbm>> -> memref<1x125x64xf32, #tpu.memory_space<hbm>>
      %dma_wait3A_434 = tpu.memref_squeeze %dma_wait3A_433 : memref<1x125x64xf32, #tpu.memory_space<hbm>> -> memref<125x64xf32, #tpu.memory_space<hbm>>
      tpu.wait_dma2 semaphore(%run_scoped3A : memref<!tpu.dma_semaphore, #tpu.memory_space<semaphore_mem>>) src(%arg11 : memref<125x64xf32, #tpu.memory_space<vmem>>) dst(%dma_wait3A_434 : memref<125x64xf32, #tpu.memory_space<hbm>>)
      tpu.yield
    }) : () -> ()
    %mul3A_380 = arith.constant 625 : i32
    %mul3A_381 = arith.muli %arg1, %mul3A_380 : i32
    %add3A_382 = arith.constant 125 : i32
    %add3A_383 = arith.addi %mul3A_381, %add3A_382 : i32
    "tpu.region"() ({
      %run_scoped3A = tpu.sem_alloc : memref<!tpu.dma_semaphore, #tpu.memory_space<semaphore_mem>>
      %dma_start3A_424 = arith.constant 0 : i32
      %dma_start3A_425 = tpu.memref_slice %arg6[%add3A_383, %dma_start3A_424] : memref<10008x64xf32, #tpu.memory_space<vmem_shared>> -> memref<125x64xf32, #tpu.memory_space<vmem_shared>>
      %dma_start3A_426 = arith.constant 0 : i32
      %dma_start3A_427 = tpu.memref_slice %arg6[%add3A_383, %dma_start3A_426] : memref<10008x64xf32, #tpu.memory_space<vmem_shared>> -> memref<125x64xf32, #tpu.memory_space<vmem_shared>>
      tpu.enqueue_dma source(%dma_start3A_427 : memref<125x64xf32, #tpu.memory_space<vmem_shared>>) target(%arg11 : memref<125x64xf32, #tpu.memory_space<vmem>>) target_semaphore(%run_scoped3A : memref<!tpu.dma_semaphore, #tpu.memory_space<semaphore_mem>>)
      %dma_wait3A = arith.constant 0 : i32
      %dma_wait3A_428 = tpu.memref_slice %arg6[%add3A_383, %dma_wait3A] : memref<10008x64xf32, #tpu.memory_space<vmem_shared>> -> memref<125x64xf32, #tpu.memory_space<vmem_shared>>
      %dma_wait3A_429 = arith.constant 0 : i32
      %dma_wait3A_430 = tpu.memref_slice %arg6[%add3A_383, %dma_wait3A_429] : memref<10008x64xf32, #tpu.memory_space<vmem_shared>> -> memref<125x64xf32, #tpu.memory_space<vmem_shared>>
      tpu.wait_dma2 semaphore(%run_scoped3A : memref<!tpu.dma_semaphore, #tpu.memory_space<semaphore_mem>>) src(%dma_wait3A_430 : memref<125x64xf32, #tpu.memory_space<vmem_shared>>) dst(%arg11 : memref<125x64xf32, #tpu.memory_space<vmem>>)
      tpu.yield
    }) : () -> ()
    "tpu.region"() ({
      %run_scoped3A = tpu.sem_alloc : memref<!tpu.dma_semaphore, #tpu.memory_space<semaphore_mem>>
      %dma_start3A_424 = arith.constant 0 : i32
      %dma_start3A_425 = tpu.memref_slice %arg7[%add3A_383, %dma_start3A_424] : memref<10008x16xf32, #tpu.memory_space<vmem_shared>> -> memref<125x16xf32, #tpu.memory_space<vmem_shared>>
      %dma_start3A_426 = arith.constant 0 : i32
      %dma_start3A_427 = tpu.memref_slice %arg7[%add3A_383, %dma_start3A_426] : memref<10008x16xf32, #tpu.memory_space<vmem_shared>> -> memref<125x16xf32, #tpu.memory_space<vmem_shared>>
      tpu.enqueue_dma source(%dma_start3A_427 : memref<125x16xf32, #tpu.memory_space<vmem_shared>>) target(%arg12 : memref<125x16xf32, #tpu.memory_space<vmem>>) target_semaphore(%run_scoped3A : memref<!tpu.dma_semaphore, #tpu.memory_space<semaphore_mem>>)
      %dma_wait3A = arith.constant 0 : i32
      %dma_wait3A_428 = tpu.memref_slice %arg7[%add3A_383, %dma_wait3A] : memref<10008x16xf32, #tpu.memory_space<vmem_shared>> -> memref<125x16xf32, #tpu.memory_space<vmem_shared>>
      %dma_wait3A_429 = arith.constant 0 : i32
      %dma_wait3A_430 = tpu.memref_slice %arg7[%add3A_383, %dma_wait3A_429] : memref<10008x16xf32, #tpu.memory_space<vmem_shared>> -> memref<125x16xf32, #tpu.memory_space<vmem_shared>>
      tpu.wait_dma2 semaphore(%run_scoped3A : memref<!tpu.dma_semaphore, #tpu.memory_space<semaphore_mem>>) src(%dma_wait3A_430 : memref<125x16xf32, #tpu.memory_space<vmem_shared>>) dst(%arg12 : memref<125x16xf32, #tpu.memory_space<vmem>>)
      tpu.yield
    }) : () -> ()
    %scan3A_384 = arith.constant 0 : i32
    %scan3A_385 = arith.constant 0 : i32
    %scan3A_386 = arith.constant 125 : i32
    %scan3A_387 = arith.addi %scan3A_385, %scan3A_386 : i32
    %scan3A_388 = arith.constant 1 : i32
    %scan3A_389 = scf.for %scan3A_424 = %scan3A_385 to %scan3A_387 step %scan3A_388 iter_args(%scan3A_425 = %scan3A_384) -> (i32)  : i32 {
      %get3A_426 = arith.index_cast %scan3A_424 : i32 to index
      %get3A_427 = arith.constant 0 : index
      %get3A_428 = tpu.vector_load %arg12[%get3A_426, %get3A_427] {strides = array<i32>} : memref<125x16xf32, #tpu.memory_space<vmem>>, vector<1x16xf32>,
      %get3A_429 = vector.shape_cast %get3A_428 : vector<1x16xf32> to vector<16xf32>
      %gt3A = arith.constant 0.000000e+00 : f32
      %gt3A_430 = vector.broadcast %gt3A : f32 to vector<16xf32>
      %gt3A_431 = arith.cmpf ogt, %get3A_429, %gt3A_430 : vector<16xf32>
      %div3A = arith.constant 1.000000e+00 : f32
      %div3A_432 = vector.broadcast %div3A : f32 to vector<16xf32>
      %div3A_433 = arith.divf %div3A_432, %get3A_429 : vector<16xf32>
      %jit3A = arith.constant 0.000000e+00 : f32
      %broadcast_in_dim3A = vector.broadcast %jit3A : f32 to vector<16xf32>
      %select_n3A = arith.select %gt3A_431, %div3A_433, %broadcast_in_dim3A : vector<16xi1>, vector<16xf32>
      %get3A_434 = arith.index_cast %scan3A_424 : i32 to index
      %get3A_435 = arith.constant 0 : index
      %get3A_436 = tpu.vector_load %arg11[%get3A_434, %get3A_435] {strides = array<i32>} : memref<125x64xf32, #tpu.memory_space<vmem>>, vector<1x16xf32>,
      %get3A_437 = vector.shape_cast %get3A_436 : vector<1x16xf32> to vector<16xf32>
      %mul3A_438 = arith.mulf %get3A_437, %select_n3A : vector<16xf32>
      %swap3A_439 = arith.index_cast %scan3A_424 : i32 to index
      %swap3A_440 = arith.constant 0 : index
      %swap3A_441 = tpu.vector_load %arg11[%swap3A_439, %swap3A_440] {strides = array<i32>} : memref<125x64xf32, #tpu.memory_space<vmem>>, vector<1x16xf32>,
      %swap3A_442 = vector.shape_cast %swap3A_441 : vector<1x16xf32> to vector<16xf32>
      %swap3A_443 = vector.shape_cast %mul3A_438 : vector<16xf32> to vector<1x16xf32>
      tpu.vector_store %arg11[%swap3A_439, %swap3A_440], %swap3A_443 {strides = array<i32>} : memref<125x64xf32, #tpu.memory_space<vmem>>, vector<1x16xf32>,
      %get3A_444 = arith.index_cast %scan3A_424 : i32 to index
      %get3A_445 = arith.constant 16 : index
      %get3A_446 = tpu.vector_load %arg11[%get3A_444, %get3A_445] {strides = array<i32>} : memref<125x64xf32, #tpu.memory_space<vmem>>, vector<1x16xf32>,
      %get3A_447 = vector.shape_cast %get3A_446 : vector<1x16xf32> to vector<16xf32>
      %mul3A_448 = arith.mulf %get3A_447, %select_n3A : vector<16xf32>
      %swap3A_449 = arith.index_cast %scan3A_424 : i32 to index
      %swap3A_450 = arith.constant 16 : index
      %swap3A_451 = tpu.vector_load %arg11[%swap3A_449, %swap3A_450] {strides = array<i32>} : memref<125x64xf32, #tpu.memory_space<vmem>>, vector<1x16xf32>,
      %swap3A_452 = vector.shape_cast %swap3A_451 : vector<1x16xf32> to vector<16xf32>
      %swap3A_453 = vector.shape_cast %mul3A_448 : vector<16xf32> to vector<1x16xf32>
      tpu.vector_store %arg11[%swap3A_449, %swap3A_450], %swap3A_453 {strides = array<i32>} : memref<125x64xf32, #tpu.memory_space<vmem>>, vector<1x16xf32>,
      %get3A_454 = arith.index_cast %scan3A_424 : i32 to index
      %get3A_455 = arith.constant 32 : index
      %get3A_456 = tpu.vector_load %arg11[%get3A_454, %get3A_455] {strides = array<i32>} : memref<125x64xf32, #tpu.memory_space<vmem>>, vector<1x16xf32>,
      %get3A_457 = vector.shape_cast %get3A_456 : vector<1x16xf32> to vector<16xf32>
      %mul3A_458 = arith.mulf %get3A_457, %select_n3A : vector<16xf32>
      %swap3A_459 = arith.index_cast %scan3A_424 : i32 to index
      %swap3A_460 = arith.constant 32 : index
      %swap3A_461 = tpu.vector_load %arg11[%swap3A_459, %swap3A_460] {strides = array<i32>} : memref<125x64xf32, #tpu.memory_space<vmem>>, vector<1x16xf32>,
      %swap3A_462 = vector.shape_cast %swap3A_461 : vector<1x16xf32> to vector<16xf32>
      %swap3A_463 = vector.shape_cast %mul3A_458 : vector<16xf32> to vector<1x16xf32>
      tpu.vector_store %arg11[%swap3A_459, %swap3A_460], %swap3A_463 {strides = array<i32>} : memref<125x64xf32, #tpu.memory_space<vmem>>, vector<1x16xf32>,
      %get3A_464 = arith.index_cast %scan3A_424 : i32 to index
      %get3A_465 = arith.constant 48 : index
      %get3A_466 = tpu.vector_load %arg11[%get3A_464, %get3A_465] {strides = array<i32>} : memref<125x64xf32, #tpu.memory_space<vmem>>, vector<1x16xf32>,
      %get3A_467 = vector.shape_cast %get3A_466 : vector<1x16xf32> to vector<16xf32>
      %mul3A_468 = arith.mulf %get3A_467, %select_n3A : vector<16xf32>
      %swap3A_469 = arith.index_cast %scan3A_424 : i32 to index
      %swap3A_470 = arith.constant 48 : index
      %swap3A_471 = tpu.vector_load %arg11[%swap3A_469, %swap3A_470] {strides = array<i32>} : memref<125x64xf32, #tpu.memory_space<vmem>>, vector<1x16xf32>,
      %swap3A_472 = vector.shape_cast %swap3A_471 : vector<1x16xf32> to vector<16xf32>
      %swap3A_473 = vector.shape_cast %mul3A_468 : vector<16xf32> to vector<1x16xf32>
      tpu.vector_store %arg11[%swap3A_469, %swap3A_470], %swap3A_473 {strides = array<i32>} : memref<125x64xf32, #tpu.memory_space<vmem>>, vector<1x16xf32>,
      %scan3A_474 = arith.constant 0 : i32
      scf.yield %scan3A_474 : i32
    }
    %scan3A_390 = arith.constant 125 : i32
    "tpu.region"() ({
      %run_scoped3A = tpu.sem_alloc : memref<!tpu.dma_semaphore, #tpu.memory_space<semaphore_mem>>
      %dma_start3A_424 = arith.constant 0 : i32
      %dma_start3A_425 = tpu.memref_slice %arg5[%arg0, %add3A_383, %dma_start3A_424] : memref<2x10000x64xf32, #tpu.memory_space<hbm>> -> memref<1x125x64xf32, #tpu.memory_space<hbm>>
      %dma_start3A_426 = tpu.memref_squeeze %dma_start3A_425 : memref<1x125x64xf32, #tpu.memory_space<hbm>> -> memref<125x64xf32, #tpu.memory_space<hbm>>
      %dma_start3A_427 = arith.constant 0 : i32
      %dma_start3A_428 = tpu.memref_slice %arg5[%arg0, %add3A_383, %dma_start3A_427] : memref<2x10000x64xf32, #tpu.memory_space<hbm>> -> memref<1x125x64xf32, #tpu.memory_space<hbm>>
      %dma_start3A_429 = tpu.memref_squeeze %dma_start3A_428 : memref<1x125x64xf32, #tpu.memory_space<hbm>> -> memref<125x64xf32, #tpu.memory_space<hbm>>
      tpu.enqueue_dma source(%arg11 : memref<125x64xf32, #tpu.memory_space<vmem>>) target(%dma_start3A_429 : memref<125x64xf32, #tpu.memory_space<hbm>>) target_semaphore(%run_scoped3A : memref<!tpu.dma_semaphore, #tpu.memory_space<semaphore_mem>>)
      %dma_wait3A = arith.constant 0 : i32
      %dma_wait3A_430 = tpu.memref_slice %arg5[%arg0, %add3A_383, %dma_wait3A] : memref<2x10000x64xf32, #tpu.memory_space<hbm>> -> memref<1x125x64xf32, #tpu.memory_space<hbm>>
      %dma_wait3A_431 = tpu.memref_squeeze %dma_wait3A_430 : memref<1x125x64xf32, #tpu.memory_space<hbm>> -> memref<125x64xf32, #tpu.memory_space<hbm>>
      %dma_wait3A_432 = arith.constant 0 : i32
      %dma_wait3A_433 = tpu.memref_slice %arg5[%arg0, %add3A_383, %dma_wait3A_432] : memref<2x10000x64xf32, #tpu.memory_space<hbm>> -> memref<1x125x64xf32, #tpu.memory_space<hbm>>
      %dma_wait3A_434 = tpu.memref_squeeze %dma_wait3A_433 : memref<1x125x64xf32, #tpu.memory_space<hbm>> -> memref<125x64xf32, #tpu.memory_space<hbm>>
      tpu.wait_dma2 semaphore(%run_scoped3A : memref<!tpu.dma_semaphore, #tpu.memory_space<semaphore_mem>>) src(%arg11 : memref<125x64xf32, #tpu.memory_space<vmem>>) dst(%dma_wait3A_434 : memref<125x64xf32, #tpu.memory_space<hbm>>)
      tpu.yield
    }) : () -> ()
    %mul3A_391 = arith.constant 625 : i32
    %mul3A_392 = arith.muli %arg1, %mul3A_391 : i32
    %add3A_393 = arith.constant 250 : i32
    %add3A_394 = arith.addi %mul3A_392, %add3A_393 : i32
    "tpu.region"() ({
      %run_scoped3A = tpu.sem_alloc : memref<!tpu.dma_semaphore, #tpu.memory_space<semaphore_mem>>
      %dma_start3A_424 = arith.constant 0 : i32
      %dma_start3A_425 = tpu.memref_slice %arg6[%add3A_394, %dma_start3A_424] : memref<10008x64xf32, #tpu.memory_space<vmem_shared>> -> memref<125x64xf32, #tpu.memory_space<vmem_shared>>
      %dma_start3A_426 = arith.constant 0 : i32
      %dma_start3A_427 = tpu.memref_slice %arg6[%add3A_394, %dma_start3A_426] : memref<10008x64xf32, #tpu.memory_space<vmem_shared>> -> memref<125x64xf32, #tpu.memory_space<vmem_shared>>
      tpu.enqueue_dma source(%dma_start3A_427 : memref<125x64xf32, #tpu.memory_space<vmem_shared>>) target(%arg11 : memref<125x64xf32, #tpu.memory_space<vmem>>) target_semaphore(%run_scoped3A : memref<!tpu.dma_semaphore, #tpu.memory_space<semaphore_mem>>)
      %dma_wait3A = arith.constant 0 : i32
      %dma_wait3A_428 = tpu.memref_slice %arg6[%add3A_394, %dma_wait3A] : memref<10008x64xf32, #tpu.memory_space<vmem_shared>> -> memref<125x64xf32, #tpu.memory_space<vmem_shared>>
      %dma_wait3A_429 = arith.constant 0 : i32
      %dma_wait3A_430 = tpu.memref_slice %arg6[%add3A_394, %dma_wait3A_429] : memref<10008x64xf32, #tpu.memory_space<vmem_shared>> -> memref<125x64xf32, #tpu.memory_space<vmem_shared>>
      tpu.wait_dma2 semaphore(%run_scoped3A : memref<!tpu.dma_semaphore, #tpu.memory_space<semaphore_mem>>) src(%dma_wait3A_430 : memref<125x64xf32, #tpu.memory_space<vmem_shared>>) dst(%arg11 : memref<125x64xf32, #tpu.memory_space<vmem>>)
      tpu.yield
    }) : () -> ()
    "tpu.region"() ({
      %run_scoped3A = tpu.sem_alloc : memref<!tpu.dma_semaphore, #tpu.memory_space<semaphore_mem>>
      %dma_start3A_424 = arith.constant 0 : i32
      %dma_start3A_425 = tpu.memref_slice %arg7[%add3A_394, %dma_start3A_424] : memref<10008x16xf32, #tpu.memory_space<vmem_shared>> -> memref<125x16xf32, #tpu.memory_space<vmem_shared>>
      %dma_start3A_426 = arith.constant 0 : i32
      %dma_start3A_427 = tpu.memref_slice %arg7[%add3A_394, %dma_start3A_426] : memref<10008x16xf32, #tpu.memory_space<vmem_shared>> -> memref<125x16xf32, #tpu.memory_space<vmem_shared>>
      tpu.enqueue_dma source(%dma_start3A_427 : memref<125x16xf32, #tpu.memory_space<vmem_shared>>) target(%arg12 : memref<125x16xf32, #tpu.memory_space<vmem>>) target_semaphore(%run_scoped3A : memref<!tpu.dma_semaphore, #tpu.memory_space<semaphore_mem>>)
      %dma_wait3A = arith.constant 0 : i32
      %dma_wait3A_428 = tpu.memref_slice %arg7[%add3A_394, %dma_wait3A] : memref<10008x16xf32, #tpu.memory_space<vmem_shared>> -> memref<125x16xf32, #tpu.memory_space<vmem_shared>>
      %dma_wait3A_429 = arith.constant 0 : i32
      %dma_wait3A_430 = tpu.memref_slice %arg7[%add3A_394, %dma_wait3A_429] : memref<10008x16xf32, #tpu.memory_space<vmem_shared>> -> memref<125x16xf32, #tpu.memory_space<vmem_shared>>
      tpu.wait_dma2 semaphore(%run_scoped3A : memref<!tpu.dma_semaphore, #tpu.memory_space<semaphore_mem>>) src(%dma_wait3A_430 : memref<125x16xf32, #tpu.memory_space<vmem_shared>>) dst(%arg12 : memref<125x16xf32, #tpu.memory_space<vmem>>)
      tpu.yield
    }) : () -> ()
    %scan3A_395 = arith.constant 0 : i32
    %scan3A_396 = arith.constant 0 : i32
    %scan3A_397 = arith.constant 125 : i32
    %scan3A_398 = arith.addi %scan3A_396, %scan3A_397 : i32
    %scan3A_399 = arith.constant 1 : i32
    %scan3A_400 = scf.for %scan3A_424 = %scan3A_396 to %scan3A_398 step %scan3A_399 iter_args(%scan3A_425 = %scan3A_395) -> (i32)  : i32 {
      %get3A_426 = arith.index_cast %scan3A_424 : i32 to index
      %get3A_427 = arith.constant 0 : index
      %get3A_428 = tpu.vector_load %arg12[%get3A_426, %get3A_427] {strides = array<i32>} : memref<125x16xf32, #tpu.memory_space<vmem>>, vector<1x16xf32>,
      %get3A_429 = vector.shape_cast %get3A_428 : vector<1x16xf32> to vector<16xf32>
      %gt3A = arith.constant 0.000000e+00 : f32
      %gt3A_430 = vector.broadcast %gt3A : f32 to vector<16xf32>
      %gt3A_431 = arith.cmpf ogt, %get3A_429, %gt3A_430 : vector<16xf32>
      %div3A = arith.constant 1.000000e+00 : f32
      %div3A_432 = vector.broadcast %div3A : f32 to vector<16xf32>
      %div3A_433 = arith.divf %div3A_432, %get3A_429 : vector<16xf32>
      %jit3A = arith.constant 0.000000e+00 : f32
      %broadcast_in_dim3A = vector.broadcast %jit3A : f32 to vector<16xf32>
      %select_n3A = arith.select %gt3A_431, %div3A_433, %broadcast_in_dim3A : vector<16xi1>, vector<16xf32>
      %get3A_434 = arith.index_cast %scan3A_424 : i32 to index
      %get3A_435 = arith.constant 0 : index
      %get3A_436 = tpu.vector_load %arg11[%get3A_434, %get3A_435] {strides = array<i32>} : memref<125x64xf32, #tpu.memory_space<vmem>>, vector<1x16xf32>,
      %get3A_437 = vector.shape_cast %get3A_436 : vector<1x16xf32> to vector<16xf32>
      %mul3A_438 = arith.mulf %get3A_437, %select_n3A : vector<16xf32>
      %swap3A_439 = arith.index_cast %scan3A_424 : i32 to index
      %swap3A_440 = arith.constant 0 : index
      %swap3A_441 = tpu.vector_load %arg11[%swap3A_439, %swap3A_440] {strides = array<i32>} : memref<125x64xf32, #tpu.memory_space<vmem>>, vector<1x16xf32>,
      %swap3A_442 = vector.shape_cast %swap3A_441 : vector<1x16xf32> to vector<16xf32>
      %swap3A_443 = vector.shape_cast %mul3A_438 : vector<16xf32> to vector<1x16xf32>
      tpu.vector_store %arg11[%swap3A_439, %swap3A_440], %swap3A_443 {strides = array<i32>} : memref<125x64xf32, #tpu.memory_space<vmem>>, vector<1x16xf32>,
      %get3A_444 = arith.index_cast %scan3A_424 : i32 to index
      %get3A_445 = arith.constant 16 : index
      %get3A_446 = tpu.vector_load %arg11[%get3A_444, %get3A_445] {strides = array<i32>} : memref<125x64xf32, #tpu.memory_space<vmem>>, vector<1x16xf32>,
      %get3A_447 = vector.shape_cast %get3A_446 : vector<1x16xf32> to vector<16xf32>
      %mul3A_448 = arith.mulf %get3A_447, %select_n3A : vector<16xf32>
      %swap3A_449 = arith.index_cast %scan3A_424 : i32 to index
      %swap3A_450 = arith.constant 16 : index
      %swap3A_451 = tpu.vector_load %arg11[%swap3A_449, %swap3A_450] {strides = array<i32>} : memref<125x64xf32, #tpu.memory_space<vmem>>, vector<1x16xf32>,
      %swap3A_452 = vector.shape_cast %swap3A_451 : vector<1x16xf32> to vector<16xf32>
      %swap3A_453 = vector.shape_cast %mul3A_448 : vector<16xf32> to vector<1x16xf32>
      tpu.vector_store %arg11[%swap3A_449, %swap3A_450], %swap3A_453 {strides = array<i32>} : memref<125x64xf32, #tpu.memory_space<vmem>>, vector<1x16xf32>,
      %get3A_454 = arith.index_cast %scan3A_424 : i32 to index
      %get3A_455 = arith.constant 32 : index
      %get3A_456 = tpu.vector_load %arg11[%get3A_454, %get3A_455] {strides = array<i32>} : memref<125x64xf32, #tpu.memory_space<vmem>>, vector<1x16xf32>,
      %get3A_457 = vector.shape_cast %get3A_456 : vector<1x16xf32> to vector<16xf32>
      %mul3A_458 = arith.mulf %get3A_457, %select_n3A : vector<16xf32>
      %swap3A_459 = arith.index_cast %scan3A_424 : i32 to index
      %swap3A_460 = arith.constant 32 : index
      %swap3A_461 = tpu.vector_load %arg11[%swap3A_459, %swap3A_460] {strides = array<i32>} : memref<125x64xf32, #tpu.memory_space<vmem>>, vector<1x16xf32>,
      %swap3A_462 = vector.shape_cast %swap3A_461 : vector<1x16xf32> to vector<16xf32>
      %swap3A_463 = vector.shape_cast %mul3A_458 : vector<16xf32> to vector<1x16xf32>
      tpu.vector_store %arg11[%swap3A_459, %swap3A_460], %swap3A_463 {strides = array<i32>} : memref<125x64xf32, #tpu.memory_space<vmem>>, vector<1x16xf32>,
      %get3A_464 = arith.index_cast %scan3A_424 : i32 to index
      %get3A_465 = arith.constant 48 : index
      %get3A_466 = tpu.vector_load %arg11[%get3A_464, %get3A_465] {strides = array<i32>} : memref<125x64xf32, #tpu.memory_space<vmem>>, vector<1x16xf32>,
      %get3A_467 = vector.shape_cast %get3A_466 : vector<1x16xf32> to vector<16xf32>
      %mul3A_468 = arith.mulf %get3A_467, %select_n3A : vector<16xf32>
      %swap3A_469 = arith.index_cast %scan3A_424 : i32 to index
      %swap3A_470 = arith.constant 48 : index
      %swap3A_471 = tpu.vector_load %arg11[%swap3A_469, %swap3A_470] {strides = array<i32>} : memref<125x64xf32, #tpu.memory_space<vmem>>, vector<1x16xf32>,
      %swap3A_472 = vector.shape_cast %swap3A_471 : vector<1x16xf32> to vector<16xf32>
      %swap3A_473 = vector.shape_cast %mul3A_468 : vector<16xf32> to vector<1x16xf32>
      tpu.vector_store %arg11[%swap3A_469, %swap3A_470], %swap3A_473 {strides = array<i32>} : memref<125x64xf32, #tpu.memory_space<vmem>>, vector<1x16xf32>,
      %scan3A_474 = arith.constant 0 : i32
      scf.yield %scan3A_474 : i32
    }
    %scan3A_401 = arith.constant 125 : i32
    "tpu.region"() ({
      %run_scoped3A = tpu.sem_alloc : memref<!tpu.dma_semaphore, #tpu.memory_space<semaphore_mem>>
      %dma_start3A_424 = arith.constant 0 : i32
      %dma_start3A_425 = tpu.memref_slice %arg5[%arg0, %add3A_394, %dma_start3A_424] : memref<2x10000x64xf32, #tpu.memory_space<hbm>> -> memref<1x125x64xf32, #tpu.memory_space<hbm>>
      %dma_start3A_426 = tpu.memref_squeeze %dma_start3A_425 : memref<1x125x64xf32, #tpu.memory_space<hbm>> -> memref<125x64xf32, #tpu.memory_space<hbm>>
      %dma_start3A_427 = arith.constant 0 : i32
      %dma_start3A_428 = tpu.memref_slice %arg5[%arg0, %add3A_394, %dma_start3A_427] : memref<2x10000x64xf32, #tpu.memory_space<hbm>> -> memref<1x125x64xf32, #tpu.memory_space<hbm>>
      %dma_start3A_429 = tpu.memref_squeeze %dma_start3A_428 : memref<1x125x64xf32, #tpu.memory_space<hbm>> -> memref<125x64xf32, #tpu.memory_space<hbm>>
      tpu.enqueue_dma source(%arg11 : memref<125x64xf32, #tpu.memory_space<vmem>>) target(%dma_start3A_429 : memref<125x64xf32, #tpu.memory_space<hbm>>) target_semaphore(%run_scoped3A : memref<!tpu.dma_semaphore, #tpu.memory_space<semaphore_mem>>)
      %dma_wait3A = arith.constant 0 : i32
      %dma_wait3A_430 = tpu.memref_slice %arg5[%arg0, %add3A_394, %dma_wait3A] : memref<2x10000x64xf32, #tpu.memory_space<hbm>> -> memref<1x125x64xf32, #tpu.memory_space<hbm>>
      %dma_wait3A_431 = tpu.memref_squeeze %dma_wait3A_430 : memref<1x125x64xf32, #tpu.memory_space<hbm>> -> memref<125x64xf32, #tpu.memory_space<hbm>>
      %dma_wait3A_432 = arith.constant 0 : i32
      %dma_wait3A_433 = tpu.memref_slice %arg5[%arg0, %add3A_394, %dma_wait3A_432] : memref<2x10000x64xf32, #tpu.memory_space<hbm>> -> memref<1x125x64xf32, #tpu.memory_space<hbm>>
      %dma_wait3A_434 = tpu.memref_squeeze %dma_wait3A_433 : memref<1x125x64xf32, #tpu.memory_space<hbm>> -> memref<125x64xf32, #tpu.memory_space<hbm>>
      tpu.wait_dma2 semaphore(%run_scoped3A : memref<!tpu.dma_semaphore, #tpu.memory_space<semaphore_mem>>) src(%arg11 : memref<125x64xf32, #tpu.memory_space<vmem>>) dst(%dma_wait3A_434 : memref<125x64xf32, #tpu.memory_space<hbm>>)
      tpu.yield
    }) : () -> ()
    %mul3A_402 = arith.constant 625 : i32
    %mul3A_403 = arith.muli %arg1, %mul3A_402 : i32
    %add3A_404 = arith.constant 375 : i32
    %add3A_405 = arith.addi %mul3A_403, %add3A_404 : i32
    "tpu.region"() ({
      %run_scoped3A = tpu.sem_alloc : memref<!tpu.dma_semaphore, #tpu.memory_space<semaphore_mem>>
      %dma_start3A_424 = arith.constant 0 : i32
      %dma_start3A_425 = tpu.memref_slice %arg6[%add3A_405, %dma_start3A_424] : memref<10008x64xf32, #tpu.memory_space<vmem_shared>> -> memref<125x64xf32, #tpu.memory_space<vmem_shared>>
      %dma_start3A_426 = arith.constant 0 : i32
      %dma_start3A_427 = tpu.memref_slice %arg6[%add3A_405, %dma_start3A_426] : memref<10008x64xf32, #tpu.memory_space<vmem_shared>> -> memref<125x64xf32, #tpu.memory_space<vmem_shared>>
      tpu.enqueue_dma source(%dma_start3A_427 : memref<125x64xf32, #tpu.memory_space<vmem_shared>>) target(%arg11 : memref<125x64xf32, #tpu.memory_space<vmem>>) target_semaphore(%run_scoped3A : memref<!tpu.dma_semaphore, #tpu.memory_space<semaphore_mem>>)
      %dma_wait3A = arith.constant 0 : i32
      %dma_wait3A_428 = tpu.memref_slice %arg6[%add3A_405, %dma_wait3A] : memref<10008x64xf32, #tpu.memory_space<vmem_shared>> -> memref<125x64xf32, #tpu.memory_space<vmem_shared>>
      %dma_wait3A_429 = arith.constant 0 : i32
      %dma_wait3A_430 = tpu.memref_slice %arg6[%add3A_405, %dma_wait3A_429] : memref<10008x64xf32, #tpu.memory_space<vmem_shared>> -> memref<125x64xf32, #tpu.memory_space<vmem_shared>>
      tpu.wait_dma2 semaphore(%run_scoped3A : memref<!tpu.dma_semaphore, #tpu.memory_space<semaphore_mem>>) src(%dma_wait3A_430 : memref<125x64xf32, #tpu.memory_space<vmem_shared>>) dst(%arg11 : memref<125x64xf32, #tpu.memory_space<vmem>>)
      tpu.yield
    }) : () -> ()
    "tpu.region"() ({
      %run_scoped3A = tpu.sem_alloc : memref<!tpu.dma_semaphore, #tpu.memory_space<semaphore_mem>>
      %dma_start3A_424 = arith.constant 0 : i32
      %dma_start3A_425 = tpu.memref_slice %arg7[%add3A_405, %dma_start3A_424] : memref<10008x16xf32, #tpu.memory_space<vmem_shared>> -> memref<125x16xf32, #tpu.memory_space<vmem_shared>>
      %dma_start3A_426 = arith.constant 0 : i32
      %dma_start3A_427 = tpu.memref_slice %arg7[%add3A_405, %dma_start3A_426] : memref<10008x16xf32, #tpu.memory_space<vmem_shared>> -> memref<125x16xf32, #tpu.memory_space<vmem_shared>>
      tpu.enqueue_dma source(%dma_start3A_427 : memref<125x16xf32, #tpu.memory_space<vmem_shared>>) target(%arg12 : memref<125x16xf32, #tpu.memory_space<vmem>>) target_semaphore(%run_scoped3A : memref<!tpu.dma_semaphore, #tpu.memory_space<semaphore_mem>>)
      %dma_wait3A = arith.constant 0 : i32
      %dma_wait3A_428 = tpu.memref_slice %arg7[%add3A_405, %dma_wait3A] : memref<10008x16xf32, #tpu.memory_space<vmem_shared>> -> memref<125x16xf32, #tpu.memory_space<vmem_shared>>
      %dma_wait3A_429 = arith.constant 0 : i32
      %dma_wait3A_430 = tpu.memref_slice %arg7[%add3A_405, %dma_wait3A_429] : memref<10008x16xf32, #tpu.memory_space<vmem_shared>> -> memref<125x16xf32, #tpu.memory_space<vmem_shared>>
      tpu.wait_dma2 semaphore(%run_scoped3A : memref<!tpu.dma_semaphore, #tpu.memory_space<semaphore_mem>>) src(%dma_wait3A_430 : memref<125x16xf32, #tpu.memory_space<vmem_shared>>) dst(%arg12 : memref<125x16xf32, #tpu.memory_space<vmem>>)
      tpu.yield
    }) : () -> ()
    %scan3A_406 = arith.constant 0 : i32
    %scan3A_407 = arith.constant 0 : i32
    %scan3A_408 = arith.constant 125 : i32
    %scan3A_409 = arith.addi %scan3A_407, %scan3A_408 : i32
    %scan3A_410 = arith.constant 1 : i32
    %scan3A_411 = scf.for %scan3A_424 = %scan3A_407 to %scan3A_409 step %scan3A_410 iter_args(%scan3A_425 = %scan3A_406) -> (i32)  : i32 {
      %get3A_426 = arith.index_cast %scan3A_424 : i32 to index
      %get3A_427 = arith.constant 0 : index
      %get3A_428 = tpu.vector_load %arg12[%get3A_426, %get3A_427] {strides = array<i32>} : memref<125x16xf32, #tpu.memory_space<vmem>>, vector<1x16xf32>,
      %get3A_429 = vector.shape_cast %get3A_428 : vector<1x16xf32> to vector<16xf32>
      %gt3A = arith.constant 0.000000e+00 : f32
      %gt3A_430 = vector.broadcast %gt3A : f32 to vector<16xf32>
      %gt3A_431 = arith.cmpf ogt, %get3A_429, %gt3A_430 : vector<16xf32>
      %div3A = arith.constant 1.000000e+00 : f32
      %div3A_432 = vector.broadcast %div3A : f32 to vector<16xf32>
      %div3A_433 = arith.divf %div3A_432, %get3A_429 : vector<16xf32>
      %jit3A = arith.constant 0.000000e+00 : f32
      %broadcast_in_dim3A = vector.broadcast %jit3A : f32 to vector<16xf32>
      %select_n3A = arith.select %gt3A_431, %div3A_433, %broadcast_in_dim3A : vector<16xi1>, vector<16xf32>
      %get3A_434 = arith.index_cast %scan3A_424 : i32 to index
      %get3A_435 = arith.constant 0 : index
      %get3A_436 = tpu.vector_load %arg11[%get3A_434, %get3A_435] {strides = array<i32>} : memref<125x64xf32, #tpu.memory_space<vmem>>, vector<1x16xf32>,
      %get3A_437 = vector.shape_cast %get3A_436 : vector<1x16xf32> to vector<16xf32>
      %mul3A_438 = arith.mulf %get3A_437, %select_n3A : vector<16xf32>
      %swap3A_439 = arith.index_cast %scan3A_424 : i32 to index
      %swap3A_440 = arith.constant 0 : index
      %swap3A_441 = tpu.vector_load %arg11[%swap3A_439, %swap3A_440] {strides = array<i32>} : memref<125x64xf32, #tpu.memory_space<vmem>>, vector<1x16xf32>,
      %swap3A_442 = vector.shape_cast %swap3A_441 : vector<1x16xf32> to vector<16xf32>
      %swap3A_443 = vector.shape_cast %mul3A_438 : vector<16xf32> to vector<1x16xf32>
      tpu.vector_store %arg11[%swap3A_439, %swap3A_440], %swap3A_443 {strides = array<i32>} : memref<125x64xf32, #tpu.memory_space<vmem>>, vector<1x16xf32>,
      %get3A_444 = arith.index_cast %scan3A_424 : i32 to index
      %get3A_445 = arith.constant 16 : index
      %get3A_446 = tpu.vector_load %arg11[%get3A_444, %get3A_445] {strides = array<i32>} : memref<125x64xf32, #tpu.memory_space<vmem>>, vector<1x16xf32>,
      %get3A_447 = vector.shape_cast %get3A_446 : vector<1x16xf32> to vector<16xf32>
      %mul3A_448 = arith.mulf %get3A_447, %select_n3A : vector<16xf32>
      %swap3A_449 = arith.index_cast %scan3A_424 : i32 to index
      %swap3A_450 = arith.constant 16 : index
      %swap3A_451 = tpu.vector_load %arg11[%swap3A_449, %swap3A_450] {strides = array<i32>} : memref<125x64xf32, #tpu.memory_space<vmem>>, vector<1x16xf32>,
      %swap3A_452 = vector.shape_cast %swap3A_451 : vector<1x16xf32> to vector<16xf32>
      %swap3A_453 = vector.shape_cast %mul3A_448 : vector<16xf32> to vector<1x16xf32>
      tpu.vector_store %arg11[%swap3A_449, %swap3A_450], %swap3A_453 {strides = array<i32>} : memref<125x64xf32, #tpu.memory_space<vmem>>, vector<1x16xf32>,
      %get3A_454 = arith.index_cast %scan3A_424 : i32 to index
      %get3A_455 = arith.constant 32 : index
      %get3A_456 = tpu.vector_load %arg11[%get3A_454, %get3A_455] {strides = array<i32>} : memref<125x64xf32, #tpu.memory_space<vmem>>, vector<1x16xf32>,
      %get3A_457 = vector.shape_cast %get3A_456 : vector<1x16xf32> to vector<16xf32>
      %mul3A_458 = arith.mulf %get3A_457, %select_n3A : vector<16xf32>
      %swap3A_459 = arith.index_cast %scan3A_424 : i32 to index
      %swap3A_460 = arith.constant 32 : index
      %swap3A_461 = tpu.vector_load %arg11[%swap3A_459, %swap3A_460] {strides = array<i32>} : memref<125x64xf32, #tpu.memory_space<vmem>>, vector<1x16xf32>,
      %swap3A_462 = vector.shape_cast %swap3A_461 : vector<1x16xf32> to vector<16xf32>
      %swap3A_463 = vector.shape_cast %mul3A_458 : vector<16xf32> to vector<1x16xf32>
      tpu.vector_store %arg11[%swap3A_459, %swap3A_460], %swap3A_463 {strides = array<i32>} : memref<125x64xf32, #tpu.memory_space<vmem>>, vector<1x16xf32>,
      %get3A_464 = arith.index_cast %scan3A_424 : i32 to index
      %get3A_465 = arith.constant 48 : index
      %get3A_466 = tpu.vector_load %arg11[%get3A_464, %get3A_465] {strides = array<i32>} : memref<125x64xf32, #tpu.memory_space<vmem>>, vector<1x16xf32>,
      %get3A_467 = vector.shape_cast %get3A_466 : vector<1x16xf32> to vector<16xf32>
      %mul3A_468 = arith.mulf %get3A_467, %select_n3A : vector<16xf32>
      %swap3A_469 = arith.index_cast %scan3A_424 : i32 to index
      %swap3A_470 = arith.constant 48 : index
      %swap3A_471 = tpu.vector_load %arg11[%swap3A_469, %swap3A_470] {strides = array<i32>} : memref<125x64xf32, #tpu.memory_space<vmem>>, vector<1x16xf32>,
      %swap3A_472 = vector.shape_cast %swap3A_471 : vector<1x16xf32> to vector<16xf32>
      %swap3A_473 = vector.shape_cast %mul3A_468 : vector<16xf32> to vector<1x16xf32>
      tpu.vector_store %arg11[%swap3A_469, %swap3A_470], %swap3A_473 {strides = array<i32>} : memref<125x64xf32, #tpu.memory_space<vmem>>, vector<1x16xf32>,
      %scan3A_474 = arith.constant 0 : i32
      scf.yield %scan3A_474 : i32
    }
    %scan3A_412 = arith.constant 125 : i32
    "tpu.region"() ({
      %run_scoped3A = tpu.sem_alloc : memref<!tpu.dma_semaphore, #tpu.memory_space<semaphore_mem>>
      %dma_start3A_424 = arith.constant 0 : i32
      %dma_start3A_425 = tpu.memref_slice %arg5[%arg0, %add3A_405, %dma_start3A_424] : memref<2x10000x64xf32, #tpu.memory_space<hbm>> -> memref<1x125x64xf32, #tpu.memory_space<hbm>>
      %dma_start3A_426 = tpu.memref_squeeze %dma_start3A_425 : memref<1x125x64xf32, #tpu.memory_space<hbm>> -> memref<125x64xf32, #tpu.memory_space<hbm>>
      %dma_start3A_427 = arith.constant 0 : i32
      %dma_start3A_428 = tpu.memref_slice %arg5[%arg0, %add3A_405, %dma_start3A_427] : memref<2x10000x64xf32, #tpu.memory_space<hbm>> -> memref<1x125x64xf32, #tpu.memory_space<hbm>>
      %dma_start3A_429 = tpu.memref_squeeze %dma_start3A_428 : memref<1x125x64xf32, #tpu.memory_space<hbm>> -> memref<125x64xf32, #tpu.memory_space<hbm>>
      tpu.enqueue_dma source(%arg11 : memref<125x64xf32, #tpu.memory_space<vmem>>) target(%dma_start3A_429 : memref<125x64xf32, #tpu.memory_space<hbm>>) target_semaphore(%run_scoped3A : memref<!tpu.dma_semaphore, #tpu.memory_space<semaphore_mem>>)
      %dma_wait3A = arith.constant 0 : i32
      %dma_wait3A_430 = tpu.memref_slice %arg5[%arg0, %add3A_405, %dma_wait3A] : memref<2x10000x64xf32, #tpu.memory_space<hbm>> -> memref<1x125x64xf32, #tpu.memory_space<hbm>>
      %dma_wait3A_431 = tpu.memref_squeeze %dma_wait3A_430 : memref<1x125x64xf32, #tpu.memory_space<hbm>> -> memref<125x64xf32, #tpu.memory_space<hbm>>
      %dma_wait3A_432 = arith.constant 0 : i32
      %dma_wait3A_433 = tpu.memref_slice %arg5[%arg0, %add3A_405, %dma_wait3A_432] : memref<2x10000x64xf32, #tpu.memory_space<hbm>> -> memref<1x125x64xf32, #tpu.memory_space<hbm>>
      %dma_wait3A_434 = tpu.memref_squeeze %dma_wait3A_433 : memref<1x125x64xf32, #tpu.memory_space<hbm>> -> memref<125x64xf32, #tpu.memory_space<hbm>>
      tpu.wait_dma2 semaphore(%run_scoped3A : memref<!tpu.dma_semaphore, #tpu.memory_space<semaphore_mem>>) src(%arg11 : memref<125x64xf32, #tpu.memory_space<vmem>>) dst(%dma_wait3A_434 : memref<125x64xf32, #tpu.memory_space<hbm>>)
      tpu.yield
    }) : () -> ()
    %mul3A_413 = arith.constant 625 : i32
    %mul3A_414 = arith.muli %arg1, %mul3A_413 : i32
    %add3A_415 = arith.constant 500 : i32
    %add3A_416 = arith.addi %mul3A_414, %add3A_415 : i32
    "tpu.region"() ({
      %run_scoped3A = tpu.sem_alloc : memref<!tpu.dma_semaphore, #tpu.memory_space<semaphore_mem>>
      %dma_start3A_424 = arith.constant 0 : i32
      %dma_start3A_425 = tpu.memref_slice %arg6[%add3A_416, %dma_start3A_424] : memref<10008x64xf32, #tpu.memory_space<vmem_shared>> -> memref<125x64xf32, #tpu.memory_space<vmem_shared>>
      %dma_start3A_426 = arith.constant 0 : i32
      %dma_start3A_427 = tpu.memref_slice %arg6[%add3A_416, %dma_start3A_426] : memref<10008x64xf32, #tpu.memory_space<vmem_shared>> -> memref<125x64xf32, #tpu.memory_space<vmem_shared>>
      tpu.enqueue_dma source(%dma_start3A_427 : memref<125x64xf32, #tpu.memory_space<vmem_shared>>) target(%arg11 : memref<125x64xf32, #tpu.memory_space<vmem>>) target_semaphore(%run_scoped3A : memref<!tpu.dma_semaphore, #tpu.memory_space<semaphore_mem>>)
      %dma_wait3A = arith.constant 0 : i32
      %dma_wait3A_428 = tpu.memref_slice %arg6[%add3A_416, %dma_wait3A] : memref<10008x64xf32, #tpu.memory_space<vmem_shared>> -> memref<125x64xf32, #tpu.memory_space<vmem_shared>>
      %dma_wait3A_429 = arith.constant 0 : i32
      %dma_wait3A_430 = tpu.memref_slice %arg6[%add3A_416, %dma_wait3A_429] : memref<10008x64xf32, #tpu.memory_space<vmem_shared>> -> memref<125x64xf32, #tpu.memory_space<vmem_shared>>
      tpu.wait_dma2 semaphore(%run_scoped3A : memref<!tpu.dma_semaphore, #tpu.memory_space<semaphore_mem>>) src(%dma_wait3A_430 : memref<125x64xf32, #tpu.memory_space<vmem_shared>>) dst(%arg11 : memref<125x64xf32, #tpu.memory_space<vmem>>)
      tpu.yield
    }) : () -> ()
    "tpu.region"() ({
      %run_scoped3A = tpu.sem_alloc : memref<!tpu.dma_semaphore, #tpu.memory_space<semaphore_mem>>
      %dma_start3A_424 = arith.constant 0 : i32
      %dma_start3A_425 = tpu.memref_slice %arg7[%add3A_416, %dma_start3A_424] : memref<10008x16xf32, #tpu.memory_space<vmem_shared>> -> memref<125x16xf32, #tpu.memory_space<vmem_shared>>
      %dma_start3A_426 = arith.constant 0 : i32
      %dma_start3A_427 = tpu.memref_slice %arg7[%add3A_416, %dma_start3A_426] : memref<10008x16xf32, #tpu.memory_space<vmem_shared>> -> memref<125x16xf32, #tpu.memory_space<vmem_shared>>
      tpu.enqueue_dma source(%dma_start3A_427 : memref<125x16xf32, #tpu.memory_space<vmem_shared>>) target(%arg12 : memref<125x16xf32, #tpu.memory_space<vmem>>) target_semaphore(%run_scoped3A : memref<!tpu.dma_semaphore, #tpu.memory_space<semaphore_mem>>)
      %dma_wait3A = arith.constant 0 : i32
      %dma_wait3A_428 = tpu.memref_slice %arg7[%add3A_416, %dma_wait3A] : memref<10008x16xf32, #tpu.memory_space<vmem_shared>> -> memref<125x16xf32, #tpu.memory_space<vmem_shared>>
      %dma_wait3A_429 = arith.constant 0 : i32
      %dma_wait3A_430 = tpu.memref_slice %arg7[%add3A_416, %dma_wait3A_429] : memref<10008x16xf32, #tpu.memory_space<vmem_shared>> -> memref<125x16xf32, #tpu.memory_space<vmem_shared>>
      tpu.wait_dma2 semaphore(%run_scoped3A : memref<!tpu.dma_semaphore, #tpu.memory_space<semaphore_mem>>) src(%dma_wait3A_430 : memref<125x16xf32, #tpu.memory_space<vmem_shared>>) dst(%arg12 : memref<125x16xf32, #tpu.memory_space<vmem>>)
      tpu.yield
    }) : () -> ()
    %scan3A_417 = arith.constant 0 : i32
    %scan3A_418 = arith.constant 0 : i32
    %scan3A_419 = arith.constant 125 : i32
    %scan3A_420 = arith.addi %scan3A_418, %scan3A_419 : i32
    %scan3A_421 = arith.constant 1 : i32
    %scan3A_422 = scf.for %scan3A_424 = %scan3A_418 to %scan3A_420 step %scan3A_421 iter_args(%scan3A_425 = %scan3A_417) -> (i32)  : i32 {
      %get3A_426 = arith.index_cast %scan3A_424 : i32 to index
      %get3A_427 = arith.constant 0 : index
      %get3A_428 = tpu.vector_load %arg12[%get3A_426, %get3A_427] {strides = array<i32>} : memref<125x16xf32, #tpu.memory_space<vmem>>, vector<1x16xf32>,
      %get3A_429 = vector.shape_cast %get3A_428 : vector<1x16xf32> to vector<16xf32>
      %gt3A = arith.constant 0.000000e+00 : f32
      %gt3A_430 = vector.broadcast %gt3A : f32 to vector<16xf32>
      %gt3A_431 = arith.cmpf ogt, %get3A_429, %gt3A_430 : vector<16xf32>
      %div3A = arith.constant 1.000000e+00 : f32
      %div3A_432 = vector.broadcast %div3A : f32 to vector<16xf32>
      %div3A_433 = arith.divf %div3A_432, %get3A_429 : vector<16xf32>
      %jit3A = arith.constant 0.000000e+00 : f32
      %broadcast_in_dim3A = vector.broadcast %jit3A : f32 to vector<16xf32>
      %select_n3A = arith.select %gt3A_431, %div3A_433, %broadcast_in_dim3A : vector<16xi1>, vector<16xf32>
      %get3A_434 = arith.index_cast %scan3A_424 : i32 to index
      %get3A_435 = arith.constant 0 : index
      %get3A_436 = tpu.vector_load %arg11[%get3A_434, %get3A_435] {strides = array<i32>} : memref<125x64xf32, #tpu.memory_space<vmem>>, vector<1x16xf32>,
      %get3A_437 = vector.shape_cast %get3A_436 : vector<1x16xf32> to vector<16xf32>
      %mul3A_438 = arith.mulf %get3A_437, %select_n3A : vector<16xf32>
      %swap3A_439 = arith.index_cast %scan3A_424 : i32 to index
      %swap3A_440 = arith.constant 0 : index
      %swap3A_441 = tpu.vector_load %arg11[%swap3A_439, %swap3A_440] {strides = array<i32>} : memref<125x64xf32, #tpu.memory_space<vmem>>, vector<1x16xf32>,
      %swap3A_442 = vector.shape_cast %swap3A_441 : vector<1x16xf32> to vector<16xf32>
      %swap3A_443 = vector.shape_cast %mul3A_438 : vector<16xf32> to vector<1x16xf32>
      tpu.vector_store %arg11[%swap3A_439, %swap3A_440], %swap3A_443 {strides = array<i32>} : memref<125x64xf32, #tpu.memory_space<vmem>>, vector<1x16xf32>,
      %get3A_444 = arith.index_cast %scan3A_424 : i32 to index
      %get3A_445 = arith.constant 16 : index
      %get3A_446 = tpu.vector_load %arg11[%get3A_444, %get3A_445] {strides = array<i32>} : memref<125x64xf32, #tpu.memory_space<vmem>>, vector<1x16xf32>,
      %get3A_447 = vector.shape_cast %get3A_446 : vector<1x16xf32> to vector<16xf32>
      %mul3A_448 = arith.mulf %get3A_447, %select_n3A : vector<16xf32>
      %swap3A_449 = arith.index_cast %scan3A_424 : i32 to index
      %swap3A_450 = arith.constant 16 : index
      %swap3A_451 = tpu.vector_load %arg11[%swap3A_449, %swap3A_450] {strides = array<i32>} : memref<125x64xf32, #tpu.memory_space<vmem>>, vector<1x16xf32>,
      %swap3A_452 = vector.shape_cast %swap3A_451 : vector<1x16xf32> to vector<16xf32>
      %swap3A_453 = vector.shape_cast %mul3A_448 : vector<16xf32> to vector<1x16xf32>
      tpu.vector_store %arg11[%swap3A_449, %swap3A_450], %swap3A_453 {strides = array<i32>} : memref<125x64xf32, #tpu.memory_space<vmem>>, vector<1x16xf32>,
      %get3A_454 = arith.index_cast %scan3A_424 : i32 to index
      %get3A_455 = arith.constant 32 : index
      %get3A_456 = tpu.vector_load %arg11[%get3A_454, %get3A_455] {strides = array<i32>} : memref<125x64xf32, #tpu.memory_space<vmem>>, vector<1x16xf32>,
      %get3A_457 = vector.shape_cast %get3A_456 : vector<1x16xf32> to vector<16xf32>
      %mul3A_458 = arith.mulf %get3A_457, %select_n3A : vector<16xf32>
      %swap3A_459 = arith.index_cast %scan3A_424 : i32 to index
      %swap3A_460 = arith.constant 32 : index
      %swap3A_461 = tpu.vector_load %arg11[%swap3A_459, %swap3A_460] {strides = array<i32>} : memref<125x64xf32, #tpu.memory_space<vmem>>, vector<1x16xf32>,
      %swap3A_462 = vector.shape_cast %swap3A_461 : vector<1x16xf32> to vector<16xf32>
      %swap3A_463 = vector.shape_cast %mul3A_458 : vector<16xf32> to vector<1x16xf32>
      tpu.vector_store %arg11[%swap3A_459, %swap3A_460], %swap3A_463 {strides = array<i32>} : memref<125x64xf32, #tpu.memory_space<vmem>>, vector<1x16xf32>,
      %get3A_464 = arith.index_cast %scan3A_424 : i32 to index
      %get3A_465 = arith.constant 48 : index
      %get3A_466 = tpu.vector_load %arg11[%get3A_464, %get3A_465] {strides = array<i32>} : memref<125x64xf32, #tpu.memory_space<vmem>>, vector<1x16xf32>,
      %get3A_467 = vector.shape_cast %get3A_466 : vector<1x16xf32> to vector<16xf32>
      %mul3A_468 = arith.mulf %get3A_467, %select_n3A : vector<16xf32>
      %swap3A_469 = arith.index_cast %scan3A_424 : i32 to index
      %swap3A_470 = arith.constant 48 : index
      %swap3A_471 = tpu.vector_load %arg11[%swap3A_469, %swap3A_470] {strides = array<i32>} : memref<125x64xf32, #tpu.memory_space<vmem>>, vector<1x16xf32>,
      %swap3A_472 = vector.shape_cast %swap3A_471 : vector<1x16xf32> to vector<16xf32>
      %swap3A_473 = vector.shape_cast %mul3A_468 : vector<16xf32> to vector<1x16xf32>
      tpu.vector_store %arg11[%swap3A_469, %swap3A_470], %swap3A_473 {strides = array<i32>} : memref<125x64xf32, #tpu.memory_space<vmem>>, vector<1x16xf32>,
      %scan3A_474 = arith.constant 0 : i32
      scf.yield %scan3A_474 : i32
    }
    %scan3A_423 = arith.constant 125 : i32
    "tpu.region"() ({
      %run_scoped3A = tpu.sem_alloc : memref<!tpu.dma_semaphore, #tpu.memory_space<semaphore_mem>>
      %dma_start3A_424 = arith.constant 0 : i32
      %dma_start3A_425 = tpu.memref_slice %arg5[%arg0, %add3A_416, %dma_start3A_424] : memref<2x10000x64xf32, #tpu.memory_space<hbm>> -> memref<1x125x64xf32, #tpu.memory_space<hbm>>
      %dma_start3A_426 = tpu.memref_squeeze %dma_start3A_425 : memref<1x125x64xf32, #tpu.memory_space<hbm>> -> memref<125x64xf32, #tpu.memory_space<hbm>>
      %dma_start3A_427 = arith.constant 0 : i32
      %dma_start3A_428 = tpu.memref_slice %arg5[%arg0, %add3A_416, %dma_start3A_427] : memref<2x10000x64xf32, #tpu.memory_space<hbm>> -> memref<1x125x64xf32, #tpu.memory_space<hbm>>
      %dma_start3A_429 = tpu.memref_squeeze %dma_start3A_428 : memref<1x125x64xf32, #tpu.memory_space<hbm>> -> memref<125x64xf32, #tpu.memory_space<hbm>>
      tpu.enqueue_dma source(%arg11 : memref<125x64xf32, #tpu.memory_space<vmem>>) target(%dma_start3A_429 : memref<125x64xf32, #tpu.memory_space<hbm>>) target_semaphore(%run_scoped3A : memref<!tpu.dma_semaphore, #tpu.memory_space<semaphore_mem>>)
      %dma_wait3A = arith.constant 0 : i32
      %dma_wait3A_430 = tpu.memref_slice %arg5[%arg0, %add3A_416, %dma_wait3A] : memref<2x10000x64xf32, #tpu.memory_space<hbm>> -> memref<1x125x64xf32, #tpu.memory_space<hbm>>
      %dma_wait3A_431 = tpu.memref_squeeze %dma_wait3A_430 : memref<1x125x64xf32, #tpu.memory_space<hbm>> -> memref<125x64xf32, #tpu.memory_space<hbm>>
      %dma_wait3A_432 = arith.constant 0 : i32
      %dma_wait3A_433 = tpu.memref_slice %arg5[%arg0, %add3A_416, %dma_wait3A_432] : memref<2x10000x64xf32, #tpu.memory_space<hbm>> -> memref<1x125x64xf32, #tpu.memory_space<hbm>>
      %dma_wait3A_434 = tpu.memref_squeeze %dma_wait3A_433 : memref<1x125x64xf32, #tpu.memory_space<hbm>> -> memref<125x64xf32, #tpu.memory_space<hbm>>
      tpu.wait_dma2 semaphore(%run_scoped3A : memref<!tpu.dma_semaphore, #tpu.memory_space<semaphore_mem>>) src(%arg11 : memref<125x64xf32, #tpu.memory_space<vmem>>) dst(%dma_wait3A_434 : memref<125x64xf32, #tpu.memory_space<hbm>>)
      tpu.yield
    }) : () -> ()
    return
  }
}

</mosaic_0001>

<sc_bundles>
// kernel: _sc_pass.3.cloned.1.call-start
scs
__scs_entry_jumppad:
0x0: {  	(pc) =	sbr.rel $0x88, $3  }
0x1: {  	(tag) =	ssettag $0x0;
	lr =	simm.s32 $0x1  }
0x2: {  	[smem:$0x3F9E] =	sst lr;
	_ =	strace $0xD0000000  }
0x3: {  	_ = 	snop  }
0x4: {  	_ = 	snop  }
0x5: {  	_ = 	snop  }
0x6: {  	_ = 	snop  }
0x7: {  	_ = 	snop  }
__scs_overlays_trampoline_lowered:
0x8: {  	[smem:$0x3FAD] =	sst s0  }
0x9: {  	[smem:$0x3FAE] =	sst s1  }
0xa: {  	[smem:$0x3FAF] =	sst s2  }
0xb: {  	[smem:$0x3FB0] =	sst s3  }
0xc: {  	[smem:$0x3FB1] =	sst s4  }
0xd: {  	[smem:$0x3FB2] =	sst s5  }
0xe: {  	[smem:$0x3FB3] =	sst s6  }
0xf: {  	[smem:$0x3FB4] =	sst s7  }
0x10: {  	[smem:$0x3FB5] =	sst s8  }
0x11: {  	[smem:$0x3FB6] =	sst s9;
	s0 =	simm.s32 @!p0 $0x0  }
0x12: {  	s1 =	sld [smem:$0x3F9C];
	s0 =	simm.s32 @p0 $0x1  }
0x13: {  	[smem:$0x3FB7] =	sst s0;
	s0 =	simm.s32 @!p1 $0x0  }
0x14: {  	s2 =	sld [smem:$0x3F9B];
	s0 =	simm.s32 @p1 $0x1  }
0x15: {  	[smem:$0x3FB8] =	sst s0;
	s0 =	simm.s32 @!p2 $0x0  }
0x16: {  	s3 =	sld [smem:$0x3FDB];
	s0 =	simm.s32 @p2 $0x1  }
0x17: {  	s4 =	simm.s32 $0x1BF5;
	[smem:$0x3FBA] =	sst s0  }
0x18: {  	s0 =	sld [smem:$0x3F9D];
	_ =	swait.ge [sflag:s4], $0x0  }
0x19: {  	s7 =	sld [smem:$0x3F9E]  }
0x1a: {  	s8 =	sadd.s32 $0xFFFFE003, lr  }
0x1b: {  	s9 =	sadd.s32 $0xFFFFFEF7, lr;
	s5 =	simm.s32 $0xFFFFFFFF;
	p2 =	slt.u32 s8, $0xFFFFF086  }
0x1c: {  	p1 =	slt.u32 s9, $0xF7A;
	s5 =	simm.s32 @!p2 $0x0  }
0x1d: {  	s5 =	simm.s32 @p1 $0x1;
	p0 =	seq.s32 s7, s2  }
0x1e: {  	s7 =	smul.u32 @!p0 $0xF7A, s2;
	p2 =	seq.s32 @!p0 s5, $0x0  }
0x1f: {  	s9 =	smul.u32 $0xF7A, s1;
	s8 =	simm.s32 @!p0 $0x1BF5;
	p2 =	por !p2, p0  }
0x20: {  	[sflag:s8] =	ssyncset.s32 @!p0 $0xFFFFF086;
	s6 =	sadd.s32 @!p0 s3, s7;
	s7 =	simm.s32 @!p0 $0x108  }
0x21: {  	s3 =	sadd.s32 s3, s9;
	s6 =	sadd.s32 @!p0 $0x88, s6;
	s7 =	simm.s32 @p2 $0x1082  }
0x22: {  	[simem:s7], [sflag:s8] =	dma.local @!p0 [hbm:s6], $0xF7A  }
0x23: {  	s9 =	sor.u32 $0xD0000000, s2;
	s6 =	simm.s32 $0x108;
	_ =	swait.ge @!p0 [sflag:s8], $0x0  }
0x24: {  	s3 =	sadd.s32 $0x88, s3;
	s6 =	simm.s32 @!p1 $0x1082;
	[sflag:s4] =	ssyncset.s32 $0xFFFFF086  }
0x25: {  	[simem:s6], [sflag:s4] =	dma.local [hbm:s3], $0xF7A  }
0x26: {  	[smem:$0x3F9E] =	sst s1;
	(tag) =	ssettag s2;
	_ =	strace s9  }
0x27: {  	s1 =	sld [smem:$0x3FAE]  }
0x28: {  	s2 =	sld [smem:$0x3FAF]  }
0x29: {  	s4 =	sld [smem:$0x3FB1]  }
0x2a: {  	p0 =	seq.s32 s5, $0x0;
	s5 =	sld [smem:$0x3FB2]  }
0x2b: {  	s6 =	sld [smem:$0x3FB3]  }
0x2c: {  	s7 =	sld [smem:$0x3FB4]  }
0x2d: {  	s3 =	simm.s32 $0x108;
	s8 =	sld [smem:$0x3FB5]  }
0x2e: {  	s3 =	simm.s32 @!p0 $0x1082;
	s9 =	sld [smem:$0x3FB6]  }
0x2f: {  	lr =	sadd.s32 s0, s3;
	s0 =	sld [smem:$0x3FAD]  }
0x30: {  	s3 =	sld [smem:$0x3FB0]  }
0x31: {  	[smem:$0x3FB9] =	sst s10  }
0x32: {  	s10 =	sld [smem:$0x3FB7];
	_ =	sdelay $0x3  }
0x33: {  	p0 =	seq.s32 s10, $0x1;
	s10 =	sld [smem:$0x3FB9];
	_ =	sdelay $0x3  }
0x34: {  	[smem:$0x3FB9] =	sst s10  }
0x35: {  	s10 =	sld [smem:$0x3FB8];
	_ =	sdelay $0x3  }
0x36: {  	p1 =	seq.s32 s10, $0x1;
	s10 =	sld [smem:$0x3FB9];
	_ =	sdelay $0x3  }
0x37: {  	[smem:$0x3FB9] =	sst s10  }
0x38: {  	s10 =	sld [smem:$0x3FBA]  }
0x39: {  	_ = 	snop;
	(pc) =	sbr.ind lr, $3  }
0x3a: {  	_ = 	snop  }
0x3b: {  	_ = 	snop  }
0x3c: {  	p2 =	seq.s32 s10, $0x1;
	s10 =	sld [smem:$0x3FB9]  }
0x3d: {  	_ =	shalt  }
0x3e: {  	_ =	shalt  }
0x3f: {  	_ =	shalt  }
0x40: {  	_ =	shalt  }
0x41: {  	_ =	shalt  }
0x42: {  	_ =	shalt  }
0x43: {  	_ =	shalt  }
0x44: {  	_ =	shalt  }
0x45: {  	_ =	shalt  }
0x46: {  	_ =	shalt  }
0x47: {  	_ =	shalt  }
0x48: {  	_ =	shalt  }
0x49: {  	_ =	shalt  }
0x4a: {  	_ =	shalt  }
0x4b: {  	_ =	shalt  }
0x4c: {  	_ =	shalt  }
0x4d: {  	_ =	shalt  }
0x4e: {  	_ =	shalt  }
0x4f: {  	_ =	shalt  }
0x50: {  	_ =	shalt  }
0x51: {  	_ =	shalt  }
0x52: {  	_ =	shalt  }
0x53: {  	_ =	shalt  }
0x54: {  	_ =	shalt  }
0x55: {  	_ =	shalt  }
0x56: {  	_ =	shalt  }
0x57: {  	_ =	shalt  }
0x58: {  	_ =	shalt  }
0x59: {  	_ =	shalt  }
0x5a: {  	_ =	shalt  }
0x5b: {  	_ =	shalt  }
0x5c: {  	_ =	shalt  }
0x5d: {  	_ =	shalt  }
0x5e: {  	_ =	shalt  }
0x5f: {  	_ =	shalt  }
0x60: {  	_ =	shalt  }
0x61: {  	_ =	shalt  }
0x62: {  	_ =	shalt  }
0x63: {  	_ =	shalt  }
0x64: {  	_ =	shalt  }
0x65: {  	_ =	shalt  }
0x66: {  	_ =	shalt  }
0x67: {  	_ =	shalt  }
0x68: {  	_ =	shalt  }
0x69: {  	_ =	shalt  }
0x6a: {  	_ =	shalt  }
0x6b: {  	_ =	shalt  }
0x6c: {  	_ =	shalt  }
0x6d: {  	_ =	shalt  }
0x6e: {  	_ =	shalt  }
0x6f: {  	_ =	shalt  }
0x70: {  	_ =	shalt  }
0x71: {  	_ =	shalt  }
0x72: {  	_ =	shalt  }
0x73: {  	_ =	shalt  }
0x74: {  	_ =	shalt  }
0x75: {  	_ =	shalt  }
0x76: {  	_ =	shalt  }
0x77: {  	_ =	shalt  }
0x78: {  	_ =	shalt  }
0x79: {  	_ =	shalt  }
0x7a: {  	_ =	shalt  }
0x7b: {  	_ =	shalt  }
0x7c: {  	_ =	shalt  }
0x7d: {  	_ =	shalt  }
0x7e: {  	_ =	shalt  }
0x7f: {  	_ =	shalt  }
0x80: {  	_ =	shalt  }
0x81: {  	_ =	shalt  }
0x82: {  	_ =	shalt  }
0x83: {  	_ =	shalt  }
0x84: {  	_ =	shalt  }
0x85: {  	_ =	shalt  }
0x86: {  	_ =	shalt  }
0x87: {  	_ =	shalt  }
.Lfunc_end0:
.L_simem_size_0:
called_computation_lowered:
.L_overlay_start_0:
0x88: {  	s2 =	sld [smem:$0x3FD9]  }
0x89: {  	s3 =	sld [smem:$0x3FFE];
	_ =	sdelay $0x1  }
0x8a: {  	s1 =	srdreg.scid  }
0x8b: {  	s0 =	sand.u32 $0x1, s1  }
0x8c: {  	s17 =	sshll.u32 s0, $0xA;
	s2 =	sadd.s32 s3, s2  }
0x8d: {  	s2 =	sadd.s32 s2, s17  }
0x8e: {  	[smem:$0x3FC5] =	sst s2  }
0x8f: {  	_ = 	snop  }
0x90: {  	s2 =	sld [smem:$0x3FD0];
	(tm) =	ssettm $0x1  }
0x91: {  	s18 =	sld [smem:$0x3FFB];
	_ =	sdelay $0x3  }
0x92: {  	_ =	strace s18  }
0x93: {  	s3 =	sld [smem:$0x3FFC];
	_ =	sdelay $0x3  }
0x94: {  	_ =	strace s3  }
0x95: {  	s3 =	sld [smem:$0x3FFD];
	_ =	sdelay $0x3  }
0x96: {  	_ =	strace s3  }
0x97: {  	_ =	strace $0x8FFFFFFF  }
0x98: {  	s19 =	sld [smem:$0x3FDB];
	_ =	sdelay $0x1  }
0x99: {  	s4 =	simm.s32 $_scs_section_size  }
0x9a: {  	s5 =	simm.s32 $_size__tile_overlayer_lowered;
	s6 =	simm.s32 $_tile_overlayer_lowered  }
0x9b: {  	s22 =	simm.s32 $0x1BFF;
	s21 =	sshll.u32 s6, $0x1;
	s3 =	sadd.s32 s4, s19  }
0x9c: {  	s7 =	simm.s32 $0x0;
	s20 =	sshll.u32 s5, $0x1;
	s5 =	sadd.s32 s21, s3  }
0x9d: {  	[timem:s7], [sflag:s22] =	dma.local [hbm:s5], s20  }
0x9e: {  	_ =	swait.ge [sflag:s22], s20  }
0x9f: {  	s4 =	ssub.s32 $0x0, s20;
	[sflag:s22] =	ssyncset.done $0x0  }
0xa0: {  	[sflag:s22] =	ssyncadd.s32 s4;
	_ =	sdelay $0x1  }
0xa1: {  	s23 =	simm.s32 $0x1B8B  }
0xa2: {  	_ =	swait.ge [sflag:s23], $0x1  }
0xa3: {  	[sflag:s23] =	ssyncset.done $0x0  }
0xa4: {  	s25 =	simm.s32 $0x1B8E;
	s24 =	sld [smem:$0x3FFE];
	[sflag:s23] =	ssyncadd.s32 $0xFFFFFFFF  }
0xa5: {  	s26 =	simm.s32 $execute0_lowered;
	[smem:$0x3FD2] =	sst s25  }
0xa6: {  	s5 =	sshll.u32 s26, $0x1;
	_ =	strace $0x80000046;
	[dreg:$0x1] =	wrdreg $0xFFFFFFFF  }
0xa7: {  	s28 =	simm.s32 $_size_execute0_lowered;
	s3 =	sadd.s32 s3, s5;
	[dreg:$0x0] =	wrdreg $0x0  }
0xa8: {  	s5 =	sshll.u32 s28, $0x1;
	[dreg:$0x2] =	wrdreg s3  }
0xa9: {  	[dreg:$0x3] =	wrdreg s5  }
0xaa: {  	[dreg:$0x4] =	wrdreg $0xC0  }
0xab: {  	_ =	task [dreg:s7], $0x5FFFF  }
0xac: {  	[dreg:$0x1] =	wrdreg $0xFFFFFFFF  }
0xad: {  	[dreg:$0x0] =	wrdreg $0x60  }
0xae: {  	[dreg:$0x2] =	wrdreg s2  }
0xaf: {  	[dreg:$0x3] =	wrdreg s24  }
0xb0: {  	[dreg:$0x4] =	wrdreg $0x0  }
0xb1: {  	[dreg:$0x5] =	wrdreg $0x9C600  }
0xb2: {  	[dreg:$0x6] =	wrdreg $0x9  }
0xb3: {  	_ =	task.clear_ibuf [dreg:s7], $0x7FFFF;
	_ =	strace $0x90000046  }
0xb4: {  	s29 =	simm.s32 $0x9;
	_ =	strace $0x80000048  }
0xb5: {  	_ =	swait.ge [sflag:s29], $0x1  }
0xb6: {  	[sflag:s29] =	ssyncadd.s32 $0xFFFFFFFF  }
0xb7: {  	_ =	strace $0x90000048  }
0xb8: {  	_ =	sfence  }
0xb9: {  	s30 =	sld [smem:$0x0];
	_ =	sdelay $0x2  }
0xba: {  	s31 =	sshll.u32 s1, $0xD;
	s1 =	sshrl.u32 s1, $0x2  }
0xbb: {  	s3 =	sand.u32 $0x4000, s31;
	s1 =	sadd.s32 s1, s30  }
0xbc: {  	s0 =	sor.u32 s3, s0;
	s1 =	sshll.u32 s1, $0x11  }
0xbd: {  	s0 =	sor.u32 s1, s0  }
0xbe: {  	s0 =	sadd.s32 $0x8F2B, s0  }
0xbf: {  	[sflag:s0] =	ssyncadd.remote.s32 $0x1  }
0xc0: {  	_ =	sfence.sel $0xFFFF  }
0xc1: {  	[dreg:$0x0] =	wrdreg $0xFFFFFFFF;
	(pc) =	sbr.abs _section_cstart, $3  }
0xc2: {  	[dreg:$0x1] =	wrdreg $0xFFFFFFFF  }
0xc3: {  	_ =	task.clear_ibuf [dreg:s7], $0x2FFFF;
	_ =	strace $0x9FFFFFFF  }
0xc4: {  	(tm) =	ssettm $0x7FFFFFFF  }
0xc5: {  	_ =	shalt  }
tec
execute0_lowered:
.L_overlay_start_1:
0x0: {  	(tag) =	ssettag $0x1  }
0x1: {  	s1 =	rddreg [dreg:$0x0]  }
0x2: {  	s0 =	rddreg [dreg:$0x1]  }
0x3: {  	s2 =	rddreg [dreg:$0x2]  }
0x4: {  	s3 =	rddreg [dreg:$0x3];
	s4 =	simm.s32 $0x0  }
0x5: {  	s22 =	srdreg.scid;
	s30 =	simm.s32 $0x14F78;
	s31 =	simm.s32 $0x11  }
0x6: {  	[smem:$0x7FF] =	sst s4;
	s4 =	sand.u32 $0x1, s22;
	s22 =	stileid.u32  }
0x7: {  	s28 =	simm.s32 $0x9;
	s5 =	sadd.s32 $0x800, s0;
	s13 =	smul.u32 $0x9C40, s22  }
0x8: {  	s7 =	sadd.s32 $0x14200, s0;
	s0 =	sadd.s32 $0x14600, s0;
	s14 =	smul.u32 $0x2710, s4  }
0x9: {  	_ =	strace $0x80000047;
	s6 =	ssub.s32 $0x2, s4;
	s4 =	smul.u32 $0x9C400, s4  }
0xa: {  	[dreg:$0x5] =	wrdreg s7;
	s18 =	smul.u32 $0x4E20, s22;
	s23 =	sshrl.u32 s6, $0x1  }
0xb: {  	s6 =	ssub.s32 s6, s23;
	s7 =	sadd.s32 s13, s2;
	s8 =	sshrl.u32 s13, $0x2  }
0xc: {  	s15 =	sadd.s32 $0x1F40, s13;
	s16 =	sadd.s32 $0x3E80, s13;
	s17 =	sadd.s32 $0x5DC0, s13  }
0xd: {  	s20 =	sadd.s32 $0x7D00, s13;
	s13 =	sadd.s32 s13, s4;
	s21 =	sshrl.u32 s18, $0x3  }
0xe: {  	s8 =	sadd.s32 s8, s3;
	s10 =	sshrl.u32 s15, $0x2;
	s9 =	sadd.s32 s15, s2  }
0xf: {  	s11 =	sadd.s32 s16, s2;
	s12 =	sshrl.u32 s16, $0x2;
	s19 =	sshrl.u32 s17, $0x2  }
0x10: {  	s15 =	sadd.s32 s4, s15;
	s13 =	sshrl.u32 s13, $0x3;
	s25 =	sadd.s32 s4, s16  }
0x11: {  	s26 =	sadd.s32 s4, s17;
	s4 =	sadd.s32 s4, s20;
	s16 =	smul.u32 $0x9C4, s22  }
0x12: {  	s18 =	sadd.s32 s17, s2;
	s17 =	sadd.s32 s5, s21;
	s21 =	sadd.s32 s20, s2  }
0x13: {  	s22 =	sshrl.u32 s20, $0x2;
	s23 =	smax.u32 s6, $0x1;
	s20 =	simm.s32 $0x0  }
0x14: {  	s10 =	sadd.s32 s10, s3;
	s12 =	sadd.s32 s12, s3;
	s15 =	sshrl.u32 s15, $0x3  }
0x15: {  	s13 =	sadd.s32 s0, s13;
	s4 =	sshrl.u32 s4, $0x3;
	[dreg:$0xc] =	wrdreg s23  }
0x16: {  	s19 =	sadd.s32 s19, s3;
	s22 =	sadd.s32 s22, s3;
	[dreg:$0xb] =	wrdreg s17  }
0x17: {  	s29 =	sadd.s32 $0x9C0, s17;
	[dreg:$0x6] =	wrdreg s13;
	s24 =	sadd.s32 s0, s15  }
0x18: {  	s13 =	sshrl.u32 s25, $0x3;
	s25 =	sadd.s32 $0x20, s17;
	[dreg:$0x7] =	wrdreg s24  }
0x19: {  	s15 =	sshrl.u32 s26, $0x3;
	s26 =	sadd.s32 $0x30, s17;
	[dreg:$0xf] =	wrdreg s25  }
0x1a: {  	s13 =	sadd.s32 s0, s13;
	s24 =	sadd.s32 $0x10, s17;
	[dreg:$0x10] =	wrdreg s26  }
0x1b: {  	s26 =	simm.s32 $0x10;
	[dreg:$0x8] =	wrdreg s13;
	s13 =	sadd.s32 s0, s15  }
0x1c: {  	s0 =	sadd.s32 s0, s4;
	[dreg:$0xe] =	wrdreg s24;
	s4 =	simm.s32 $0x4E200  }
0x1d: {  	s24 =	simm.s32 $0xD;
	[dreg:$0xa] =	wrdreg s0;
	s0 =	sadd.s32 s16, s5  }
0x1e: {  	[dreg:$0x9] =	wrdreg s13;
	s5 =	simm.s32 $0x80;
	s0 =	sadd.s32 $0x30, s0  }
0x1f: {  	v1 =	vimm.f32 $1.000000000e+00;
	v2 =	vimm.f32 $0.0e+00;
	v0 =	vmov s14;
	s16 =	simm.s32 $0x14778;
	[dreg:$0xd] =	wrdreg s0;
	s0 =	simm.s32 $0x16EB8  }
.LBB2_1:
0x20: {  	s14 =	simm.s32 $0x0  }
.LBB2_2:
0x21: {  	p0 =	sne.s32 s14, $0x1FC0  }
.Ltmp0:
0x22: {  	_ = 	snop;
	(pc) =	sbr.rel @p0 .LBB2_2-.Ltmp0, $3  }
0x23: {  	_ =	sdelay $0x1  }
0x24: {  	s15 =	sshra.s32 s14, $0x2  }
0x25: {  	s14 =	sadd.s32 $0x40, s14;
	[tilespmem:s15+$0x14778] =	vst v1  }
0x26: {  	s14 =	simm.s32 $0x40;
	s15 =	simm.s32 $0x0  }
.LBB2_4:
0x27: {  	p0 =	sne.s32 s14, $0x1F00;
	[tilespmem:s15+$0x16EB8] =	vst v2;
	s15 =	smov.u32 s14;
	s14 =	sadd.s32 $0x40, s14  }
.Ltmp1:
0x28: {  	(pc) =	sbr.rel @p0 .LBB2_4-.Ltmp1, $2  }
0x29: {  	_ =	sdelay $0x2  }
0x2a: {  	s15 =	sshra.s32 s15, $0x2  }
0x2b: {  	[tilespmem:s15+$0x16EB8] =	vst v2;
	s14 =	simm.s32 $0x0;
	s6 =	rddreg [dreg:$0x5]  }
0x2c: {  	[tilespmem:s30], [sflag:$0x11] =	stream.linear.gather [hbm4b:s6+s14], $0x1F40, $0x38;
	[tilespmem:$0x17688] =	vst v63  }
0x2d: {  	_ =	swait.ge [sflag:s31], $0x1F40  }
0x2e: {  	[sflag:s31] =	ssyncset.done $0x0  }
0x2f: {  	[sflag:s31] =	ssyncadd.s32 $0xFFFFE0C0  }
0x30: {  	[spmem:s7] =	stream.linear.scatter [tilespmem:s30], [sflag:$0x11], $0x1F40, $0x38;
	[tilespmem:$0x17688] =	vst v63  }
0x31: {  	_ =	swait.ge [sflag:s31], $0x1F40  }
0x32: {  	[sflag:s31] =	ssyncset.done $0x0  }
0x33: {  	[sflag:s31] =	ssyncadd.s32 $0xFFFFE0C0  }
0x34: {  	[spmem:s8] =	stream.linear.scatter [tilespmem:s0], [sflag:$0x11], $0x7D0, $0x38;
	[tilespmem:$0x17688] =	vst v63  }
0x35: {  	_ =	swait.ge [sflag:s31], $0x7D0  }
0x36: {  	[sflag:s31] =	ssyncset.done $0x0  }
0x37: {  	[sflag:s31] =	ssyncadd.s32 $0xFFFFF830  }
0x38: {  	[spmem:s9] =	stream.linear.scatter [tilespmem:s30], [sflag:$0x11], $0x1F40, $0x38;
	[tilespmem:$0x17688] =	vst v63  }
0x39: {  	_ =	swait.ge [sflag:s31], $0x1F40  }
0x3a: {  	[sflag:s31] =	ssyncset.done $0x0  }
0x3b: {  	[sflag:s31] =	ssyncadd.s32 $0xFFFFE0C0  }
0x3c: {  	[spmem:s10] =	stream.linear.scatter [tilespmem:s0], [sflag:$0x11], $0x7D0, $0x38;
	[tilespmem:$0x17688] =	vst v63  }
0x3d: {  	_ =	swait.ge [sflag:s31], $0x7D0  }
0x3e: {  	[sflag:s31] =	ssyncset.done $0x0  }
0x3f: {  	[sflag:s31] =	ssyncadd.s32 $0xFFFFF830  }
0x40: {  	[spmem:s11] =	stream.linear.scatter [tilespmem:s30], [sflag:$0x11], $0x1F40, $0x38;
	[tilespmem:$0x17688] =	vst v63  }
0x41: {  	_ =	swait.ge [sflag:s31], $0x1F40  }
0x42: {  	[sflag:s31] =	ssyncset.done $0x0  }
0x43: {  	[sflag:s31] =	ssyncadd.s32 $0xFFFFE0C0  }
0x44: {  	[spmem:s12] =	stream.linear.scatter [tilespmem:s0], [sflag:$0x11], $0x7D0, $0x38;
	[tilespmem:$0x17688] =	vst v63  }
0x45: {  	_ =	swait.ge [sflag:s31], $0x7D0  }
0x46: {  	[sflag:s31] =	ssyncset.done $0x0  }
0x47: {  	[sflag:s31] =	ssyncadd.s32 $0xFFFFF830  }
0x48: {  	[spmem:s18] =	stream.linear.scatter [tilespmem:s30], [sflag:$0x11], $0x1F40, $0x38;
	[tilespmem:$0x17688] =	vst v63  }
0x49: {  	_ =	swait.ge [sflag:s31], $0x1F40  }
0x4a: {  	[sflag:s31] =	ssyncset.done $0x0  }
0x4b: {  	[sflag:s31] =	ssyncadd.s32 $0xFFFFE0C0  }
0x4c: {  	[spmem:s19] =	stream.linear.scatter [tilespmem:s0], [sflag:$0x11], $0x7D0, $0x38;
	[tilespmem:$0x17688] =	vst v63  }
0x4d: {  	_ =	swait.ge [sflag:s31], $0x7D0  }
0x4e: {  	[sflag:s31] =	ssyncset.done $0x0  }
0x4f: {  	[sflag:s31] =	ssyncadd.s32 $0xFFFFF830  }
0x50: {  	[spmem:s21] =	stream.linear.scatter [tilespmem:s30], [sflag:$0x11], $0x1F40, $0x38;
	[tilespmem:$0x17688] =	vst v63  }
0x51: {  	_ =	swait.ge [sflag:s31], $0x1F40  }
0x52: {  	[sflag:s31] =	ssyncset.done $0x0  }
0x53: {  	[sflag:s31] =	ssyncadd.s32 $0xFFFFE0C0  }
0x54: {  	[spmem:s22] =	stream.linear.scatter [tilespmem:s0], [sflag:$0x11], $0x7D0, $0x38;
	[tilespmem:$0x17688] =	vst v63  }
0x55: {  	_ =	swait.ge [sflag:s31], $0x7D0  }
0x56: {  	[sflag:s31] =	ssyncset.done $0x0  }
0x57: {  	[sflag:s31] =	ssyncadd.s32 $0xFFFFF830  }
0x58: {  	[bflag:$0x0] =	sbarrier.arrive $0xFFFF  }
0x59: {  	s13 =	simm.s32 $0xC378;
	s17 =	rddreg [dreg:$0xb]  }
0x5a: {  	[tilespmem:s13], [sflag:$0x1] =	stream.strided.gather [hbm4b:s17+s5], $0x100, s4, s5, $0x38;
	[tilespmem:$0x17688] =	vst v63  }
0x5b: {  	s15 =	simm.s32 $0xC478;
	s23 =	rddreg [dreg:$0xe]  }
0x5c: {  	[tilespmem:s15], [sflag:$0x2] =	stream.strided.gather [hbm4b:s23+s5], $0x100, s4, s5, $0x38;
	[tilespmem:$0x17688] =	vst v63  }
0x5d: {  	s25 =	rddreg [dreg:$0xf];
	s17 =	simm.s32 $0xC578  }
0x5e: {  	[tilespmem:s17], [sflag:$0x3] =	stream.strided.gather [hbm4b:s25+s5], $0x100, s4, s5, $0x38;
	[tilespmem:$0x17688] =	vst v63  }
0x5f: {  	s23 =	simm.s32 $0xC678;
	s17 =	rddreg [dreg:$0x10];
	s25 =	simm.s32 $0x1  }
0x60: {  	[tilespmem:s23], [sflag:$0x4] =	stream.strided.gather [hbm4b:s17+s5], $0x100, s4, s5, $0x38;
	[tilespmem:$0x17688] =	vst v63  }
0x61: {  	_ =	swait.ge [sflag:s25], $0x100  }
0x62: {  	[sflag:s25] =	ssyncset.done $0x0  }
0x63: {  	[sflag:s25] =	ssyncadd.s32 $0xFFFFFF00  }
0x64: {  	v3 =	vld [tilespmem:$0xC378]  }
0x65: {  	v4 =	vld [tilespmem:$0xC388]  }
0x66: {  	v5 =	vld [tilespmem:$0xC398]  }
0x67: {  	v6 =	vld [tilespmem:$0xC3A8]  }
0x68: {  	v7 =	vld [tilespmem:$0xC3B8]  }
0x69: {  	v8 =	vld [tilespmem:$0xC3C8];
	v3 =	vadd.s32 v0, v3  }
0x6a: {  	v55 =	vld [tilespmem:$0xC3D8];
	[tilespmem:$0xC378] =	vst v3;
	v3 =	vadd.s32 v0, v4  }
0x6b: {  	v56 =	vld [tilespmem:$0xC3E8];
	[tilespmem:$0xC388] =	vst v3;
	v3 =	vadd.s32 v0, v5  }
0x6c: {  	[tilespmem:$0xC398] =	vst v3;
	v3 =	vadd.s32 v0, v6  }
0x6d: {  	[tilespmem:$0xC3A8] =	vst v3;
	v3 =	vadd.s32 v0, v7  }
0x6e: {  	[tilespmem:$0xC3B8] =	vst v3;
	v3 =	vadd.s32 v0, v8  }
0x6f: {  	[tilespmem:$0xC3C8] =	vst v3;
	v3 =	vadd.s32 v0, v55  }
0x70: {  	[tilespmem:$0xC3D8] =	vst v3;
	v3 =	vadd.s32 v0, v56  }
0x71: {  	s17 =	simm.s32 $0xC778;
	s23 =	simm.s32 $0x2;
	[tilespmem:$0xC3E8] =	vst v3  }
0x72: {  	[tilespmem:s17], [sflag:$0x5] =	stream.indirect.gather [hbm4b:s1+s5], $0x40, s13, s5, $0xb8;
	[tilespmem:$0x17688] =	vst v63  }
0x73: {  	_ =	swait.ge [sflag:s23], $0x100  }
0x74: {  	[sflag:s23] =	ssyncset.done $0x0  }
0x75: {  	[sflag:s23] =	ssyncadd.s32 $0xFFFFFF00  }
0x76: {  	v3 =	vld [tilespmem:$0xC478]  }
0x77: {  	v57 =	vld [tilespmem:$0xC488]  }
0x78: {  	v58 =	vld [tilespmem:$0xC498]  }
0x79: {  	v59 =	vld [tilespmem:$0xC4A8]  }
0x7a: {  	v60 =	vld [tilespmem:$0xC4B8]  }
0x7b: {  	v61 =	vld [tilespmem:$0xC4C8];
	v3 =	vadd.s32 v0, v3  }
0x7c: {  	v62 =	vld [tilespmem:$0xC4D8];
	[tilespmem:$0xC478] =	vst v3;
	v3 =	vadd.s32 v0, v57  }
0x7d: {  	v63 =	vld [tilespmem:$0xC4E8];
	[tilespmem:$0xC488] =	vst v3;
	v3 =	vadd.s32 v0, v58  }
0x7e: {  	[tilespmem:$0xC498] =	vst v3;
	v3 =	vadd.s32 v0, v59  }
0x7f: {  	[tilespmem:$0xC4A8] =	vst v3;
	v3 =	vadd.s32 v0, v60  }
0x80: {  	[tilespmem:$0xC4B8] =	vst v3;
	v3 =	vadd.s32 v0, v61  }
.Ltmp2:
0x81: {  	[tilespmem:$0xC4C8] =	vst v3;
	v3 =	vadd.s32 v0, v62;
	(pc) =	sbr.rel .LBB2_6-.Ltmp2, $4  }
0x82: {  	[tilespmem:$0xC4D8] =	vst v3;
	v3 =	vadd.s32 v0, v63  }
0x83: {  	s25 =	simm.s32 $0xE778;
	[tilespmem:$0xC4E8] =	vst v3  }
0x84: {  	[tilespmem:s25], [sflag:$0x6] =	stream.indirect.gather [hbm4b:s1+s5], $0x40, s15, s5, $0xb8;
	[tilespmem:$0x17688] =	vst v63  }
0x85: {  	s15 =	rddreg [dreg:$0xd]  }
.LBB2_11:
0x86: {  	s6 =	sadd.s32 $0x1, s17  }
0x87: {  	_ =	swait.ge [sflag:s6], $0x40  }
0x88: {  	[sflag:s6] =	ssyncset.done $0x0  }
0x89: {  	s17 =	simm.s32 $0x0;
	[sflag:s6] =	ssyncadd.s32 $0xFFFFFFC0  }
.LBB2_12:
0x8a: {  	s6 =	sshll.u32 s17, $0x8  }
0x8b: {  	v3 =	vld [tilespmem:s6+$0xC378]  }
0x8c: {  	v4 =	vld [tilespmem:s6+$0xC388]  }
0x8d: {  	v5 =	vld [tilespmem:s6+$0xC398]  }
0x8e: {  	v6 =	vld [tilespmem:s6+$0xC3A8]  }
0x8f: {  	v7 =	vld [tilespmem:s6+$0xC3B8]  }
0x90: {  	v8 =	vld [tilespmem:s6+$0xC3C8];
	v3 =	vadd.s32 v0, v3  }
0x91: {  	v62 =	vld [tilespmem:s6+$0xC3D8];
	[tilespmem:s6+$0xC378] =	vst v3;
	v3 =	vadd.s32 v0, v4  }
0x92: {  	v63 =	vld [tilespmem:s6+$0xC3E8];
	[tilespmem:s6+$0xC388] =	vst v3;
	v3 =	vadd.s32 v0, v5  }
0x93: {  	[tilespmem:s6+$0xC398] =	vst v3;
	v3 =	vadd.s32 v0, v6  }
0x94: {  	[tilespmem:s6+$0xC3A8] =	vst v3;
	v3 =	vadd.s32 v0, v7  }
0x95: {  	[tilespmem:s6+$0xC3B8] =	vst v3;
	v3 =	vadd.s32 v0, v8  }
0x96: {  	[tilespmem:s6+$0xC3C8] =	vst v3;
	v3 =	vadd.s32 v0, v62  }
0x97: {  	s13 =	sshll.u32 s17, $0xD;
	[tilespmem:s6+$0xC3D8] =	vst v3;
	v3 =	vadd.s32 v0, v63  }
0x98: {  	s25 =	sadd.s32 $0x5, s17;
	s13 =	sadd.s32 $0xC778, s13;
	[tilespmem:s6+$0xC3E8] =	vst v3;
	s6 =	sadd.s32 $0xC378, s6  }
0x99: {  	[tilespmem:s13], [sflag:s25] =	stream.indirect.gather [hbm4b:s1+s5], $0x40, s6, s5, $0xb8;
	[tilespmem:$0x17688] =	vst v63  }
.LBB2_13:
0x9a: {  	s6 =	sand.u32 $0x3, s14  }
0x9b: {  	s14 =	sadd.s32 $0x1, s14;
	s13 =	sadd.s32 $0x5, s6;
	s17 =	sshll.u32 s6, $0xD  }
0x9c: {  	s23 =	sshll.u32 s6, $0x8;
	p0 =	sne.s32 s14, $0x9D;
	_ =	swait.ge [sflag:s13], $0x2000  }
.Ltmp3:
0x9d: {  	s25 =	sadd.s32 $0x9, s6;
	[sflag:s13] =	ssyncset.done $0x0;
	(pc) =	sbr.rel @!p0 .LBB2_14-.Ltmp3, $4  }
0x9e: {  	s17 =	sadd.s32 $0xC778, s17;
	[sflag:s13] =	ssyncadd.s32 $0xFFFFE000;
	s13 =	sadd.s32 $0xC3F8, s23  }
0x9f: {  	[spmem:s2] =	stream.indirect.scatter.add.f32 [tilespmem:s17], [sflag:s25], $0x40, s13, s5, $0xb8;
	[tilespmem:$0x17688] =	vst v63  }
0xa0: {  	s15 =	sadd.s32 $0x10, s15;
	s6 =	sadd.s32 $0xD, s6  }
0xa1: {  	[spmem:s3] =	stream.indirect.scatter.add.f32 [tilespmem:s16], [sflag:s6], $0x10, s13, s5, $0xb8;
	[tilespmem:$0x17688] =	vst v63  }
.LBB2_6:
0xa2: {  	s17 =	sadd.s32 $0xFFFFFFFF, s14  }
0xa3: {  	p0 =	sgt.u32 s17, $0x98  }
.Ltmp4:
0xa4: {  	_ = 	snop;
	(pc) =	sbr.rel @p0 .LBB2_8-.Ltmp4, $1  }
0xa5: {  	_ =	sdelay $0x3  }
0xa6: {  	s17 =	sadd.s32 $0x3, s14  }
0xa7: {  	s17 =	sand.u32 $0x3, s17  }
0xa8: {  	s6 =	sadd.s32 $0x9, s17  }
0xa9: {  	_ =	swait.ge [sflag:s6], $0x2000  }
0xaa: {  	[sflag:s6] =	ssyncset.done $0x0  }
0xab: {  	s25 =	sadd.s32 $0xD, s17;
	[sflag:s6] =	ssyncadd.s32 $0xFFFFE000  }
0xac: {  	p0 =	seq.s32 s14, $0x99;
	_ =	swait.ge [sflag:s25], $0x800  }
0xad: {  	s13 =	simm.s32 @p0 $0x0;
	[sflag:s25] =	ssyncset.done $0x0  }
0xae: {  	s23 =	simm.s32 @p0 $0xC378;
	s6 =	sadd.s32 @p0 $0x1, s17;
	[sflag:s25] =	ssyncadd.s32 $0xFFFFF800  }
0xaf: {  	[tilespmem:s23], [sflag:s6] =	stream.linear.gather @p0 [hbm4b:s29+s13], $0x20, $0x38;
	[tilespmem:$0x17688] =	vst v63  }
0xb0: {  	s25 =	simm.s32 @p0 $0xC3F8;
	s23 =	sadd.s32 @p0 $0x9C40, s29  }
0xb1: {  	v3 =	vimm.s32 @p0 $0x0;
	[tilespmem:s25], [sflag:s6] =	stream.linear.gather @p0 [hbm4b:s23+s13], $0x20, $0x38;
	[tilespmem:$0x17688] =	vst v63  }
0xb2: {  	v4 =	vimm.s32 @p0 $0x2710;
	[tilespmem:$0xC398] =	vst @p0 v3  }
0xb3: {  	[tilespmem:$0xC418] =	vst @p0 v4  }
0xb4: {  	[tilespmem:$0xC3A8] =	vst @p0 v3  }
0xb5: {  	[tilespmem:$0xC428] =	vst @p0 v4  }
0xb6: {  	[tilespmem:$0xC3B8] =	vst @p0 v3  }
0xb7: {  	[tilespmem:$0xC438] =	vst @p0 v4  }
0xb8: {  	[tilespmem:$0xC3C8] =	vst @p0 v3  }
0xb9: {  	[tilespmem:$0xC448] =	vst @p0 v4  }
0xba: {  	[tilespmem:$0xC3D8] =	vst @p0 v3  }
0xbb: {  	[tilespmem:$0xC458] =	vst @p0 v4  }
0xbc: {  	s6 =	sshll.u32 @!p0 s17, $0x8;
	s13 =	sadd.s32 @!p0 $0x1, s17;
	[tilespmem:$0xC3E8] =	vst @p0 v3  }
0xbd: {  	s17 =	simm.s32 @!p0 $0x80;
	s23 =	simm.s32 @!p0 $0x4E200;
	s6 =	sadd.s32 @!p0 $0xC378, s6;
	[tilespmem:$0xC468] =	vst @p0 v4  }
0xbe: {  	[tilespmem:s6], [sflag:s13] =	stream.strided.gather @!p0 [hbm4b:s15+s17], $0x100, s23, s17, $0x38;
	[tilespmem:$0x17688] =	vst v63  }
0xbf: {  	s6 =	sand.u32 @!p0 $0x3, s14  }
0xc0: {  	s17 =	sxor.u32 @!p0 $0x2, s6  }
0xc1: {  	s17 =	simm.s32 @p0 $0x3  }
.LBB2_10:
.Ltmp5:
0xc2: {  	(pc) =	sbr.rel .LBB2_12-.Ltmp5, $4  }
0xc3: {  	s6 =	sadd.s32 $0x1, s17  }
0xc4: {  	_ =	swait.ge [sflag:s6], $0x100  }
0xc5: {  	[sflag:s6] =	ssyncset.done $0x0  }
0xc6: {  	[sflag:s6] =	ssyncadd.s32 $0xFFFFFF00  }
.LBB2_8:
0xc7: {  	p0 =	sgt.u32 s14, $0x9A  }
.Ltmp6:
0xc8: {  	_ = 	snop;
	(pc) =	sbr.rel @p0 .LBB2_13-.Ltmp6, $1  }
0xc9: {  	_ =	sdelay $0x3  }
0xca: {  	p0 =	seq.s32 s14, $0x9A  }
.Ltmp7:
0xcb: {  	_ = 	snop;
	(pc) =	sbr.rel @p0 .LBB2_11-.Ltmp7, $4  }
.Ltmp8:
0xcc: {  	_ = 	snop;
	(pc) =	sbr.rel @!p0 .LBB2_10-.Ltmp8, $4  }
0xcd: {  	_ = 	snop  }
0xce: {  	s6 =	sadd.s32 $0x2, s14  }
0xcf: {  	s17 =	sand.u32 $0x3, s6  }
0xd0: {  	_ = 	snop  }
.LBB2_14:
0xd1: {  	s6 =	simm.s32 $0xA  }
0xd2: {  	_ =	swait.ge [sflag:s6], $0x2000  }
0xd3: {  	[sflag:s6] =	ssyncset.done $0x0  }
0xd4: {  	s14 =	simm.s32 $0xE;
	[sflag:s6] =	ssyncadd.s32 $0xFFFFE000  }
0xd5: {  	_ =	swait.ge [sflag:s14], $0x800  }
0xd6: {  	[sflag:s14] =	ssyncset.done $0x0  }
0xd7: {  	s15 =	simm.s32 $0xB;
	[sflag:s14] =	ssyncadd.s32 $0xFFFFF800  }
0xd8: {  	_ =	swait.ge [sflag:s15], $0x2000  }
0xd9: {  	[sflag:s15] =	ssyncset.done $0x0  }
0xda: {  	s17 =	simm.s32 $0xF;
	[sflag:s15] =	ssyncadd.s32 $0xFFFFE000  }
0xdb: {  	_ =	swait.ge [sflag:s17], $0x800  }
0xdc: {  	[sflag:s17] =	ssyncset.done $0x0  }
0xdd: {  	s23 =	simm.s32 $0xC;
	[sflag:s17] =	ssyncadd.s32 $0xFFFFF800  }
0xde: {  	_ =	swait.ge [sflag:s23], $0x2000  }
0xdf: {  	[sflag:s23] =	ssyncset.done $0x0  }
0xe0: {  	[sflag:s23] =	ssyncadd.s32 $0xFFFFE000  }
0xe1: {  	_ =	swait.ge [sflag:s26], $0x800  }
0xe2: {  	[sflag:s26] =	ssyncset.done $0x0  }
0xe3: {  	[sflag:s26] =	ssyncadd.s32 $0xFFFFF800  }
0xe4: {  	_ =	swait.ge [sflag:s28], $0x2000  }
0xe5: {  	[sflag:s28] =	ssyncset.done $0x0  }
0xe6: {  	[sflag:s28] =	ssyncadd.s32 $0xFFFFE000  }
0xe7: {  	_ =	swait.ge [sflag:s24], $0x800  }
0xe8: {  	[sflag:s24] =	ssyncset.done $0x0  }
0xe9: {  	[sflag:s24] =	ssyncadd.s32 $0xFFFFF800  }
0xea: {  	[bflag:$0x0] =	sbarrier.arrive $0xFFFF  }
0xeb: {  	[tilespmem:s30], [sflag:$0x11] =	stream.linear.gather [spmem:s7], $0x1F40, $0x38;
	[tilespmem:$0x17688] =	vst v63  }
0xec: {  	_ =	swait.ge [sflag:s31], $0x1F40  }
0xed: {  	[sflag:s31] =	ssyncset.done $0x0  }
0xee: {  	[sflag:s31] =	ssyncadd.s32 $0xFFFFE0C0  }
0xef: {  	[tilespmem:s0], [sflag:$0x11] =	stream.linear.gather [spmem:s8], $0x7D0, $0x38;
	[tilespmem:$0x17688] =	vst v63  }
0xf0: {  	_ =	swait.ge [sflag:s31], $0x7D0  }
0xf1: {  	[sflag:s31] =	ssyncset.done $0x0  }
0xf2: {  	s25 =	simm.s32 $0x0;
	[sflag:s31] =	ssyncadd.s32 $0xFFFFF830  }
0xf3: {  	v3 =	vld [tilespmem:s25+$0x16EB8];
	_ =	sdelay $0x4  }
0xf4: {  	(erf) = vrcp.f32 v3;
	_ =	sdelay $0x4  }
0xf5: {  	s14 =	simm.s32 $0x14F98  }
0xf6: {  	v4 =	vld [tilespmem:s14+$0xFFFFFFE0]  }
0xf7: {  	v5 =	vld [tilespmem:s14+$0xFFFFFFF0]  }
0xf8: {  	v6 =	vld [tilespmem:s14+$0x0]  }
0xf9: {  	v7 =	vld [tilespmem:s14+$0x10];
	vm0 =	vgt.f32 v3, $0.0e+00;
	v3 =	vpop (erf)  }
0xfa: {  	v3 =	vnsel vm0, $0x0, v3  }
0xfb: {  	v4 =	vmul.f32 v3, v4  }
0xfc: {  	v5 =	vmul.f32 v5, v3  }
0xfd: {  	v6 =	vmul.f32 v6, v3;
	[tilespmem:s14+$0xFFFFFFE0] =	vst v4  }
0xfe: {  	v3 =	vmul.f32 v7, v3;
	[tilespmem:s14+$0xFFFFFFF0] =	vst v5  }
0xff: {  	[tilespmem:s14+$0x0] =	vst v6  }
0x100: {  	s15 =	simm.s32 $0x80;
	s17 =	simm.s32 $0x10;
	[tilespmem:s14+$0x10] =	vst v3  }
.LBB2_15:
0x101: {  	p0 =	sne.s32 s15, $0x1F00;
	v3 =	vld [tilespmem:s17+$0x16EB8];
	_ =	sdelay $0x4  }
0x102: {  	(erf) = vrcp.f32 v3;
	_ =	sdelay $0x2  }
0x103: {  	s14 =	sadd.s32 $0x40, s14  }
0x104: {  	v4 =	vld [tilespmem:s14+$0xFFFFFFF0]  }
0x105: {  	v5 =	vld [tilespmem:s14+$0x10]  }
0x106: {  	v6 =	vld [tilespmem:s14+$0xFFFFFFE0]  }
0x107: {  	v7 =	vld [tilespmem:s14+$0x0];
	_ =	sdelay $0x1  }
0x108: {  	vm0 =	vgt.f32 v3, $0.0e+00;
	v3 =	vpop (erf)  }
0x109: {  	v3 =	vnsel vm0, $0x0, v3  }
0x10a: {  	v6 =	vmul.f32 v3, v6;
	v4 =	vmul.f32 v4, v3  }
.Ltmp9:
0x10b: {  	v7 =	vmul.f32 v7, v3;
	v3 =	vmul.f32 v5, v3;
	(pc) =	sbr.rel @p0 .LBB2_15-.Ltmp9, $4  }
0x10c: {  	[tilespmem:s14+$0xFFFFFFE0] =	vst v6  }
0x10d: {  	[tilespmem:s14+$0xFFFFFFF0] =	vst v4  }
0x10e: {  	[tilespmem:s14+$0x0] =	vst v7  }
0x10f: {  	s17 =	sshra.s32 s15, $0x2;
	s15 =	sadd.s32 $0x40, s15;
	[tilespmem:s14+$0x10] =	vst v3  }
0x110: {  	v3 =	vld [tilespmem:s17+$0x16EB8];
	_ =	sdelay $0x4  }
0x111: {  	(erf) = vrcp.f32 v3;
	_ =	sdelay $0x4  }
0x112: {  	s6 =	sadd.s32 $0x40, s14  }
0x113: {  	v4 =	vld [tilespmem:s6+$0xFFFFFFE0]  }
0x114: {  	v5 =	vld [tilespmem:s6+$0xFFFFFFF0]  }
0x115: {  	v6 =	vld [tilespmem:s6+$0x0]  }
0x116: {  	v7 =	vld [tilespmem:s6+$0x10];
	vm0 =	vgt.f32 v3, $0.0e+00;
	v3 =	vpop (erf)  }
0x117: {  	v3 =	vnsel vm0, $0x0, v3  }
0x118: {  	v4 =	vmul.f32 v3, v4  }
0x119: {  	v5 =	vmul.f32 v5, v3  }
0x11a: {  	v6 =	vmul.f32 v6, v3;
	[tilespmem:s6+$0xFFFFFFE0] =	vst v4  }
0x11b: {  	v3 =	vmul.f32 v7, v3;
	[tilespmem:s6+$0xFFFFFFF0] =	vst v5  }
0x11c: {  	[tilespmem:s6+$0x0] =	vst v6  }
0x11d: {  	s23 =	simm.s32 $0x0;
	s13 =	rddreg [dreg:$0x6];
	[tilespmem:s6+$0x10] =	vst v3  }
0x11e: {  	[hbm4b:s13+s23] =	stream.linear.scatter [tilespmem:s30], [sflag:$0x11], $0x1F40, $0x38;
	[tilespmem:$0x17688] =	vst v63  }
0x11f: {  	_ =	swait.ge [sflag:s31], $0x1F40  }
0x120: {  	[sflag:s31] =	ssyncset.done $0x0  }
0x121: {  	[sflag:s31] =	ssyncadd.s32 $0xFFFFE0C0  }
0x122: {  	[tilespmem:s30], [sflag:$0x11] =	stream.linear.gather [spmem:s9], $0x1F40, $0x38;
	[tilespmem:$0x17688] =	vst v63  }
0x123: {  	_ =	swait.ge [sflag:s31], $0x1F40  }
0x124: {  	[sflag:s31] =	ssyncset.done $0x0  }
0x125: {  	[sflag:s31] =	ssyncadd.s32 $0xFFFFE0C0  }
0x126: {  	[tilespmem:s0], [sflag:$0x11] =	stream.linear.gather [spmem:s10], $0x7D0, $0x38;
	[tilespmem:$0x17688] =	vst v63  }
0x127: {  	_ =	swait.ge [sflag:s31], $0x7D0  }
0x128: {  	[sflag:s31] =	ssyncset.done $0x0  }
0x129: {  	s25 =	simm.s32 $0x0;
	[sflag:s31] =	ssyncadd.s32 $0xFFFFF830  }
0x12a: {  	v3 =	vld [tilespmem:s25+$0x16EB8];
	_ =	sdelay $0x4  }
0x12b: {  	(erf) = vrcp.f32 v3;
	_ =	sdelay $0x4  }
0x12c: {  	s14 =	simm.s32 $0x14F98  }
0x12d: {  	v60 =	vld [tilespmem:s14+$0xFFFFFFE0]  }
0x12e: {  	v61 =	vld [tilespmem:s14+$0xFFFFFFF0]  }
0x12f: {  	v62 =	vld [tilespmem:s14+$0x0]  }
0x130: {  	v63 =	vld [tilespmem:s14+$0x10];
	vm15 =	vgt.f32 v3, $0.0e+00;
	v3 =	vpop (erf)  }
0x131: {  	v3 =	vnsel vm15, $0x0, v3  }
0x132: {  	v4 =	vmul.f32 v3, v60  }
0x133: {  	v5 =	vmul.f32 v61, v3  }
0x134: {  	v6 =	vmul.f32 v62, v3;
	[tilespmem:s14+$0xFFFFFFE0] =	vst v4  }
0x135: {  	v3 =	vmul.f32 v63, v3;
	[tilespmem:s14+$0xFFFFFFF0] =	vst v5  }
0x136: {  	[tilespmem:s14+$0x0] =	vst v6  }
0x137: {  	s17 =	simm.s32 $0x10;
	s15 =	simm.s32 $0x80;
	[tilespmem:s14+$0x10] =	vst v3  }
.LBB2_17:
0x138: {  	p0 =	sne.s32 s15, $0x1F00;
	v3 =	vld [tilespmem:s17+$0x16EB8];
	_ =	sdelay $0x4  }
0x139: {  	(erf) = vrcp.f32 v3;
	_ =	sdelay $0x2  }
0x13a: {  	s14 =	sadd.s32 $0x40, s14  }
0x13b: {  	v4 =	vld [tilespmem:s14+$0xFFFFFFF0]  }
0x13c: {  	v5 =	vld [tilespmem:s14+$0x10]  }
0x13d: {  	v6 =	vld [tilespmem:s14+$0xFFFFFFE0]  }
0x13e: {  	v7 =	vld [tilespmem:s14+$0x0];
	_ =	sdelay $0x1  }
0x13f: {  	vm0 =	vgt.f32 v3, $0.0e+00;
	v3 =	vpop (erf)  }
0x140: {  	v3 =	vnsel vm0, $0x0, v3  }
0x141: {  	v6 =	vmul.f32 v3, v6;
	v4 =	vmul.f32 v4, v3  }
.Ltmp10:
0x142: {  	v7 =	vmul.f32 v7, v3;
	v3 =	vmul.f32 v5, v3;
	(pc) =	sbr.rel @p0 .LBB2_17-.Ltmp10, $4  }
0x143: {  	[tilespmem:s14+$0xFFFFFFE0] =	vst v6  }
0x144: {  	[tilespmem:s14+$0xFFFFFFF0] =	vst v4  }
0x145: {  	[tilespmem:s14+$0x0] =	vst v7  }
0x146: {  	s17 =	sshra.s32 s15, $0x2;
	s15 =	sadd.s32 $0x40, s15;
	[tilespmem:s14+$0x10] =	vst v3  }
0x147: {  	v3 =	vld [tilespmem:s17+$0x16EB8];
	_ =	sdelay $0x4  }
0x148: {  	(erf) = vrcp.f32 v3;
	_ =	sdelay $0x4  }
0x149: {  	s6 =	sadd.s32 $0x40, s14  }
0x14a: {  	v4 =	vld [tilespmem:s6+$0xFFFFFFE0]  }
0x14b: {  	v5 =	vld [tilespmem:s6+$0xFFFFFFF0]  }
0x14c: {  	v6 =	vld [tilespmem:s6+$0x0]  }
0x14d: {  	v7 =	vld [tilespmem:s6+$0x10];
	vm0 =	vgt.f32 v3, $0.0e+00;
	v3 =	vpop (erf)  }
0x14e: {  	v3 =	vnsel vm0, $0x0, v3  }
0x14f: {  	v4 =	vmul.f32 v3, v4  }
0x150: {  	v5 =	vmul.f32 v5, v3  }
0x151: {  	v6 =	vmul.f32 v6, v3;
	[tilespmem:s6+$0xFFFFFFE0] =	vst v4  }
0x152: {  	v3 =	vmul.f32 v7, v3;
	[tilespmem:s6+$0xFFFFFFF0] =	vst v5  }
0x153: {  	[tilespmem:s6+$0x0] =	vst v6  }
0x154: {  	s23 =	simm.s32 $0x0;
	s13 =	rddreg [dreg:$0x7];
	[tilespmem:s6+$0x10] =	vst v3  }
0x155: {  	[hbm4b:s13+s23] =	stream.linear.scatter [tilespmem:s30], [sflag:$0x11], $0x1F40, $0x38;
	[tilespmem:$0x17688] =	vst v63  }
0x156: {  	_ =	swait.ge [sflag:s31], $0x1F40  }
0x157: {  	[sflag:s31] =	ssyncset.done $0x0  }
0x158: {  	[sflag:s31] =	ssyncadd.s32 $0xFFFFE0C0  }
0x159: {  	[tilespmem:s30], [sflag:$0x11] =	stream.linear.gather [spmem:s11], $0x1F40, $0x38;
	[tilespmem:$0x17688] =	vst v63  }
0x15a: {  	_ =	swait.ge [sflag:s31], $0x1F40  }
0x15b: {  	[sflag:s31] =	ssyncset.done $0x0  }
0x15c: {  	[sflag:s31] =	ssyncadd.s32 $0xFFFFE0C0  }
0x15d: {  	[tilespmem:s0], [sflag:$0x11] =	stream.linear.gather [spmem:s12], $0x7D0, $0x38;
	[tilespmem:$0x17688] =	vst v63  }
0x15e: {  	_ =	swait.ge [sflag:s31], $0x7D0  }
0x15f: {  	[sflag:s31] =	ssyncset.done $0x0  }
0x160: {  	s25 =	simm.s32 $0x0;
	[sflag:s31] =	ssyncadd.s32 $0xFFFFF830  }
0x161: {  	v3 =	vld [tilespmem:s25+$0x16EB8];
	_ =	sdelay $0x4  }
0x162: {  	(erf) = vrcp.f32 v3;
	_ =	sdelay $0x4  }
0x163: {  	s14 =	simm.s32 $0x14F98  }
0x164: {  	v60 =	vld [tilespmem:s14+$0xFFFFFFE0]  }
0x165: {  	v61 =	vld [tilespmem:s14+$0xFFFFFFF0]  }
0x166: {  	v62 =	vld [tilespmem:s14+$0x0]  }
0x167: {  	v63 =	vld [tilespmem:s14+$0x10];
	vm15 =	vgt.f32 v3, $0.0e+00;
	v3 =	vpop (erf)  }
0x168: {  	v3 =	vnsel vm15, $0x0, v3  }
0x169: {  	v4 =	vmul.f32 v3, v60  }
0x16a: {  	v5 =	vmul.f32 v61, v3  }
0x16b: {  	v6 =	vmul.f32 v62, v3;
	[tilespmem:s14+$0xFFFFFFE0] =	vst v4  }
0x16c: {  	v3 =	vmul.f32 v63, v3;
	[tilespmem:s14+$0xFFFFFFF0] =	vst v5  }
0x16d: {  	[tilespmem:s14+$0x0] =	vst v6  }
0x16e: {  	s17 =	simm.s32 $0x10;
	s15 =	simm.s32 $0x80;
	[tilespmem:s14+$0x10] =	vst v3  }
.LBB2_19:
0x16f: {  	p0 =	sne.s32 s15, $0x1F00;
	v3 =	vld [tilespmem:s17+$0x16EB8];
	_ =	sdelay $0x4  }
0x170: {  	(erf) = vrcp.f32 v3;
	_ =	sdelay $0x2  }
0x171: {  	s14 =	sadd.s32 $0x40, s14  }
0x172: {  	v4 =	vld [tilespmem:s14+$0xFFFFFFF0]  }
0x173: {  	v5 =	vld [tilespmem:s14+$0x10]  }
0x174: {  	v6 =	vld [tilespmem:s14+$0xFFFFFFE0]  }
0x175: {  	v7 =	vld [tilespmem:s14+$0x0];
	_ =	sdelay $0x1  }
0x176: {  	vm0 =	vgt.f32 v3, $0.0e+00;
	v3 =	vpop (erf)  }
0x177: {  	v3 =	vnsel vm0, $0x0, v3  }
0x178: {  	v6 =	vmul.f32 v3, v6;
	v4 =	vmul.f32 v4, v3  }
.Ltmp11:
0x179: {  	v7 =	vmul.f32 v7, v3;
	v3 =	vmul.f32 v5, v3;
	(pc) =	sbr.rel @p0 .LBB2_19-.Ltmp11, $4  }
0x17a: {  	[tilespmem:s14+$0xFFFFFFE0] =	vst v6  }
0x17b: {  	[tilespmem:s14+$0xFFFFFFF0] =	vst v4  }
0x17c: {  	[tilespmem:s14+$0x0] =	vst v7  }
0x17d: {  	s17 =	sshra.s32 s15, $0x2;
	s15 =	sadd.s32 $0x40, s15;
	[tilespmem:s14+$0x10] =	vst v3  }
0x17e: {  	v3 =	vld [tilespmem:s17+$0x16EB8];
	_ =	sdelay $0x4  }
0x17f: {  	(erf) = vrcp.f32 v3;
	_ =	sdelay $0x4  }
0x180: {  	s6 =	sadd.s32 $0x40, s14  }
0x181: {  	v4 =	vld [tilespmem:s6+$0xFFFFFFE0]  }
0x182: {  	v5 =	vld [tilespmem:s6+$0xFFFFFFF0]  }
0x183: {  	v6 =	vld [tilespmem:s6+$0x0]  }
0x184: {  	v7 =	vld [tilespmem:s6+$0x10];
	vm0 =	vgt.f32 v3, $0.0e+00;
	v3 =	vpop (erf)  }
0x185: {  	v3 =	vnsel vm0, $0x0, v3  }
0x186: {  	v4 =	vmul.f32 v3, v4  }
0x187: {  	v5 =	vmul.f32 v5, v3  }
0x188: {  	v6 =	vmul.f32 v6, v3;
	[tilespmem:s6+$0xFFFFFFE0] =	vst v4  }
0x189: {  	v3 =	vmul.f32 v7, v3;
	[tilespmem:s6+$0xFFFFFFF0] =	vst v5  }
0x18a: {  	[tilespmem:s6+$0x0] =	vst v6  }
0x18b: {  	s23 =	simm.s32 $0x0;
	s13 =	rddreg [dreg:$0x8];
	[tilespmem:s6+$0x10] =	vst v3  }
0x18c: {  	[hbm4b:s13+s23] =	stream.linear.scatter [tilespmem:s30], [sflag:$0x11], $0x1F40, $0x38;
	[tilespmem:$0x17688] =	vst v63  }
0x18d: {  	_ =	swait.ge [sflag:s31], $0x1F40  }
0x18e: {  	[sflag:s31] =	ssyncset.done $0x0  }
0x18f: {  	[sflag:s31] =	ssyncadd.s32 $0xFFFFE0C0  }
0x190: {  	[tilespmem:s30], [sflag:$0x11] =	stream.linear.gather [spmem:s18], $0x1F40, $0x38;
	[tilespmem:$0x17688] =	vst v63  }
0x191: {  	_ =	swait.ge [sflag:s31], $0x1F40  }
0x192: {  	[sflag:s31] =	ssyncset.done $0x0  }
0x193: {  	[sflag:s31] =	ssyncadd.s32 $0xFFFFE0C0  }
0x194: {  	[tilespmem:s0], [sflag:$0x11] =	stream.linear.gather [spmem:s19], $0x7D0, $0x38;
	[tilespmem:$0x17688] =	vst v63  }
0x195: {  	_ =	swait.ge [sflag:s31], $0x7D0  }
0x196: {  	[sflag:s31] =	ssyncset.done $0x0  }
0x197: {  	s25 =	simm.s32 $0x0;
	[sflag:s31] =	ssyncadd.s32 $0xFFFFF830  }
0x198: {  	v3 =	vld [tilespmem:s25+$0x16EB8];
	_ =	sdelay $0x4  }
0x199: {  	(erf) = vrcp.f32 v3;
	_ =	sdelay $0x4  }
0x19a: {  	s14 =	simm.s32 $0x14F98  }
0x19b: {  	v60 =	vld [tilespmem:s14+$0xFFFFFFE0]  }
0x19c: {  	v61 =	vld [tilespmem:s14+$0xFFFFFFF0]  }
0x19d: {  	v62 =	vld [tilespmem:s14+$0x0]  }
0x19e: {  	v63 =	vld [tilespmem:s14+$0x10];
	vm15 =	vgt.f32 v3, $0.0e+00;
	v3 =	vpop (erf)  }
0x19f: {  	v3 =	vnsel vm15, $0x0, v3  }
0x1a0: {  	v4 =	vmul.f32 v3, v60  }
0x1a1: {  	v5 =	vmul.f32 v61, v3  }
0x1a2: {  	v6 =	vmul.f32 v62, v3;
	[tilespmem:s14+$0xFFFFFFE0] =	vst v4  }
0x1a3: {  	v3 =	vmul.f32 v63, v3;
	[tilespmem:s14+$0xFFFFFFF0] =	vst v5  }
0x1a4: {  	[tilespmem:s14+$0x0] =	vst v6  }
0x1a5: {  	s17 =	simm.s32 $0x10;
	s15 =	simm.s32 $0x80;
	[tilespmem:s14+$0x10] =	vst v3  }
.LBB2_21:
0x1a6: {  	p0 =	sne.s32 s15, $0x1F00;
	v3 =	vld [tilespmem:s17+$0x16EB8];
	_ =	sdelay $0x4  }
0x1a7: {  	(erf) = vrcp.f32 v3;
	_ =	sdelay $0x2  }
0x1a8: {  	s14 =	sadd.s32 $0x40, s14  }
0x1a9: {  	v4 =	vld [tilespmem:s14+$0xFFFFFFF0]  }
0x1aa: {  	v5 =	vld [tilespmem:s14+$0x10]  }
0x1ab: {  	v6 =	vld [tilespmem:s14+$0xFFFFFFE0]  }
0x1ac: {  	v7 =	vld [tilespmem:s14+$0x0];
	_ =	sdelay $0x1  }
0x1ad: {  	vm0 =	vgt.f32 v3, $0.0e+00;
	v3 =	vpop (erf)  }
0x1ae: {  	v3 =	vnsel vm0, $0x0, v3  }
0x1af: {  	v6 =	vmul.f32 v3, v6;
	v4 =	vmul.f32 v4, v3  }
.Ltmp12:
0x1b0: {  	v7 =	vmul.f32 v7, v3;
	v3 =	vmul.f32 v5, v3;
	(pc) =	sbr.rel @p0 .LBB2_21-.Ltmp12, $4  }
0x1b1: {  	[tilespmem:s14+$0xFFFFFFE0] =	vst v6  }
0x1b2: {  	[tilespmem:s14+$0xFFFFFFF0] =	vst v4  }
0x1b3: {  	[tilespmem:s14+$0x0] =	vst v7  }
0x1b4: {  	s17 =	sshra.s32 s15, $0x2;
	s15 =	sadd.s32 $0x40, s15;
	[tilespmem:s14+$0x10] =	vst v3  }
0x1b5: {  	v3 =	vld [tilespmem:s17+$0x16EB8];
	_ =	sdelay $0x4  }
0x1b6: {  	(erf) = vrcp.f32 v3;
	_ =	sdelay $0x4  }
0x1b7: {  	s6 =	sadd.s32 $0x40, s14  }
0x1b8: {  	v4 =	vld [tilespmem:s6+$0xFFFFFFE0]  }
0x1b9: {  	v5 =	vld [tilespmem:s6+$0xFFFFFFF0]  }
0x1ba: {  	v6 =	vld [tilespmem:s6+$0x0]  }
0x1bb: {  	v7 =	vld [tilespmem:s6+$0x10];
	vm0 =	vgt.f32 v3, $0.0e+00;
	v3 =	vpop (erf)  }
0x1bc: {  	v3 =	vnsel vm0, $0x0, v3  }
0x1bd: {  	v4 =	vmul.f32 v3, v4  }
0x1be: {  	v5 =	vmul.f32 v5, v3  }
0x1bf: {  	v6 =	vmul.f32 v6, v3;
	[tilespmem:s6+$0xFFFFFFE0] =	vst v4  }
0x1c0: {  	v3 =	vmul.f32 v7, v3;
	[tilespmem:s6+$0xFFFFFFF0] =	vst v5  }
0x1c1: {  	[tilespmem:s6+$0x0] =	vst v6  }
0x1c2: {  	s23 =	simm.s32 $0x0;
	s13 =	rddreg [dreg:$0x9];
	[tilespmem:s6+$0x10] =	vst v3  }
0x1c3: {  	[hbm4b:s13+s23] =	stream.linear.scatter [tilespmem:s30], [sflag:$0x11], $0x1F40, $0x38;
	[tilespmem:$0x17688] =	vst v63  }
0x1c4: {  	_ =	swait.ge [sflag:s31], $0x1F40  }
0x1c5: {  	[sflag:s31] =	ssyncset.done $0x0  }
0x1c6: {  	[sflag:s31] =	ssyncadd.s32 $0xFFFFE0C0  }
0x1c7: {  	[tilespmem:s30], [sflag:$0x11] =	stream.linear.gather [spmem:s21], $0x1F40, $0x38;
	[tilespmem:$0x17688] =	vst v63  }
0x1c8: {  	_ =	swait.ge [sflag:s31], $0x1F40  }
0x1c9: {  	[sflag:s31] =	ssyncset.done $0x0  }
0x1ca: {  	[sflag:s31] =	ssyncadd.s32 $0xFFFFE0C0  }
0x1cb: {  	[tilespmem:s0], [sflag:$0x11] =	stream.linear.gather [spmem:s22], $0x7D0, $0x38;
	[tilespmem:$0x17688] =	vst v63  }
0x1cc: {  	_ =	swait.ge [sflag:s31], $0x7D0  }
0x1cd: {  	[sflag:s31] =	ssyncset.done $0x0  }
0x1ce: {  	s25 =	simm.s32 $0x0;
	[sflag:s31] =	ssyncadd.s32 $0xFFFFF830  }
0x1cf: {  	v3 =	vld [tilespmem:s25+$0x16EB8];
	_ =	sdelay $0x4  }
0x1d0: {  	(erf) = vrcp.f32 v3;
	_ =	sdelay $0x4  }
0x1d1: {  	s14 =	simm.s32 $0x14F98  }
0x1d2: {  	v60 =	vld [tilespmem:s14+$0xFFFFFFE0]  }
0x1d3: {  	v61 =	vld [tilespmem:s14+$0xFFFFFFF0]  }
0x1d4: {  	v62 =	vld [tilespmem:s14+$0x0]  }
0x1d5: {  	v63 =	vld [tilespmem:s14+$0x10];
	vm15 =	vgt.f32 v3, $0.0e+00;
	v3 =	vpop (erf)  }
0x1d6: {  	v3 =	vnsel vm15, $0x0, v3  }
0x1d7: {  	v4 =	vmul.f32 v3, v60  }
0x1d8: {  	v5 =	vmul.f32 v61, v3  }
0x1d9: {  	v6 =	vmul.f32 v62, v3;
	[tilespmem:s14+$0xFFFFFFE0] =	vst v4  }
0x1da: {  	v3 =	vmul.f32 v63, v3;
	[tilespmem:s14+$0xFFFFFFF0] =	vst v5  }
0x1db: {  	[tilespmem:s14+$0x0] =	vst v6  }
0x1dc: {  	s17 =	simm.s32 $0x10;
	s15 =	simm.s32 $0x80;
	[tilespmem:s14+$0x10] =	vst v3  }
.LBB2_23:
0x1dd: {  	p0 =	sne.s32 s15, $0x1F00;
	v3 =	vld [tilespmem:s17+$0x16EB8];
	_ =	sdelay $0x4  }
0x1de: {  	(erf) = vrcp.f32 v3;
	_ =	sdelay $0x2  }
0x1df: {  	s14 =	sadd.s32 $0x40, s14  }
0x1e0: {  	v4 =	vld [tilespmem:s14+$0xFFFFFFF0]  }
0x1e1: {  	v5 =	vld [tilespmem:s14+$0x10]  }
0x1e2: {  	v6 =	vld [tilespmem:s14+$0xFFFFFFE0]  }
0x1e3: {  	v7 =	vld [tilespmem:s14+$0x0];
	_ =	sdelay $0x1  }
0x1e4: {  	vm0 =	vgt.f32 v3, $0.0e+00;
	v3 =	vpop (erf)  }
0x1e5: {  	v3 =	vnsel vm0, $0x0, v3  }
0x1e6: {  	v6 =	vmul.f32 v3, v6;
	v4 =	vmul.f32 v4, v3  }
.Ltmp13:
0x1e7: {  	v7 =	vmul.f32 v7, v3;
	v3 =	vmul.f32 v5, v3;
	(pc) =	sbr.rel @p0 .LBB2_23-.Ltmp13, $4  }
0x1e8: {  	[tilespmem:s14+$0xFFFFFFE0] =	vst v6  }
0x1e9: {  	[tilespmem:s14+$0xFFFFFFF0] =	vst v4  }
0x1ea: {  	[tilespmem:s14+$0x0] =	vst v7  }
0x1eb: {  	s17 =	sshra.s32 s15, $0x2;
	s15 =	sadd.s32 $0x40, s15;
	[tilespmem:s14+$0x10] =	vst v3  }
0x1ec: {  	v3 =	vld [tilespmem:s17+$0x16EB8];
	_ =	sdelay $0x4  }
0x1ed: {  	(erf) = vrcp.f32 v3;
	_ =	sdelay $0x4  }
0x1ee: {  	s6 =	sadd.s32 $0x40, s14  }
0x1ef: {  	v4 =	vld [tilespmem:s6+$0xFFFFFFE0]  }
0x1f0: {  	v5 =	vld [tilespmem:s6+$0xFFFFFFF0]  }
0x1f1: {  	v6 =	vld [tilespmem:s6+$0x0]  }
0x1f2: {  	v7 =	vld [tilespmem:s6+$0x10];
	vm0 =	vgt.f32 v3, $0.0e+00;
	v3 =	vpop (erf)  }
0x1f3: {  	v3 =	vnsel vm0, $0x0, v3  }
0x1f4: {  	v4 =	vmul.f32 v3, v4  }
0x1f5: {  	v5 =	vmul.f32 v5, v3  }
0x1f6: {  	v6 =	vmul.f32 v6, v3;
	[tilespmem:s6+$0xFFFFFFE0] =	vst v4  }
0x1f7: {  	v3 =	vmul.f32 v7, v3;
	[tilespmem:s6+$0xFFFFFFF0] =	vst v5  }
0x1f8: {  	[tilespmem:s6+$0x0] =	vst v6  }
0x1f9: {  	s23 =	simm.s32 $0x0;
	s13 =	rddreg [dreg:$0xa];
	[tilespmem:s6+$0x10] =	vst v3  }
0x1fa: {  	[hbm4b:s13+s23] =	stream.linear.scatter [tilespmem:s30], [sflag:$0x11], $0x1F40, $0x38;
	[tilespmem:$0x17688] =	vst v63  }
0x1fb: {  	_ =	swait.ge [sflag:s31], $0x1F40  }
0x1fc: {  	s20 =	sadd.s32 $0x1, s20;
	s25 =	rddreg [dreg:$0xc]  }
0x1fd: {  	p0 =	sne.s32 s20, s25  }
.Ltmp14:
0x1fe: {  	_ = 	snop;
	(pc) =	sbr.rel @p0 .LBB2_1-.Ltmp14, $3  }
0x1ff: {  	_ =	sdelay $0x1  }
0x200: {  	[sflag:s31] =	ssyncset.done $0x0  }
0x201: {  	[sflag:s31] =	ssyncadd.s32 $0xFFFFE0C0  }
0x202: {  	_ =	sfence.sel $0x180000  }
0x203: {  	[bflag:$0x0] =	sbarrier.arrive $0xFFFF  }
0x204: {  	_ =	strace $0x90000047  }
0x205: {  	s0 =	stileid.u32;
	[bflag:$0x2] =	sbarrier.arrive $0xFFFF  }
0x206: {  	p0 =	sne.s32 s0, $0x0;
	s0 =	rddreg [dreg:$0x4]  }
0x207: {  	s0 =	sadd.s32 @!p0 $0x100000, s0  }
0x208: {  	[sflag:s0] =	ssyncadd.tile.s32 @!p0 $0x1;
	_ =	shalt  }
.Lfunc_end2:
_tile_overlayer_lowered:
.L_overlay_start_2:
0x209: {  	(tag) =	ssettag $0x2  }
0x20a: {  	s0 =	rddreg [dreg:$0x0];
	s2 =	stileid.u32  }
0x20b: {  	s1 =	rddreg [dreg:$0x1];
	p0 =	sne.s32 s2, $0x0  }
0x20c: {  	s3 =	rddreg [dreg:$0x2];
	[bflag:$0x3] =	sbarrier.arrive $0xFFFF;
	s2 =	simm.s32 @!p0 $0x1C11  }
0x20d: {  	[timem:s3], [sflag:s2] =	dma.local @!p0 [hbm:s0], s1  }
0x20e: {  	s0 =	simm.s32 @!p0 $0x11  }
0x20f: {  	_ =	swait.ge @!p0 [sflag:s0], s1  }
0x210: {  	s1 =	ssub.s32 @!p0 $0x0, s1;
	[sflag:s0] =	ssyncset.done @!p0 $0x0  }
0x211: {  	[sflag:s0] =	ssyncadd.s32 @!p0 s1  }
0x212: {  	[bflag:$0x3] =	sbarrier.arrive $0xFFFF  }
0x213: {  	_ =	shalt  }

</sc_bundles>
